<compile_context>
chip_gen: v7x
topology: tpu7x:2x2x1
jax: 0.10.2.dev20260603
libtpu: 0.0.44.dev20260713+nightly
codegen_flags: <defaults>
</compile_context>

<pallas_src>
import functools

import jax
import jax.numpy as jnp
from jax import lax
from jax.experimental import pallas as pl
from jax.experimental.pallas import tpu as pltpu
from jax.experimental.pallas import tpu_sc as plsc

EMB = 128
PKW = EMB // 2
N_NODES = 100000
CHUNK = 160
N_CHUNKS = N_NODES // CHUNK
N_WORKERS = 32
N_LO = N_CHUNKS // N_WORKERS
N_EXTRA = N_CHUNKS % N_WORKERS
XW = CHUNK * 9
ROWS = 120 + 5 * 13 + 13 * 11 + 7 * 7 * 3 * 3
NGRP = 4


def _sc_embed(xf, tbl):
    mesh = plsc.VectorSubcoreMesh(core_axis_name="c", subcore_axis_name="s")

    @functools.partial(
        pl.kernel,
        out_type=jax.ShapeDtypeStruct((N_NODES, EMB), jnp.float32),
        mesh=mesh,
        scratch_types=[
            pltpu.VMEM((ROWS * PKW,), jnp.int32),
            pltpu.VMEM((2 * XW,), jnp.int32),
            pltpu.VMEM((NGRP * CHUNK,), jnp.int32),
            pltpu.VMEM((2 * CHUNK, EMB), jnp.float32),
            pltpu.SemaphoreType.DMA,
            pltpu.SemaphoreType.DMA((2,)),
        ],
        compiler_params=pltpu.CompilerParams(needs_layout_passes=False),
    )
    def k(x_hbm, tbl_hbm, out_hbm, tbl_v, xb_v, cidx_v, ob_v, xsem, osem):
        wid = (lax.axis_index("s") * 2 + lax.axis_index("c")).astype(jnp.int32)
        nw = jnp.where(wid < N_EXTRA, N_LO + 1, N_LO)
        start = wid * N_LO + jnp.minimum(wid, N_EXTRA)
        pltpu.sync_copy(tbl_hbm, tbl_v)
        lane = lax.iota(jnp.int32, 16)
        cols = [lane + 16 * j for j in range(4)]
        lane9 = [lane * 9 + f for f in range(9)]
        gbase = [jnp.full((16,), g * CHUNK, jnp.int32) for g in range(NGRP)]

        def xsrc(cid):
            return x_hbm.at[pl.ds(cid * XW, XW)]

        def xdst(buf):
            return xb_v.at[pl.ds(buf * XW, XW)]

        def osrc(buf):
            return ob_v.at[pl.ds(buf * CHUNK, CHUNK), :]

        def odst(cid):
            return out_hbm.at[pl.ds(cid * CHUNK, CHUNK), :]

        pltpu.async_copy(xsrc(start), xdst(0), xsem)

        def chunk_body(t, carry):
            buf = lax.rem(t, 2)
            cid = start + t

            @pl.when(t >= 2)
            def _():
                pltpu.make_async_copy(osrc(buf), odst(cid - 2),
                                      osem.at[buf]).wait()

            pltpu.make_async_copy(xsrc(cid), xdst(buf), xsem).wait()

            @pl.when(t + 1 < nw)
            def _():
                pltpu.async_copy(xsrc(cid + 1), xdst(1 - buf), xsem)

            xoff = buf * XW
            for b in range(CHUNK // 16):
                bb = jnp.broadcast_to(xoff + b * 144, (16,)).astype(jnp.int32)
                xv = [plsc.load_gather(xb_v, [bb + lane9[f]])
                      for f in range(9)]
                o = b * 16
                cidx_v[pl.ds(0 * CHUNK + o, 16)] = xv[0] * PKW
                cidx_v[pl.ds(1 * CHUNK + o, 16)] = (
                    (xv[1] * 13 + xv[2] + 120) * PKW)
                cidx_v[pl.ds(2 * CHUNK + o, 16)] = (
                    (xv[3] * 11 + xv[4] + 185) * PKW)
                cidx_v[pl.ds(3 * CHUNK + o, 16)] = (
                    ((xv[5] * 7 + xv[6]) * 9 + xv[7] * 3 + xv[8] + 328) * PKW)

            obase = buf * CHUNK

            @plsc.parallel_loop(0, CHUNK, 1, unroll=1)
            def node_body(c):
                c16 = jnp.broadcast_to(c, (16,)).astype(jnp.int32)
                accl = [None] * 4
                acch = [None] * 4
                for g in range(NGRP):
                    rb16 = plsc.load_gather(cidx_v, [gbase[g] + c16])
                    for j in range(4):
                        v = plsc.load_gather(tbl_v, [rb16 + cols[j]])
                        vl = lax.bitcast_convert_type(v, jnp.float32)
                        vh = lax.bitcast_convert_type(
                            lax.shift_left(v, 16), jnp.float32)
                        accl[j] = vl if g == 0 else accl[j] + vl
                        acch[j] = vh if g == 0 else acch[j] + vh
                ob = obase + c
                for j in range(4):
                    ob_v[ob, pl.ds(16 * j, 16)] = accl[j]
                for j in range(4):
                    ob_v[ob, pl.ds(64 + 16 * j, 16)] = acch[j]

            pltpu.async_copy(osrc(buf), odst(cid), osem.at[buf])
            return carry

        lax.fori_loop(0, nw, chunk_body, 0)
        lastb = lax.rem(nw, 2)
        pltpu.make_async_copy(osrc(lastb), odst(start), osem.at[lastb]).wait()
        pltpu.make_async_copy(osrc(1 - lastb), odst(start),
                              osem.at[1 - lastb]).wait()

    return k(xf, tbl)


def kernel(x, t0, t1, t2, t3, t4, t5, t6, t7, t8):
    t12 = (t1[:, None, :] + t2[None, :, :]).reshape(-1, EMB)
    t34 = (t3[:, None, :] + t4[None, :, :]).reshape(-1, EMB)
    t5678 = (t5[:, None, None, None, :] + t6[None, :, None, None, :]
             + t7[None, None, :, None, :]
             + t8[None, None, None, :, :]).reshape(-1, EMB)
    tbl = jnp.concatenate([t0, t12, t34, t5678], axis=0)
    tb = tbl.astype(jnp.bfloat16).astype(jnp.float32)
    hi = lax.bitcast_convert_type(tb[:, :PKW], jnp.int32)
    lo = lax.bitcast_convert_type(tb[:, PKW:], jnp.int32)
    packed = (hi & jnp.int32(-65536)) | lax.shift_right_logical(lo, 16)
    xf = x.reshape(-1).astype(jnp.int32)
    out = _sc_embed(xf, packed.reshape(-1))
    return out.reshape(x.shape[0], x.shape[1], EMB)

# --- scband reference (transcript-rebuilt; emitter-appended) ---
"""Pipeline reference for scband-atom-encoder-1425929142771 (READ-ONLY COPY).

The authoritative reference and input builder live on the scoring server;
editing this copy changes nothing except your own understanding.
"""

import jax, jax.numpy as jnp
import numpy as np

FEATURE_DIMS = [119, 4, 12, 12, 10, 6, 6, 2, 2]
EMB_DIM = 128
B, N = 100, 1000


def _xavier_uniform(key, shape):
    fan_in, fan_out = shape[0], shape[1]
    a = np.sqrt(6.0 / (fan_in + fan_out))
    return jax.random.uniform(key, shape, dtype=jnp.float32, minval=-a, maxval=a)


def setup_inputs(seed: int = 0) -> dict:
    key = jax.random.key(seed)
    kx, key = jax.random.split(key)
    # indices in [0, 3): valid for every table (smallest table has 3 rows)
    x = jax.random.randint(kx, (B, N, 9), 0, 3, dtype=jnp.int32)
    inp = {"x": x}
    for i, d in enumerate(FEATURE_DIMS):
        key, kt = jax.random.split(key)
        inp[f"t{i}"] = _xavier_uniform(kt, (d + 1, EMB_DIM))
    return inp


def reference(x, t0, t1, t2, t3, t4, t5, t6, t7, t8):
    tables = [t0, t1, t2, t3, t4, t5, t6, t7, t8]
    out = jnp.zeros((x.shape[0], x.shape[1], EMB_DIM), dtype=jnp.float32)
    for i in range(x.shape[2]):
        out = out + jnp.take(tables[i], x[:, :, i], axis=0)
    return out

if __name__ == "__main__":
    import jax
    _d = setup_inputs()
    print(jax.jit(kernel)(*tuple(_d.values())))

</pallas_src>

<mosaic_0001>
#map = affine_map<(d0, d1) -> (0)>
#map1 = affine_map<(d0, d1) -> (0, 0)>
module attributes {stable_mosaic.version = 14 : i64} {
  func.func @k(%arg0: i32, %arg1: i32, %arg2: memref<900000xi32, #tpu.memory_space<hbm>>, %arg3: memref<49216xi32, #tpu.memory_space<hbm>>, %arg4: memref<100000x128xf32, #tpu.memory_space<hbm>>, %arg5: memref<49216xi32, #tpu.memory_space<vmem>>, %arg6: memref<2880xi32, #tpu.memory_space<vmem>>, %arg7: memref<640xi32, #tpu.memory_space<vmem>>, %arg8: memref<320x128xf32, #tpu.memory_space<vmem>>, %arg9: memref<!tpu.dma_semaphore, #tpu.memory_space<semaphore_mem>>, %arg10: memref<2x!tpu.dma_semaphore, #tpu.memory_space<semaphore_mem>>) attributes {dimension_semantics = [#tpu.dimension_semantics<core_parallel>, #tpu.dimension_semantics<subcore_parallel>], iteration_bounds = array<i64: 2, 16>, scalar_prefetch = 0 : i64, scratch_operands = 6 : i64, tpu.core_type = #tpu.core_type<sc_vector_subcore>, window_params = [{transform_indices = #map}, {transform_indices = #map}, {transform_indices = #map1}]} {
    %mul3A = arith.constant 2 : i32
    %mul3A_0 = arith.muli %arg1, %mul3A : i32
    %add3A = arith.addi %mul3A_0, %arg0 : i32
    %lt3A = arith.constant 17 : i32
    %lt3A_1 = arith.cmpi slt, %add3A, %lt3A : i32
    %jit3A = arith.constant 20 : i32
    %jit3A_2 = arith.constant 19 : i32
    %select_n3A = arith.select %lt3A_1, %jit3A, %jit3A_2 : i32
    %mul3A_3 = arith.constant 19 : i32
    %mul3A_4 = arith.muli %add3A, %mul3A_3 : i32
    %min3A = arith.constant 17 : i32
    %min3A_5 = arith.minsi %add3A, %min3A : i32
    %add3A_6 = arith.addi %mul3A_4, %min3A_5 : i32
    "tpu.region"() ({
      %run_scoped3A = tpu.sem_alloc : memref<!tpu.dma_semaphore, #tpu.memory_space<semaphore_mem>>
      tpu.enqueue_dma source(%arg3 : memref<49216xi32, #tpu.memory_space<hbm>>) target(%arg5 : memref<49216xi32, #tpu.memory_space<vmem>>) target_semaphore(%run_scoped3A : memref<!tpu.dma_semaphore, #tpu.memory_space<semaphore_mem>>)
      tpu.wait_dma2 semaphore(%run_scoped3A : memref<!tpu.dma_semaphore, #tpu.memory_space<semaphore_mem>>) src(%arg3 : memref<49216xi32, #tpu.memory_space<hbm>>) dst(%arg5 : memref<49216xi32, #tpu.memory_space<vmem>>)
      tpu.yield
    }) : () -> ()
    %iota3A = tpu.iota {dimensions = array<i32: 0>} : vector<16xi32>
    %add3A_7 = arith.constant 0 : i32
    %add3A_8 = vector.broadcast %add3A_7 : i32 to vector<16xi32>
    %add3A_9 = arith.addi %iota3A, %add3A_8 : vector<16xi32>
    %add3A_10 = arith.constant 16 : i32
    %add3A_11 = vector.broadcast %add3A_10 : i32 to vector<16xi32>
    %add3A_12 = arith.addi %iota3A, %add3A_11 : vector<16xi32>
    %add3A_13 = arith.constant 32 : i32
    %add3A_14 = vector.broadcast %add3A_13 : i32 to vector<16xi32>
    %add3A_15 = arith.addi %iota3A, %add3A_14 : vector<16xi32>
    %add3A_16 = arith.constant 48 : i32
    %add3A_17 = vector.broadcast %add3A_16 : i32 to vector<16xi32>
    %add3A_18 = arith.addi %iota3A, %add3A_17 : vector<16xi32>
    %mul3A_19 = arith.constant 9 : i32
    %mul3A_20 = vector.broadcast %mul3A_19 : i32 to vector<16xi32>
    %mul3A_21 = arith.muli %iota3A, %mul3A_20 : vector<16xi32>
    %add3A_22 = arith.constant 0 : i32
    %add3A_23 = vector.broadcast %add3A_22 : i32 to vector<16xi32>
    %add3A_24 = arith.addi %mul3A_21, %add3A_23 : vector<16xi32>
    %mul3A_25 = arith.constant 9 : i32
    %mul3A_26 = vector.broadcast %mul3A_25 : i32 to vector<16xi32>
    %mul3A_27 = arith.muli %iota3A, %mul3A_26 : vector<16xi32>
    %add3A_28 = arith.constant 1 : i32
    %add3A_29 = vector.broadcast %add3A_28 : i32 to vector<16xi32>
    %add3A_30 = arith.addi %mul3A_27, %add3A_29 : vector<16xi32>
    %mul3A_31 = arith.constant 9 : i32
    %mul3A_32 = vector.broadcast %mul3A_31 : i32 to vector<16xi32>
    %mul3A_33 = arith.muli %iota3A, %mul3A_32 : vector<16xi32>
    %add3A_34 = arith.constant 2 : i32
    %add3A_35 = vector.broadcast %add3A_34 : i32 to vector<16xi32>
    %add3A_36 = arith.addi %mul3A_33, %add3A_35 : vector<16xi32>
    %mul3A_37 = arith.constant 9 : i32
    %mul3A_38 = vector.broadcast %mul3A_37 : i32 to vector<16xi32>
    %mul3A_39 = arith.muli %iota3A, %mul3A_38 : vector<16xi32>
    %add3A_40 = arith.constant 3 : i32
    %add3A_41 = vector.broadcast %add3A_40 : i32 to vector<16xi32>
    %add3A_42 = arith.addi %mul3A_39, %add3A_41 : vector<16xi32>
    %mul3A_43 = arith.constant 9 : i32
    %mul3A_44 = vector.broadcast %mul3A_43 : i32 to vector<16xi32>
    %mul3A_45 = arith.muli %iota3A, %mul3A_44 : vector<16xi32>
    %add3A_46 = arith.constant 4 : i32
    %add3A_47 = vector.broadcast %add3A_46 : i32 to vector<16xi32>
    %add3A_48 = arith.addi %mul3A_45, %add3A_47 : vector<16xi32>
    %mul3A_49 = arith.constant 9 : i32
    %mul3A_50 = vector.broadcast %mul3A_49 : i32 to vector<16xi32>
    %mul3A_51 = arith.muli %iota3A, %mul3A_50 : vector<16xi32>
    %add3A_52 = arith.constant 5 : i32
    %add3A_53 = vector.broadcast %add3A_52 : i32 to vector<16xi32>
    %add3A_54 = arith.addi %mul3A_51, %add3A_53 : vector<16xi32>
    %mul3A_55 = arith.constant 9 : i32
    %mul3A_56 = vector.broadcast %mul3A_55 : i32 to vector<16xi32>
    %mul3A_57 = arith.muli %iota3A, %mul3A_56 : vector<16xi32>
    %add3A_58 = arith.constant 6 : i32
    %add3A_59 = vector.broadcast %add3A_58 : i32 to vector<16xi32>
    %add3A_60 = arith.addi %mul3A_57, %add3A_59 : vector<16xi32>
    %mul3A_61 = arith.constant 9 : i32
    %mul3A_62 = vector.broadcast %mul3A_61 : i32 to vector<16xi32>
    %mul3A_63 = arith.muli %iota3A, %mul3A_62 : vector<16xi32>
    %add3A_64 = arith.constant 7 : i32
    %add3A_65 = vector.broadcast %add3A_64 : i32 to vector<16xi32>
    %add3A_66 = arith.addi %mul3A_63, %add3A_65 : vector<16xi32>
    %mul3A_67 = arith.constant 9 : i32
    %mul3A_68 = vector.broadcast %mul3A_67 : i32 to vector<16xi32>
    %mul3A_69 = arith.muli %iota3A, %mul3A_68 : vector<16xi32>
    %add3A_70 = arith.constant 8 : i32
    %add3A_71 = vector.broadcast %add3A_70 : i32 to vector<16xi32>
    %add3A_72 = arith.addi %mul3A_69, %add3A_71 : vector<16xi32>
    %broadcast_in_dim3A = arith.constant 0 : i32
    %broadcast_in_dim3A_73 = vector.broadcast %broadcast_in_dim3A : i32 to vector<16xi32>
    %broadcast_in_dim3A_74 = arith.constant 160 : i32
    %broadcast_in_dim3A_75 = vector.broadcast %broadcast_in_dim3A_74 : i32 to vector<16xi32>
    %broadcast_in_dim3A_76 = arith.constant 320 : i32
    %broadcast_in_dim3A_77 = vector.broadcast %broadcast_in_dim3A_76 : i32 to vector<16xi32>
    %broadcast_in_dim3A_78 = arith.constant 480 : i32
    %broadcast_in_dim3A_79 = vector.broadcast %broadcast_in_dim3A_78 : i32 to vector<16xi32>
    %mul3A_80 = arith.constant 1440 : i32
    %mul3A_81 = arith.muli %add3A_6, %mul3A_80 : i32
    %dma_start3A = arith.constant 0 : i32
    %dma_start3A_82 = tpu.memref_slice %arg6[%dma_start3A] : memref<2880xi32, #tpu.memory_space<vmem>> -> memref<1440xi32, #tpu.memory_space<vmem>>
    %dma_start3A_83 = tpu.memref_slice %arg2[%mul3A_81] : memref<900000xi32, #tpu.memory_space<hbm>> -> memref<1440xi32, #tpu.memory_space<hbm>>
    %dma_start3A_84 = arith.constant 0 : i32
    %dma_start3A_85 = tpu.memref_slice %arg6[%dma_start3A_84] : memref<2880xi32, #tpu.memory_space<vmem>> -> memref<1440xi32, #tpu.memory_space<vmem>>
    %dma_start3A_86 = tpu.memref_slice %arg2[%mul3A_81] : memref<900000xi32, #tpu.memory_space<hbm>> -> memref<1440xi32, #tpu.memory_space<hbm>>
    tpu.enqueue_dma source(%dma_start3A_86 : memref<1440xi32, #tpu.memory_space<hbm>>) target(%dma_start3A_85 : memref<1440xi32, #tpu.memory_space<vmem>>) target_semaphore(%arg9 : memref<!tpu.dma_semaphore, #tpu.memory_space<semaphore_mem>>)
    %while3A = arith.constant 0 : i32
    %while3A_87 = arith.constant 0 : i32
    %while3A_88 = arith.subi %select_n3A, %while3A_87 : i32
    %while3A_89 = arith.addi %while3A_87, %while3A_88 : i32
    %while3A_90 = arith.constant 1 : i32
    %while3A_91 = arith.divsi %while3A_88, %while3A_90 : i32
    %while3A_92 = arith.muli %while3A_91, %while3A_90 : i32
    %while3A_93 = arith.addi %while3A_87, %while3A_92 : i32
    %while3A_94 = arith.constant 1 : i32
    scf.for %while3A_127 = %while3A_87 to %while3A_93 step %while3A_94  : i32 {
      %rem3A_128 = arith.constant 2 : i32
      %rem3A_129 = arith.remsi %while3A_127, %rem3A_128 : i32
      %add3A_130 = arith.addi %add3A_6, %while3A_127 : i32
      %ge3A = arith.constant 2 : i32
      %ge3A_131 = arith.cmpi sge, %while3A_127, %ge3A : i32
      %convert_element_type3A = arith.extui %ge3A_131 : i1 to i32
      %cond3A = arith.constant 0 : i32
      %cond3A_132 = arith.cmpi ne, %convert_element_type3A, %cond3A : i32
      scf.if %cond3A_132 {
        %mul3A_865 = arith.constant 160 : i32
        %mul3A_866 = arith.muli %rem3A_129, %mul3A_865 : i32
        %sub3A_867 = arith.constant 2 : i32
        %sub3A_868 = arith.subi %add3A_130, %sub3A_867 : i32
        %mul3A_869 = arith.constant 160 : i32
        %mul3A_870 = arith.muli %sub3A_868, %mul3A_869 : i32
        %dma_wait3A_871 = arith.constant 0 : i32
        %dma_wait3A_872 = tpu.memref_slice %arg8[%mul3A_866, %dma_wait3A_871] : memref<320x128xf32, #tpu.memory_space<vmem>> -> memref<160x128xf32, #tpu.memory_space<vmem>>
        %dma_wait3A_873 = arith.constant 0 : i32
        %dma_wait3A_874 = tpu.memref_slice %arg4[%mul3A_870, %dma_wait3A_873] : memref<100000x128xf32, #tpu.memory_space<hbm>> -> memref<160x128xf32, #tpu.memory_space<hbm>>
        %dma_wait3A_875 = tpu.memref_slice %arg10[%rem3A_129] : memref<2x!tpu.dma_semaphore, #tpu.memory_space<semaphore_mem>> -> memref<1x!tpu.dma_semaphore, #tpu.memory_space<semaphore_mem>>
        %dma_wait3A_876 = tpu.memref_squeeze %dma_wait3A_875 : memref<1x!tpu.dma_semaphore, #tpu.memory_space<semaphore_mem>> -> memref<!tpu.dma_semaphore, #tpu.memory_space<semaphore_mem>>
        %dma_wait3A_877 = arith.constant 0 : i32
        %dma_wait3A_878 = tpu.memref_slice %arg4[%mul3A_870, %dma_wait3A_877] : memref<100000x128xf32, #tpu.memory_space<hbm>> -> memref<160x128xf32, #tpu.memory_space<hbm>>
        %dma_wait3A_879 = arith.constant 0 : i32
        %dma_wait3A_880 = tpu.memref_slice %arg8[%mul3A_866, %dma_wait3A_879] : memref<320x128xf32, #tpu.memory_space<vmem>> -> memref<160x128xf32, #tpu.memory_space<vmem>>
        tpu.wait_dma2 semaphore(%dma_wait3A_876 : memref<!tpu.dma_semaphore, #tpu.memory_space<semaphore_mem>>) src(%dma_wait3A_880 : memref<160x128xf32, #tpu.memory_space<vmem>>) dst(%dma_wait3A_878 : memref<160x128xf32, #tpu.memory_space<hbm>>)
      } else {
      }
      %mul3A_133 = arith.constant 1440 : i32
      %mul3A_134 = arith.muli %add3A_130, %mul3A_133 : i32
      %mul3A_135 = arith.constant 1440 : i32
      %mul3A_136 = arith.muli %rem3A_129, %mul3A_135 : i32
      %dma_wait3A_137 = tpu.memref_slice %arg6[%mul3A_136] : memref<2880xi32, #tpu.memory_space<vmem>> -> memref<1440xi32, #tpu.memory_space<vmem>>
      %dma_wait3A_138 = tpu.memref_slice %arg2[%mul3A_134] : memref<900000xi32, #tpu.memory_space<hbm>> -> memref<1440xi32, #tpu.memory_space<hbm>>
      %dma_wait3A_139 = tpu.memref_slice %arg6[%mul3A_136] : memref<2880xi32, #tpu.memory_space<vmem>> -> memref<1440xi32, #tpu.memory_space<vmem>>
      %dma_wait3A_140 = tpu.memref_slice %arg2[%mul3A_134] : memref<900000xi32, #tpu.memory_space<hbm>> -> memref<1440xi32, #tpu.memory_space<hbm>>
      tpu.wait_dma2 semaphore(%arg9 : memref<!tpu.dma_semaphore, #tpu.memory_space<semaphore_mem>>) src(%dma_wait3A_140 : memref<1440xi32, #tpu.memory_space<hbm>>) dst(%dma_wait3A_139 : memref<1440xi32, #tpu.memory_space<vmem>>)
      %add3A_141 = arith.constant 1 : i32
      %add3A_142 = arith.addi %while3A_127, %add3A_141 : i32
      %lt3A_143 = arith.cmpi slt, %add3A_142, %select_n3A : i32
      %convert_element_type3A_144 = arith.extui %lt3A_143 : i1 to i32
      %cond3A_145 = arith.constant 0 : i32
      %cond3A_146 = arith.cmpi ne, %convert_element_type3A_144, %cond3A_145 : i32
      scf.if %cond3A_146 {
        %add3A_865 = arith.constant 1 : i32
        %add3A_866 = arith.addi %add3A_130, %add3A_865 : i32
        %mul3A_867 = arith.constant 1440 : i32
        %mul3A_868 = arith.muli %add3A_866, %mul3A_867 : i32
        %sub3A_869 = arith.constant 1 : i32
        %sub3A_870 = arith.subi %sub3A_869, %rem3A_129 : i32
        %mul3A_871 = arith.constant 1440 : i32
        %mul3A_872 = arith.muli %sub3A_870, %mul3A_871 : i32
        %dma_start3A_873 = tpu.memref_slice %arg6[%mul3A_872] : memref<2880xi32, #tpu.memory_space<vmem>> -> memref<1440xi32, #tpu.memory_space<vmem>>
        %dma_start3A_874 = tpu.memref_slice %arg2[%mul3A_868] : memref<900000xi32, #tpu.memory_space<hbm>> -> memref<1440xi32, #tpu.memory_space<hbm>>
        %dma_start3A_875 = tpu.memref_slice %arg6[%mul3A_872] : memref<2880xi32, #tpu.memory_space<vmem>> -> memref<1440xi32, #tpu.memory_space<vmem>>
        %dma_start3A_876 = tpu.memref_slice %arg2[%mul3A_868] : memref<900000xi32, #tpu.memory_space<hbm>> -> memref<1440xi32, #tpu.memory_space<hbm>>
        tpu.enqueue_dma source(%dma_start3A_876 : memref<1440xi32, #tpu.memory_space<hbm>>) target(%dma_start3A_875 : memref<1440xi32, #tpu.memory_space<vmem>>) target_semaphore(%arg9 : memref<!tpu.dma_semaphore, #tpu.memory_space<semaphore_mem>>)
      } else {
      }
      %mul3A_147 = arith.constant 1440 : i32
      %mul3A_148 = arith.muli %rem3A_129, %mul3A_147 : i32
      %add3A_149 = arith.constant 0 : i32
      %add3A_150 = arith.addi %mul3A_148, %add3A_149 : i32
      %broadcast_in_dim3A_151 = vector.broadcast %add3A_150 : i32 to vector<16xi32>
      %add3A_152 = arith.addi %broadcast_in_dim3A_151, %add3A_24 : vector<16xi32>
      %gather3A = tpu.vector_load_idx %arg6[%add3A_152] : memref<2880xi32, #tpu.memory_space<vmem>>[vector<16xi32>], vector<16xi32>,
      %add3A_153 = arith.addi %broadcast_in_dim3A_151, %add3A_30 : vector<16xi32>
      %gather3A_154 = tpu.vector_load_idx %arg6[%add3A_153] : memref<2880xi32, #tpu.memory_space<vmem>>[vector<16xi32>], vector<16xi32>,
      %add3A_155 = arith.addi %broadcast_in_dim3A_151, %add3A_36 : vector<16xi32>
      %gather3A_156 = tpu.vector_load_idx %arg6[%add3A_155] : memref<2880xi32, #tpu.memory_space<vmem>>[vector<16xi32>], vector<16xi32>,
      %add3A_157 = arith.addi %broadcast_in_dim3A_151, %add3A_42 : vector<16xi32>
      %gather3A_158 = tpu.vector_load_idx %arg6[%add3A_157] : memref<2880xi32, #tpu.memory_space<vmem>>[vector<16xi32>], vector<16xi32>,
      %add3A_159 = arith.addi %broadcast_in_dim3A_151, %add3A_48 : vector<16xi32>
      %gather3A_160 = tpu.vector_load_idx %arg6[%add3A_159] : memref<2880xi32, #tpu.memory_space<vmem>>[vector<16xi32>], vector<16xi32>,
      %add3A_161 = arith.addi %broadcast_in_dim3A_151, %add3A_54 : vector<16xi32>
      %gather3A_162 = tpu.vector_load_idx %arg6[%add3A_161] : memref<2880xi32, #tpu.memory_space<vmem>>[vector<16xi32>], vector<16xi32>,
      %add3A_163 = arith.addi %broadcast_in_dim3A_151, %add3A_60 : vector<16xi32>
      %gather3A_164 = tpu.vector_load_idx %arg6[%add3A_163] : memref<2880xi32, #tpu.memory_space<vmem>>[vector<16xi32>], vector<16xi32>,
      %add3A_165 = arith.addi %broadcast_in_dim3A_151, %add3A_66 : vector<16xi32>
      %gather3A_166 = tpu.vector_load_idx %arg6[%add3A_165] : memref<2880xi32, #tpu.memory_space<vmem>>[vector<16xi32>], vector<16xi32>,
      %add3A_167 = arith.addi %broadcast_in_dim3A_151, %add3A_72 : vector<16xi32>
      %gather3A_168 = tpu.vector_load_idx %arg6[%add3A_167] : memref<2880xi32, #tpu.memory_space<vmem>>[vector<16xi32>], vector<16xi32>,
      %mul3A_169 = arith.constant 64 : i32
      %mul3A_170 = vector.broadcast %mul3A_169 : i32 to vector<16xi32>
      %mul3A_171 = arith.muli %gather3A, %mul3A_170 : vector<16xi32>
      %swap3A = arith.constant 0 : index
      %swap3A_172 = tpu.vector_load %arg7[%swap3A] {strides = array<i32>} : memref<640xi32, #tpu.memory_space<vmem>>, vector<16xi32>,
      tpu.vector_store %arg7[%swap3A], %mul3A_171 {strides = array<i32>} : memref<640xi32, #tpu.memory_space<vmem>>, vector<16xi32>,
      %mul3A_173 = arith.constant 13 : i32
      %mul3A_174 = vector.broadcast %mul3A_173 : i32 to vector<16xi32>
      %mul3A_175 = arith.muli %gather3A_154, %mul3A_174 : vector<16xi32>
      %add3A_176 = arith.addi %mul3A_175, %gather3A_156 : vector<16xi32>
      %add3A_177 = arith.constant 120 : i32
      %add3A_178 = vector.broadcast %add3A_177 : i32 to vector<16xi32>
      %add3A_179 = arith.addi %add3A_176, %add3A_178 : vector<16xi32>
      %mul3A_180 = arith.constant 64 : i32
      %mul3A_181 = vector.broadcast %mul3A_180 : i32 to vector<16xi32>
      %mul3A_182 = arith.muli %add3A_179, %mul3A_181 : vector<16xi32>
      %swap3A_183 = arith.constant 160 : index
      %swap3A_184 = tpu.vector_load %arg7[%swap3A_183] {strides = array<i32>} : memref<640xi32, #tpu.memory_space<vmem>>, vector<16xi32>,
      tpu.vector_store %arg7[%swap3A_183], %mul3A_182 {strides = array<i32>} : memref<640xi32, #tpu.memory_space<vmem>>, vector<16xi32>,
      %mul3A_185 = arith.constant 11 : i32
      %mul3A_186 = vector.broadcast %mul3A_185 : i32 to vector<16xi32>
      %mul3A_187 = arith.muli %gather3A_158, %mul3A_186 : vector<16xi32>
      %add3A_188 = arith.addi %mul3A_187, %gather3A_160 : vector<16xi32>
      %add3A_189 = arith.constant 185 : i32
      %add3A_190 = vector.broadcast %add3A_189 : i32 to vector<16xi32>
      %add3A_191 = arith.addi %add3A_188, %add3A_190 : vector<16xi32>
      %mul3A_192 = arith.constant 64 : i32
      %mul3A_193 = vector.broadcast %mul3A_192 : i32 to vector<16xi32>
      %mul3A_194 = arith.muli %add3A_191, %mul3A_193 : vector<16xi32>
      %swap3A_195 = arith.constant 320 : index
      %swap3A_196 = tpu.vector_load %arg7[%swap3A_195] {strides = array<i32>} : memref<640xi32, #tpu.memory_space<vmem>>, vector<16xi32>,
      tpu.vector_store %arg7[%swap3A_195], %mul3A_194 {strides = array<i32>} : memref<640xi32, #tpu.memory_space<vmem>>, vector<16xi32>,
      %mul3A_197 = arith.constant 7 : i32
      %mul3A_198 = vector.broadcast %mul3A_197 : i32 to vector<16xi32>
      %mul3A_199 = arith.muli %gather3A_162, %mul3A_198 : vector<16xi32>
      %add3A_200 = arith.addi %mul3A_199, %gather3A_164 : vector<16xi32>
      %mul3A_201 = arith.constant 9 : i32
      %mul3A_202 = vector.broadcast %mul3A_201 : i32 to vector<16xi32>
      %mul3A_203 = arith.muli %add3A_200, %mul3A_202 : vector<16xi32>
      %mul3A_204 = arith.constant 3 : i32
      %mul3A_205 = vector.broadcast %mul3A_204 : i32 to vector<16xi32>
      %mul3A_206 = arith.muli %gather3A_166, %mul3A_205 : vector<16xi32>
      %add3A_207 = arith.addi %mul3A_203, %mul3A_206 : vector<16xi32>
      %add3A_208 = arith.addi %add3A_207, %gather3A_168 : vector<16xi32>
      %add3A_209 = arith.constant 328 : i32
      %add3A_210 = vector.broadcast %add3A_209 : i32 to vector<16xi32>
      %add3A_211 = arith.addi %add3A_208, %add3A_210 : vector<16xi32>
      %mul3A_212 = arith.constant 64 : i32
      %mul3A_213 = vector.broadcast %mul3A_212 : i32 to vector<16xi32>
      %mul3A_214 = arith.muli %add3A_211, %mul3A_213 : vector<16xi32>
      %swap3A_215 = arith.constant 480 : index
      %swap3A_216 = tpu.vector_load %arg7[%swap3A_215] {strides = array<i32>} : memref<640xi32, #tpu.memory_space<vmem>>, vector<16xi32>,
      tpu.vector_store %arg7[%swap3A_215], %mul3A_214 {strides = array<i32>} : memref<640xi32, #tpu.memory_space<vmem>>, vector<16xi32>,
      %add3A_217 = arith.constant 144 : i32
      %add3A_218 = arith.addi %mul3A_148, %add3A_217 : i32
      %broadcast_in_dim3A_219 = vector.broadcast %add3A_218 : i32 to vector<16xi32>
      %add3A_220 = arith.addi %broadcast_in_dim3A_219, %add3A_24 : vector<16xi32>
      %gather3A_221 = tpu.vector_load_idx %arg6[%add3A_220] : memref<2880xi32, #tpu.memory_space<vmem>>[vector<16xi32>], vector<16xi32>,
      %add3A_222 = arith.addi %broadcast_in_dim3A_219, %add3A_30 : vector<16xi32>
      %gather3A_223 = tpu.vector_load_idx %arg6[%add3A_222] : memref<2880xi32, #tpu.memory_space<vmem>>[vector<16xi32>], vector<16xi32>,
      %add3A_224 = arith.addi %broadcast_in_dim3A_219, %add3A_36 : vector<16xi32>
      %gather3A_225 = tpu.vector_load_idx %arg6[%add3A_224] : memref<2880xi32, #tpu.memory_space<vmem>>[vector<16xi32>], vector<16xi32>,
      %add3A_226 = arith.addi %broadcast_in_dim3A_219, %add3A_42 : vector<16xi32>
      %gather3A_227 = tpu.vector_load_idx %arg6[%add3A_226] : memref<2880xi32, #tpu.memory_space<vmem>>[vector<16xi32>], vector<16xi32>,
      %add3A_228 = arith.addi %broadcast_in_dim3A_219, %add3A_48 : vector<16xi32>
      %gather3A_229 = tpu.vector_load_idx %arg6[%add3A_228] : memref<2880xi32, #tpu.memory_space<vmem>>[vector<16xi32>], vector<16xi32>,
      %add3A_230 = arith.addi %broadcast_in_dim3A_219, %add3A_54 : vector<16xi32>
      %gather3A_231 = tpu.vector_load_idx %arg6[%add3A_230] : memref<2880xi32, #tpu.memory_space<vmem>>[vector<16xi32>], vector<16xi32>,
      %add3A_232 = arith.addi %broadcast_in_dim3A_219, %add3A_60 : vector<16xi32>
      %gather3A_233 = tpu.vector_load_idx %arg6[%add3A_232] : memref<2880xi32, #tpu.memory_space<vmem>>[vector<16xi32>], vector<16xi32>,
      %add3A_234 = arith.addi %broadcast_in_dim3A_219, %add3A_66 : vector<16xi32>
      %gather3A_235 = tpu.vector_load_idx %arg6[%add3A_234] : memref<2880xi32, #tpu.memory_space<vmem>>[vector<16xi32>], vector<16xi32>,
      %add3A_236 = arith.addi %broadcast_in_dim3A_219, %add3A_72 : vector<16xi32>
      %gather3A_237 = tpu.vector_load_idx %arg6[%add3A_236] : memref<2880xi32, #tpu.memory_space<vmem>>[vector<16xi32>], vector<16xi32>,
      %mul3A_238 = arith.constant 64 : i32
      %mul3A_239 = vector.broadcast %mul3A_238 : i32 to vector<16xi32>
      %mul3A_240 = arith.muli %gather3A_221, %mul3A_239 : vector<16xi32>
      %swap3A_241 = arith.constant 16 : index
      %swap3A_242 = tpu.vector_load %arg7[%swap3A_241] {strides = array<i32>} : memref<640xi32, #tpu.memory_space<vmem>>, vector<16xi32>,
      tpu.vector_store %arg7[%swap3A_241], %mul3A_240 {strides = array<i32>} : memref<640xi32, #tpu.memory_space<vmem>>, vector<16xi32>,
      %mul3A_243 = arith.constant 13 : i32
      %mul3A_244 = vector.broadcast %mul3A_243 : i32 to vector<16xi32>
      %mul3A_245 = arith.muli %gather3A_223, %mul3A_244 : vector<16xi32>
      %add3A_246 = arith.addi %mul3A_245, %gather3A_225 : vector<16xi32>
      %add3A_247 = arith.constant 120 : i32
      %add3A_248 = vector.broadcast %add3A_247 : i32 to vector<16xi32>
      %add3A_249 = arith.addi %add3A_246, %add3A_248 : vector<16xi32>
      %mul3A_250 = arith.constant 64 : i32
      %mul3A_251 = vector.broadcast %mul3A_250 : i32 to vector<16xi32>
      %mul3A_252 = arith.muli %add3A_249, %mul3A_251 : vector<16xi32>
      %swap3A_253 = arith.constant 176 : index
      %swap3A_254 = tpu.vector_load %arg7[%swap3A_253] {strides = array<i32>} : memref<640xi32, #tpu.memory_space<vmem>>, vector<16xi32>,
      tpu.vector_store %arg7[%swap3A_253], %mul3A_252 {strides = array<i32>} : memref<640xi32, #tpu.memory_space<vmem>>, vector<16xi32>,
      %mul3A_255 = arith.constant 11 : i32
      %mul3A_256 = vector.broadcast %mul3A_255 : i32 to vector<16xi32>
      %mul3A_257 = arith.muli %gather3A_227, %mul3A_256 : vector<16xi32>
      %add3A_258 = arith.addi %mul3A_257, %gather3A_229 : vector<16xi32>
      %add3A_259 = arith.constant 185 : i32
      %add3A_260 = vector.broadcast %add3A_259 : i32 to vector<16xi32>
      %add3A_261 = arith.addi %add3A_258, %add3A_260 : vector<16xi32>
      %mul3A_262 = arith.constant 64 : i32
      %mul3A_263 = vector.broadcast %mul3A_262 : i32 to vector<16xi32>
      %mul3A_264 = arith.muli %add3A_261, %mul3A_263 : vector<16xi32>
      %swap3A_265 = arith.constant 336 : index
      %swap3A_266 = tpu.vector_load %arg7[%swap3A_265] {strides = array<i32>} : memref<640xi32, #tpu.memory_space<vmem>>, vector<16xi32>,
      tpu.vector_store %arg7[%swap3A_265], %mul3A_264 {strides = array<i32>} : memref<640xi32, #tpu.memory_space<vmem>>, vector<16xi32>,
      %mul3A_267 = arith.constant 7 : i32
      %mul3A_268 = vector.broadcast %mul3A_267 : i32 to vector<16xi32>
      %mul3A_269 = arith.muli %gather3A_231, %mul3A_268 : vector<16xi32>
      %add3A_270 = arith.addi %mul3A_269, %gather3A_233 : vector<16xi32>
      %mul3A_271 = arith.constant 9 : i32
      %mul3A_272 = vector.broadcast %mul3A_271 : i32 to vector<16xi32>
      %mul3A_273 = arith.muli %add3A_270, %mul3A_272 : vector<16xi32>
      %mul3A_274 = arith.constant 3 : i32
      %mul3A_275 = vector.broadcast %mul3A_274 : i32 to vector<16xi32>
      %mul3A_276 = arith.muli %gather3A_235, %mul3A_275 : vector<16xi32>
      %add3A_277 = arith.addi %mul3A_273, %mul3A_276 : vector<16xi32>
      %add3A_278 = arith.addi %add3A_277, %gather3A_237 : vector<16xi32>
      %add3A_279 = arith.constant 328 : i32
      %add3A_280 = vector.broadcast %add3A_279 : i32 to vector<16xi32>
      %add3A_281 = arith.addi %add3A_278, %add3A_280 : vector<16xi32>
      %mul3A_282 = arith.constant 64 : i32
      %mul3A_283 = vector.broadcast %mul3A_282 : i32 to vector<16xi32>
      %mul3A_284 = arith.muli %add3A_281, %mul3A_283 : vector<16xi32>
      %swap3A_285 = arith.constant 496 : index
      %swap3A_286 = tpu.vector_load %arg7[%swap3A_285] {strides = array<i32>} : memref<640xi32, #tpu.memory_space<vmem>>, vector<16xi32>,
      tpu.vector_store %arg7[%swap3A_285], %mul3A_284 {strides = array<i32>} : memref<640xi32, #tpu.memory_space<vmem>>, vector<16xi32>,
      %add3A_287 = arith.constant 288 : i32
      %add3A_288 = arith.addi %mul3A_148, %add3A_287 : i32
      %broadcast_in_dim3A_289 = vector.broadcast %add3A_288 : i32 to vector<16xi32>
      %add3A_290 = arith.addi %broadcast_in_dim3A_289, %add3A_24 : vector<16xi32>
      %gather3A_291 = tpu.vector_load_idx %arg6[%add3A_290] : memref<2880xi32, #tpu.memory_space<vmem>>[vector<16xi32>], vector<16xi32>,
      %add3A_292 = arith.addi %broadcast_in_dim3A_289, %add3A_30 : vector<16xi32>
      %gather3A_293 = tpu.vector_load_idx %arg6[%add3A_292] : memref<2880xi32, #tpu.memory_space<vmem>>[vector<16xi32>], vector<16xi32>,
      %add3A_294 = arith.addi %broadcast_in_dim3A_289, %add3A_36 : vector<16xi32>
      %gather3A_295 = tpu.vector_load_idx %arg6[%add3A_294] : memref<2880xi32, #tpu.memory_space<vmem>>[vector<16xi32>], vector<16xi32>,
      %add3A_296 = arith.addi %broadcast_in_dim3A_289, %add3A_42 : vector<16xi32>
      %gather3A_297 = tpu.vector_load_idx %arg6[%add3A_296] : memref<2880xi32, #tpu.memory_space<vmem>>[vector<16xi32>], vector<16xi32>,
      %add3A_298 = arith.addi %broadcast_in_dim3A_289, %add3A_48 : vector<16xi32>
      %gather3A_299 = tpu.vector_load_idx %arg6[%add3A_298] : memref<2880xi32, #tpu.memory_space<vmem>>[vector<16xi32>], vector<16xi32>,
      %add3A_300 = arith.addi %broadcast_in_dim3A_289, %add3A_54 : vector<16xi32>
      %gather3A_301 = tpu.vector_load_idx %arg6[%add3A_300] : memref<2880xi32, #tpu.memory_space<vmem>>[vector<16xi32>], vector<16xi32>,
      %add3A_302 = arith.addi %broadcast_in_dim3A_289, %add3A_60 : vector<16xi32>
      %gather3A_303 = tpu.vector_load_idx %arg6[%add3A_302] : memref<2880xi32, #tpu.memory_space<vmem>>[vector<16xi32>], vector<16xi32>,
      %add3A_304 = arith.addi %broadcast_in_dim3A_289, %add3A_66 : vector<16xi32>
      %gather3A_305 = tpu.vector_load_idx %arg6[%add3A_304] : memref<2880xi32, #tpu.memory_space<vmem>>[vector<16xi32>], vector<16xi32>,
      %add3A_306 = arith.addi %broadcast_in_dim3A_289, %add3A_72 : vector<16xi32>
      %gather3A_307 = tpu.vector_load_idx %arg6[%add3A_306] : memref<2880xi32, #tpu.memory_space<vmem>>[vector<16xi32>], vector<16xi32>,
      %mul3A_308 = arith.constant 64 : i32
      %mul3A_309 = vector.broadcast %mul3A_308 : i32 to vector<16xi32>
      %mul3A_310 = arith.muli %gather3A_291, %mul3A_309 : vector<16xi32>
      %swap3A_311 = arith.constant 32 : index
      %swap3A_312 = tpu.vector_load %arg7[%swap3A_311] {strides = array<i32>} : memref<640xi32, #tpu.memory_space<vmem>>, vector<16xi32>,
      tpu.vector_store %arg7[%swap3A_311], %mul3A_310 {strides = array<i32>} : memref<640xi32, #tpu.memory_space<vmem>>, vector<16xi32>,
      %mul3A_313 = arith.constant 13 : i32
      %mul3A_314 = vector.broadcast %mul3A_313 : i32 to vector<16xi32>
      %mul3A_315 = arith.muli %gather3A_293, %mul3A_314 : vector<16xi32>
      %add3A_316 = arith.addi %mul3A_315, %gather3A_295 : vector<16xi32>
      %add3A_317 = arith.constant 120 : i32
      %add3A_318 = vector.broadcast %add3A_317 : i32 to vector<16xi32>
      %add3A_319 = arith.addi %add3A_316, %add3A_318 : vector<16xi32>
      %mul3A_320 = arith.constant 64 : i32
      %mul3A_321 = vector.broadcast %mul3A_320 : i32 to vector<16xi32>
      %mul3A_322 = arith.muli %add3A_319, %mul3A_321 : vector<16xi32>
      %swap3A_323 = arith.constant 192 : index
      %swap3A_324 = tpu.vector_load %arg7[%swap3A_323] {strides = array<i32>} : memref<640xi32, #tpu.memory_space<vmem>>, vector<16xi32>,
      tpu.vector_store %arg7[%swap3A_323], %mul3A_322 {strides = array<i32>} : memref<640xi32, #tpu.memory_space<vmem>>, vector<16xi32>,
      %mul3A_325 = arith.constant 11 : i32
      %mul3A_326 = vector.broadcast %mul3A_325 : i32 to vector<16xi32>
      %mul3A_327 = arith.muli %gather3A_297, %mul3A_326 : vector<16xi32>
      %add3A_328 = arith.addi %mul3A_327, %gather3A_299 : vector<16xi32>
      %add3A_329 = arith.constant 185 : i32
      %add3A_330 = vector.broadcast %add3A_329 : i32 to vector<16xi32>
      %add3A_331 = arith.addi %add3A_328, %add3A_330 : vector<16xi32>
      %mul3A_332 = arith.constant 64 : i32
      %mul3A_333 = vector.broadcast %mul3A_332 : i32 to vector<16xi32>
      %mul3A_334 = arith.muli %add3A_331, %mul3A_333 : vector<16xi32>
      %swap3A_335 = arith.constant 352 : index
      %swap3A_336 = tpu.vector_load %arg7[%swap3A_335] {strides = array<i32>} : memref<640xi32, #tpu.memory_space<vmem>>, vector<16xi32>,
      tpu.vector_store %arg7[%swap3A_335], %mul3A_334 {strides = array<i32>} : memref<640xi32, #tpu.memory_space<vmem>>, vector<16xi32>,
      %mul3A_337 = arith.constant 7 : i32
      %mul3A_338 = vector.broadcast %mul3A_337 : i32 to vector<16xi32>
      %mul3A_339 = arith.muli %gather3A_301, %mul3A_338 : vector<16xi32>
      %add3A_340 = arith.addi %mul3A_339, %gather3A_303 : vector<16xi32>
      %mul3A_341 = arith.constant 9 : i32
      %mul3A_342 = vector.broadcast %mul3A_341 : i32 to vector<16xi32>
      %mul3A_343 = arith.muli %add3A_340, %mul3A_342 : vector<16xi32>
      %mul3A_344 = arith.constant 3 : i32
      %mul3A_345 = vector.broadcast %mul3A_344 : i32 to vector<16xi32>
      %mul3A_346 = arith.muli %gather3A_305, %mul3A_345 : vector<16xi32>
      %add3A_347 = arith.addi %mul3A_343, %mul3A_346 : vector<16xi32>
      %add3A_348 = arith.addi %add3A_347, %gather3A_307 : vector<16xi32>
      %add3A_349 = arith.constant 328 : i32
      %add3A_350 = vector.broadcast %add3A_349 : i32 to vector<16xi32>
      %add3A_351 = arith.addi %add3A_348, %add3A_350 : vector<16xi32>
      %mul3A_352 = arith.constant 64 : i32
      %mul3A_353 = vector.broadcast %mul3A_352 : i32 to vector<16xi32>
      %mul3A_354 = arith.muli %add3A_351, %mul3A_353 : vector<16xi32>
      %swap3A_355 = arith.constant 512 : index
      %swap3A_356 = tpu.vector_load %arg7[%swap3A_355] {strides = array<i32>} : memref<640xi32, #tpu.memory_space<vmem>>, vector<16xi32>,
      tpu.vector_store %arg7[%swap3A_355], %mul3A_354 {strides = array<i32>} : memref<640xi32, #tpu.memory_space<vmem>>, vector<16xi32>,
      %add3A_357 = arith.constant 432 : i32
      %add3A_358 = arith.addi %mul3A_148, %add3A_357 : i32
      %broadcast_in_dim3A_359 = vector.broadcast %add3A_358 : i32 to vector<16xi32>
      %add3A_360 = arith.addi %broadcast_in_dim3A_359, %add3A_24 : vector<16xi32>
      %gather3A_361 = tpu.vector_load_idx %arg6[%add3A_360] : memref<2880xi32, #tpu.memory_space<vmem>>[vector<16xi32>], vector<16xi32>,
      %add3A_362 = arith.addi %broadcast_in_dim3A_359, %add3A_30 : vector<16xi32>
      %gather3A_363 = tpu.vector_load_idx %arg6[%add3A_362] : memref<2880xi32, #tpu.memory_space<vmem>>[vector<16xi32>], vector<16xi32>,
      %add3A_364 = arith.addi %broadcast_in_dim3A_359, %add3A_36 : vector<16xi32>
      %gather3A_365 = tpu.vector_load_idx %arg6[%add3A_364] : memref<2880xi32, #tpu.memory_space<vmem>>[vector<16xi32>], vector<16xi32>,
      %add3A_366 = arith.addi %broadcast_in_dim3A_359, %add3A_42 : vector<16xi32>
      %gather3A_367 = tpu.vector_load_idx %arg6[%add3A_366] : memref<2880xi32, #tpu.memory_space<vmem>>[vector<16xi32>], vector<16xi32>,
      %add3A_368 = arith.addi %broadcast_in_dim3A_359, %add3A_48 : vector<16xi32>
      %gather3A_369 = tpu.vector_load_idx %arg6[%add3A_368] : memref<2880xi32, #tpu.memory_space<vmem>>[vector<16xi32>], vector<16xi32>,
      %add3A_370 = arith.addi %broadcast_in_dim3A_359, %add3A_54 : vector<16xi32>
      %gather3A_371 = tpu.vector_load_idx %arg6[%add3A_370] : memref<2880xi32, #tpu.memory_space<vmem>>[vector<16xi32>], vector<16xi32>,
      %add3A_372 = arith.addi %broadcast_in_dim3A_359, %add3A_60 : vector<16xi32>
      %gather3A_373 = tpu.vector_load_idx %arg6[%add3A_372] : memref<2880xi32, #tpu.memory_space<vmem>>[vector<16xi32>], vector<16xi32>,
      %add3A_374 = arith.addi %broadcast_in_dim3A_359, %add3A_66 : vector<16xi32>
      %gather3A_375 = tpu.vector_load_idx %arg6[%add3A_374] : memref<2880xi32, #tpu.memory_space<vmem>>[vector<16xi32>], vector<16xi32>,
      %add3A_376 = arith.addi %broadcast_in_dim3A_359, %add3A_72 : vector<16xi32>
      %gather3A_377 = tpu.vector_load_idx %arg6[%add3A_376] : memref<2880xi32, #tpu.memory_space<vmem>>[vector<16xi32>], vector<16xi32>,
      %mul3A_378 = arith.constant 64 : i32
      %mul3A_379 = vector.broadcast %mul3A_378 : i32 to vector<16xi32>
      %mul3A_380 = arith.muli %gather3A_361, %mul3A_379 : vector<16xi32>
      %swap3A_381 = arith.constant 48 : index
      %swap3A_382 = tpu.vector_load %arg7[%swap3A_381] {strides = array<i32>} : memref<640xi32, #tpu.memory_space<vmem>>, vector<16xi32>,
      tpu.vector_store %arg7[%swap3A_381], %mul3A_380 {strides = array<i32>} : memref<640xi32, #tpu.memory_space<vmem>>, vector<16xi32>,
      %mul3A_383 = arith.constant 13 : i32
      %mul3A_384 = vector.broadcast %mul3A_383 : i32 to vector<16xi32>
      %mul3A_385 = arith.muli %gather3A_363, %mul3A_384 : vector<16xi32>
      %add3A_386 = arith.addi %mul3A_385, %gather3A_365 : vector<16xi32>
      %add3A_387 = arith.constant 120 : i32
      %add3A_388 = vector.broadcast %add3A_387 : i32 to vector<16xi32>
      %add3A_389 = arith.addi %add3A_386, %add3A_388 : vector<16xi32>
      %mul3A_390 = arith.constant 64 : i32
      %mul3A_391 = vector.broadcast %mul3A_390 : i32 to vector<16xi32>
      %mul3A_392 = arith.muli %add3A_389, %mul3A_391 : vector<16xi32>
      %swap3A_393 = arith.constant 208 : index
      %swap3A_394 = tpu.vector_load %arg7[%swap3A_393] {strides = array<i32>} : memref<640xi32, #tpu.memory_space<vmem>>, vector<16xi32>,
      tpu.vector_store %arg7[%swap3A_393], %mul3A_392 {strides = array<i32>} : memref<640xi32, #tpu.memory_space<vmem>>, vector<16xi32>,
      %mul3A_395 = arith.constant 11 : i32
      %mul3A_396 = vector.broadcast %mul3A_395 : i32 to vector<16xi32>
      %mul3A_397 = arith.muli %gather3A_367, %mul3A_396 : vector<16xi32>
      %add3A_398 = arith.addi %mul3A_397, %gather3A_369 : vector<16xi32>
      %add3A_399 = arith.constant 185 : i32
      %add3A_400 = vector.broadcast %add3A_399 : i32 to vector<16xi32>
      %add3A_401 = arith.addi %add3A_398, %add3A_400 : vector<16xi32>
      %mul3A_402 = arith.constant 64 : i32
      %mul3A_403 = vector.broadcast %mul3A_402 : i32 to vector<16xi32>
      %mul3A_404 = arith.muli %add3A_401, %mul3A_403 : vector<16xi32>
      %swap3A_405 = arith.constant 368 : index
      %swap3A_406 = tpu.vector_load %arg7[%swap3A_405] {strides = array<i32>} : memref<640xi32, #tpu.memory_space<vmem>>, vector<16xi32>,
      tpu.vector_store %arg7[%swap3A_405], %mul3A_404 {strides = array<i32>} : memref<640xi32, #tpu.memory_space<vmem>>, vector<16xi32>,
      %mul3A_407 = arith.constant 7 : i32
      %mul3A_408 = vector.broadcast %mul3A_407 : i32 to vector<16xi32>
      %mul3A_409 = arith.muli %gather3A_371, %mul3A_408 : vector<16xi32>
      %add3A_410 = arith.addi %mul3A_409, %gather3A_373 : vector<16xi32>
      %mul3A_411 = arith.constant 9 : i32
      %mul3A_412 = vector.broadcast %mul3A_411 : i32 to vector<16xi32>
      %mul3A_413 = arith.muli %add3A_410, %mul3A_412 : vector<16xi32>
      %mul3A_414 = arith.constant 3 : i32
      %mul3A_415 = vector.broadcast %mul3A_414 : i32 to vector<16xi32>
      %mul3A_416 = arith.muli %gather3A_375, %mul3A_415 : vector<16xi32>
      %add3A_417 = arith.addi %mul3A_413, %mul3A_416 : vector<16xi32>
      %add3A_418 = arith.addi %add3A_417, %gather3A_377 : vector<16xi32>
      %add3A_419 = arith.constant 328 : i32
      %add3A_420 = vector.broadcast %add3A_419 : i32 to vector<16xi32>
      %add3A_421 = arith.addi %add3A_418, %add3A_420 : vector<16xi32>
      %mul3A_422 = arith.constant 64 : i32
      %mul3A_423 = vector.broadcast %mul3A_422 : i32 to vector<16xi32>
      %mul3A_424 = arith.muli %add3A_421, %mul3A_423 : vector<16xi32>
      %swap3A_425 = arith.constant 528 : index
      %swap3A_426 = tpu.vector_load %arg7[%swap3A_425] {strides = array<i32>} : memref<640xi32, #tpu.memory_space<vmem>>, vector<16xi32>,
      tpu.vector_store %arg7[%swap3A_425], %mul3A_424 {strides = array<i32>} : memref<640xi32, #tpu.memory_space<vmem>>, vector<16xi32>,
      %add3A_427 = arith.constant 576 : i32
      %add3A_428 = arith.addi %mul3A_148, %add3A_427 : i32
      %broadcast_in_dim3A_429 = vector.broadcast %add3A_428 : i32 to vector<16xi32>
      %add3A_430 = arith.addi %broadcast_in_dim3A_429, %add3A_24 : vector<16xi32>
      %gather3A_431 = tpu.vector_load_idx %arg6[%add3A_430] : memref<2880xi32, #tpu.memory_space<vmem>>[vector<16xi32>], vector<16xi32>,
      %add3A_432 = arith.addi %broadcast_in_dim3A_429, %add3A_30 : vector<16xi32>
      %gather3A_433 = tpu.vector_load_idx %arg6[%add3A_432] : memref<2880xi32, #tpu.memory_space<vmem>>[vector<16xi32>], vector<16xi32>,
      %add3A_434 = arith.addi %broadcast_in_dim3A_429, %add3A_36 : vector<16xi32>
      %gather3A_435 = tpu.vector_load_idx %arg6[%add3A_434] : memref<2880xi32, #tpu.memory_space<vmem>>[vector<16xi32>], vector<16xi32>,
      %add3A_436 = arith.addi %broadcast_in_dim3A_429, %add3A_42 : vector<16xi32>
      %gather3A_437 = tpu.vector_load_idx %arg6[%add3A_436] : memref<2880xi32, #tpu.memory_space<vmem>>[vector<16xi32>], vector<16xi32>,
      %add3A_438 = arith.addi %broadcast_in_dim3A_429, %add3A_48 : vector<16xi32>
      %gather3A_439 = tpu.vector_load_idx %arg6[%add3A_438] : memref<2880xi32, #tpu.memory_space<vmem>>[vector<16xi32>], vector<16xi32>,
      %add3A_440 = arith.addi %broadcast_in_dim3A_429, %add3A_54 : vector<16xi32>
      %gather3A_441 = tpu.vector_load_idx %arg6[%add3A_440] : memref<2880xi32, #tpu.memory_space<vmem>>[vector<16xi32>], vector<16xi32>,
      %add3A_442 = arith.addi %broadcast_in_dim3A_429, %add3A_60 : vector<16xi32>
      %gather3A_443 = tpu.vector_load_idx %arg6[%add3A_442] : memref<2880xi32, #tpu.memory_space<vmem>>[vector<16xi32>], vector<16xi32>,
      %add3A_444 = arith.addi %broadcast_in_dim3A_429, %add3A_66 : vector<16xi32>
      %gather3A_445 = tpu.vector_load_idx %arg6[%add3A_444] : memref<2880xi32, #tpu.memory_space<vmem>>[vector<16xi32>], vector<16xi32>,
      %add3A_446 = arith.addi %broadcast_in_dim3A_429, %add3A_72 : vector<16xi32>
      %gather3A_447 = tpu.vector_load_idx %arg6[%add3A_446] : memref<2880xi32, #tpu.memory_space<vmem>>[vector<16xi32>], vector<16xi32>,
      %mul3A_448 = arith.constant 64 : i32
      %mul3A_449 = vector.broadcast %mul3A_448 : i32 to vector<16xi32>
      %mul3A_450 = arith.muli %gather3A_431, %mul3A_449 : vector<16xi32>
      %swap3A_451 = arith.constant 64 : index
      %swap3A_452 = tpu.vector_load %arg7[%swap3A_451] {strides = array<i32>} : memref<640xi32, #tpu.memory_space<vmem>>, vector<16xi32>,
      tpu.vector_store %arg7[%swap3A_451], %mul3A_450 {strides = array<i32>} : memref<640xi32, #tpu.memory_space<vmem>>, vector<16xi32>,
      %mul3A_453 = arith.constant 13 : i32
      %mul3A_454 = vector.broadcast %mul3A_453 : i32 to vector<16xi32>
      %mul3A_455 = arith.muli %gather3A_433, %mul3A_454 : vector<16xi32>
      %add3A_456 = arith.addi %mul3A_455, %gather3A_435 : vector<16xi32>
      %add3A_457 = arith.constant 120 : i32
      %add3A_458 = vector.broadcast %add3A_457 : i32 to vector<16xi32>
      %add3A_459 = arith.addi %add3A_456, %add3A_458 : vector<16xi32>
      %mul3A_460 = arith.constant 64 : i32
      %mul3A_461 = vector.broadcast %mul3A_460 : i32 to vector<16xi32>
      %mul3A_462 = arith.muli %add3A_459, %mul3A_461 : vector<16xi32>
      %swap3A_463 = arith.constant 224 : index
      %swap3A_464 = tpu.vector_load %arg7[%swap3A_463] {strides = array<i32>} : memref<640xi32, #tpu.memory_space<vmem>>, vector<16xi32>,
      tpu.vector_store %arg7[%swap3A_463], %mul3A_462 {strides = array<i32>} : memref<640xi32, #tpu.memory_space<vmem>>, vector<16xi32>,
      %mul3A_465 = arith.constant 11 : i32
      %mul3A_466 = vector.broadcast %mul3A_465 : i32 to vector<16xi32>
      %mul3A_467 = arith.muli %gather3A_437, %mul3A_466 : vector<16xi32>
      %add3A_468 = arith.addi %mul3A_467, %gather3A_439 : vector<16xi32>
      %add3A_469 = arith.constant 185 : i32
      %add3A_470 = vector.broadcast %add3A_469 : i32 to vector<16xi32>
      %add3A_471 = arith.addi %add3A_468, %add3A_470 : vector<16xi32>
      %mul3A_472 = arith.constant 64 : i32
      %mul3A_473 = vector.broadcast %mul3A_472 : i32 to vector<16xi32>
      %mul3A_474 = arith.muli %add3A_471, %mul3A_473 : vector<16xi32>
      %swap3A_475 = arith.constant 384 : index
      %swap3A_476 = tpu.vector_load %arg7[%swap3A_475] {strides = array<i32>} : memref<640xi32, #tpu.memory_space<vmem>>, vector<16xi32>,
      tpu.vector_store %arg7[%swap3A_475], %mul3A_474 {strides = array<i32>} : memref<640xi32, #tpu.memory_space<vmem>>, vector<16xi32>,
      %mul3A_477 = arith.constant 7 : i32
      %mul3A_478 = vector.broadcast %mul3A_477 : i32 to vector<16xi32>
      %mul3A_479 = arith.muli %gather3A_441, %mul3A_478 : vector<16xi32>
      %add3A_480 = arith.addi %mul3A_479, %gather3A_443 : vector<16xi32>
      %mul3A_481 = arith.constant 9 : i32
      %mul3A_482 = vector.broadcast %mul3A_481 : i32 to vector<16xi32>
      %mul3A_483 = arith.muli %add3A_480, %mul3A_482 : vector<16xi32>
      %mul3A_484 = arith.constant 3 : i32
      %mul3A_485 = vector.broadcast %mul3A_484 : i32 to vector<16xi32>
      %mul3A_486 = arith.muli %gather3A_445, %mul3A_485 : vector<16xi32>
      %add3A_487 = arith.addi %mul3A_483, %mul3A_486 : vector<16xi32>
      %add3A_488 = arith.addi %add3A_487, %gather3A_447 : vector<16xi32>
      %add3A_489 = arith.constant 328 : i32
      %add3A_490 = vector.broadcast %add3A_489 : i32 to vector<16xi32>
      %add3A_491 = arith.addi %add3A_488, %add3A_490 : vector<16xi32>
      %mul3A_492 = arith.constant 64 : i32
      %mul3A_493 = vector.broadcast %mul3A_492 : i32 to vector<16xi32>
      %mul3A_494 = arith.muli %add3A_491, %mul3A_493 : vector<16xi32>
      %swap3A_495 = arith.constant 544 : index
      %swap3A_496 = tpu.vector_load %arg7[%swap3A_495] {strides = array<i32>} : memref<640xi32, #tpu.memory_space<vmem>>, vector<16xi32>,
      tpu.vector_store %arg7[%swap3A_495], %mul3A_494 {strides = array<i32>} : memref<640xi32, #tpu.memory_space<vmem>>, vector<16xi32>,
      %add3A_497 = arith.constant 720 : i32
      %add3A_498 = arith.addi %mul3A_148, %add3A_497 : i32
      %broadcast_in_dim3A_499 = vector.broadcast %add3A_498 : i32 to vector<16xi32>
      %add3A_500 = arith.addi %broadcast_in_dim3A_499, %add3A_24 : vector<16xi32>
      %gather3A_501 = tpu.vector_load_idx %arg6[%add3A_500] : memref<2880xi32, #tpu.memory_space<vmem>>[vector<16xi32>], vector<16xi32>,
      %add3A_502 = arith.addi %broadcast_in_dim3A_499, %add3A_30 : vector<16xi32>
      %gather3A_503 = tpu.vector_load_idx %arg6[%add3A_502] : memref<2880xi32, #tpu.memory_space<vmem>>[vector<16xi32>], vector<16xi32>,
      %add3A_504 = arith.addi %broadcast_in_dim3A_499, %add3A_36 : vector<16xi32>
      %gather3A_505 = tpu.vector_load_idx %arg6[%add3A_504] : memref<2880xi32, #tpu.memory_space<vmem>>[vector<16xi32>], vector<16xi32>,
      %add3A_506 = arith.addi %broadcast_in_dim3A_499, %add3A_42 : vector<16xi32>
      %gather3A_507 = tpu.vector_load_idx %arg6[%add3A_506] : memref<2880xi32, #tpu.memory_space<vmem>>[vector<16xi32>], vector<16xi32>,
      %add3A_508 = arith.addi %broadcast_in_dim3A_499, %add3A_48 : vector<16xi32>
      %gather3A_509 = tpu.vector_load_idx %arg6[%add3A_508] : memref<2880xi32, #tpu.memory_space<vmem>>[vector<16xi32>], vector<16xi32>,
      %add3A_510 = arith.addi %broadcast_in_dim3A_499, %add3A_54 : vector<16xi32>
      %gather3A_511 = tpu.vector_load_idx %arg6[%add3A_510] : memref<2880xi32, #tpu.memory_space<vmem>>[vector<16xi32>], vector<16xi32>,
      %add3A_512 = arith.addi %broadcast_in_dim3A_499, %add3A_60 : vector<16xi32>
      %gather3A_513 = tpu.vector_load_idx %arg6[%add3A_512] : memref<2880xi32, #tpu.memory_space<vmem>>[vector<16xi32>], vector<16xi32>,
      %add3A_514 = arith.addi %broadcast_in_dim3A_499, %add3A_66 : vector<16xi32>
      %gather3A_515 = tpu.vector_load_idx %arg6[%add3A_514] : memref<2880xi32, #tpu.memory_space<vmem>>[vector<16xi32>], vector<16xi32>,
      %add3A_516 = arith.addi %broadcast_in_dim3A_499, %add3A_72 : vector<16xi32>
      %gather3A_517 = tpu.vector_load_idx %arg6[%add3A_516] : memref<2880xi32, #tpu.memory_space<vmem>>[vector<16xi32>], vector<16xi32>,
      %mul3A_518 = arith.constant 64 : i32
      %mul3A_519 = vector.broadcast %mul3A_518 : i32 to vector<16xi32>
      %mul3A_520 = arith.muli %gather3A_501, %mul3A_519 : vector<16xi32>
      %swap3A_521 = arith.constant 80 : index
      %swap3A_522 = tpu.vector_load %arg7[%swap3A_521] {strides = array<i32>} : memref<640xi32, #tpu.memory_space<vmem>>, vector<16xi32>,
      tpu.vector_store %arg7[%swap3A_521], %mul3A_520 {strides = array<i32>} : memref<640xi32, #tpu.memory_space<vmem>>, vector<16xi32>,
      %mul3A_523 = arith.constant 13 : i32
      %mul3A_524 = vector.broadcast %mul3A_523 : i32 to vector<16xi32>
      %mul3A_525 = arith.muli %gather3A_503, %mul3A_524 : vector<16xi32>
      %add3A_526 = arith.addi %mul3A_525, %gather3A_505 : vector<16xi32>
      %add3A_527 = arith.constant 120 : i32
      %add3A_528 = vector.broadcast %add3A_527 : i32 to vector<16xi32>
      %add3A_529 = arith.addi %add3A_526, %add3A_528 : vector<16xi32>
      %mul3A_530 = arith.constant 64 : i32
      %mul3A_531 = vector.broadcast %mul3A_530 : i32 to vector<16xi32>
      %mul3A_532 = arith.muli %add3A_529, %mul3A_531 : vector<16xi32>
      %swap3A_533 = arith.constant 240 : index
      %swap3A_534 = tpu.vector_load %arg7[%swap3A_533] {strides = array<i32>} : memref<640xi32, #tpu.memory_space<vmem>>, vector<16xi32>,
      tpu.vector_store %arg7[%swap3A_533], %mul3A_532 {strides = array<i32>} : memref<640xi32, #tpu.memory_space<vmem>>, vector<16xi32>,
      %mul3A_535 = arith.constant 11 : i32
      %mul3A_536 = vector.broadcast %mul3A_535 : i32 to vector<16xi32>
      %mul3A_537 = arith.muli %gather3A_507, %mul3A_536 : vector<16xi32>
      %add3A_538 = arith.addi %mul3A_537, %gather3A_509 : vector<16xi32>
      %add3A_539 = arith.constant 185 : i32
      %add3A_540 = vector.broadcast %add3A_539 : i32 to vector<16xi32>
      %add3A_541 = arith.addi %add3A_538, %add3A_540 : vector<16xi32>
      %mul3A_542 = arith.constant 64 : i32
      %mul3A_543 = vector.broadcast %mul3A_542 : i32 to vector<16xi32>
      %mul3A_544 = arith.muli %add3A_541, %mul3A_543 : vector<16xi32>
      %swap3A_545 = arith.constant 400 : index
      %swap3A_546 = tpu.vector_load %arg7[%swap3A_545] {strides = array<i32>} : memref<640xi32, #tpu.memory_space<vmem>>, vector<16xi32>,
      tpu.vector_store %arg7[%swap3A_545], %mul3A_544 {strides = array<i32>} : memref<640xi32, #tpu.memory_space<vmem>>, vector<16xi32>,
      %mul3A_547 = arith.constant 7 : i32
      %mul3A_548 = vector.broadcast %mul3A_547 : i32 to vector<16xi32>
      %mul3A_549 = arith.muli %gather3A_511, %mul3A_548 : vector<16xi32>
      %add3A_550 = arith.addi %mul3A_549, %gather3A_513 : vector<16xi32>
      %mul3A_551 = arith.constant 9 : i32
      %mul3A_552 = vector.broadcast %mul3A_551 : i32 to vector<16xi32>
      %mul3A_553 = arith.muli %add3A_550, %mul3A_552 : vector<16xi32>
      %mul3A_554 = arith.constant 3 : i32
      %mul3A_555 = vector.broadcast %mul3A_554 : i32 to vector<16xi32>
      %mul3A_556 = arith.muli %gather3A_515, %mul3A_555 : vector<16xi32>
      %add3A_557 = arith.addi %mul3A_553, %mul3A_556 : vector<16xi32>
      %add3A_558 = arith.addi %add3A_557, %gather3A_517 : vector<16xi32>
      %add3A_559 = arith.constant 328 : i32
      %add3A_560 = vector.broadcast %add3A_559 : i32 to vector<16xi32>
      %add3A_561 = arith.addi %add3A_558, %add3A_560 : vector<16xi32>
      %mul3A_562 = arith.constant 64 : i32
      %mul3A_563 = vector.broadcast %mul3A_562 : i32 to vector<16xi32>
      %mul3A_564 = arith.muli %add3A_561, %mul3A_563 : vector<16xi32>
      %swap3A_565 = arith.constant 560 : index
      %swap3A_566 = tpu.vector_load %arg7[%swap3A_565] {strides = array<i32>} : memref<640xi32, #tpu.memory_space<vmem>>, vector<16xi32>,
      tpu.vector_store %arg7[%swap3A_565], %mul3A_564 {strides = array<i32>} : memref<640xi32, #tpu.memory_space<vmem>>, vector<16xi32>,
      %add3A_567 = arith.constant 864 : i32
      %add3A_568 = arith.addi %mul3A_148, %add3A_567 : i32
      %broadcast_in_dim3A_569 = vector.broadcast %add3A_568 : i32 to vector<16xi32>
      %add3A_570 = arith.addi %broadcast_in_dim3A_569, %add3A_24 : vector<16xi32>
      %gather3A_571 = tpu.vector_load_idx %arg6[%add3A_570] : memref<2880xi32, #tpu.memory_space<vmem>>[vector<16xi32>], vector<16xi32>,
      %add3A_572 = arith.addi %broadcast_in_dim3A_569, %add3A_30 : vector<16xi32>
      %gather3A_573 = tpu.vector_load_idx %arg6[%add3A_572] : memref<2880xi32, #tpu.memory_space<vmem>>[vector<16xi32>], vector<16xi32>,
      %add3A_574 = arith.addi %broadcast_in_dim3A_569, %add3A_36 : vector<16xi32>
      %gather3A_575 = tpu.vector_load_idx %arg6[%add3A_574] : memref<2880xi32, #tpu.memory_space<vmem>>[vector<16xi32>], vector<16xi32>,
      %add3A_576 = arith.addi %broadcast_in_dim3A_569, %add3A_42 : vector<16xi32>
      %gather3A_577 = tpu.vector_load_idx %arg6[%add3A_576] : memref<2880xi32, #tpu.memory_space<vmem>>[vector<16xi32>], vector<16xi32>,
      %add3A_578 = arith.addi %broadcast_in_dim3A_569, %add3A_48 : vector<16xi32>
      %gather3A_579 = tpu.vector_load_idx %arg6[%add3A_578] : memref<2880xi32, #tpu.memory_space<vmem>>[vector<16xi32>], vector<16xi32>,
      %add3A_580 = arith.addi %broadcast_in_dim3A_569, %add3A_54 : vector<16xi32>
      %gather3A_581 = tpu.vector_load_idx %arg6[%add3A_580] : memref<2880xi32, #tpu.memory_space<vmem>>[vector<16xi32>], vector<16xi32>,
      %add3A_582 = arith.addi %broadcast_in_dim3A_569, %add3A_60 : vector<16xi32>
      %gather3A_583 = tpu.vector_load_idx %arg6[%add3A_582] : memref<2880xi32, #tpu.memory_space<vmem>>[vector<16xi32>], vector<16xi32>,
      %add3A_584 = arith.addi %broadcast_in_dim3A_569, %add3A_66 : vector<16xi32>
      %gather3A_585 = tpu.vector_load_idx %arg6[%add3A_584] : memref<2880xi32, #tpu.memory_space<vmem>>[vector<16xi32>], vector<16xi32>,
      %add3A_586 = arith.addi %broadcast_in_dim3A_569, %add3A_72 : vector<16xi32>
      %gather3A_587 = tpu.vector_load_idx %arg6[%add3A_586] : memref<2880xi32, #tpu.memory_space<vmem>>[vector<16xi32>], vector<16xi32>,
      %mul3A_588 = arith.constant 64 : i32
      %mul3A_589 = vector.broadcast %mul3A_588 : i32 to vector<16xi32>
      %mul3A_590 = arith.muli %gather3A_571, %mul3A_589 : vector<16xi32>
      %swap3A_591 = arith.constant 96 : index
      %swap3A_592 = tpu.vector_load %arg7[%swap3A_591] {strides = array<i32>} : memref<640xi32, #tpu.memory_space<vmem>>, vector<16xi32>,
      tpu.vector_store %arg7[%swap3A_591], %mul3A_590 {strides = array<i32>} : memref<640xi32, #tpu.memory_space<vmem>>, vector<16xi32>,
      %mul3A_593 = arith.constant 13 : i32
      %mul3A_594 = vector.broadcast %mul3A_593 : i32 to vector<16xi32>
      %mul3A_595 = arith.muli %gather3A_573, %mul3A_594 : vector<16xi32>
      %add3A_596 = arith.addi %mul3A_595, %gather3A_575 : vector<16xi32>
      %add3A_597 = arith.constant 120 : i32
      %add3A_598 = vector.broadcast %add3A_597 : i32 to vector<16xi32>
      %add3A_599 = arith.addi %add3A_596, %add3A_598 : vector<16xi32>
      %mul3A_600 = arith.constant 64 : i32
      %mul3A_601 = vector.broadcast %mul3A_600 : i32 to vector<16xi32>
      %mul3A_602 = arith.muli %add3A_599, %mul3A_601 : vector<16xi32>
      %swap3A_603 = arith.constant 256 : index
      %swap3A_604 = tpu.vector_load %arg7[%swap3A_603] {strides = array<i32>} : memref<640xi32, #tpu.memory_space<vmem>>, vector<16xi32>,
      tpu.vector_store %arg7[%swap3A_603], %mul3A_602 {strides = array<i32>} : memref<640xi32, #tpu.memory_space<vmem>>, vector<16xi32>,
      %mul3A_605 = arith.constant 11 : i32
      %mul3A_606 = vector.broadcast %mul3A_605 : i32 to vector<16xi32>
      %mul3A_607 = arith.muli %gather3A_577, %mul3A_606 : vector<16xi32>
      %add3A_608 = arith.addi %mul3A_607, %gather3A_579 : vector<16xi32>
      %add3A_609 = arith.constant 185 : i32
      %add3A_610 = vector.broadcast %add3A_609 : i32 to vector<16xi32>
      %add3A_611 = arith.addi %add3A_608, %add3A_610 : vector<16xi32>
      %mul3A_612 = arith.constant 64 : i32
      %mul3A_613 = vector.broadcast %mul3A_612 : i32 to vector<16xi32>
      %mul3A_614 = arith.muli %add3A_611, %mul3A_613 : vector<16xi32>
      %swap3A_615 = arith.constant 416 : index
      %swap3A_616 = tpu.vector_load %arg7[%swap3A_615] {strides = array<i32>} : memref<640xi32, #tpu.memory_space<vmem>>, vector<16xi32>,
      tpu.vector_store %arg7[%swap3A_615], %mul3A_614 {strides = array<i32>} : memref<640xi32, #tpu.memory_space<vmem>>, vector<16xi32>,
      %mul3A_617 = arith.constant 7 : i32
      %mul3A_618 = vector.broadcast %mul3A_617 : i32 to vector<16xi32>
      %mul3A_619 = arith.muli %gather3A_581, %mul3A_618 : vector<16xi32>
      %add3A_620 = arith.addi %mul3A_619, %gather3A_583 : vector<16xi32>
      %mul3A_621 = arith.constant 9 : i32
      %mul3A_622 = vector.broadcast %mul3A_621 : i32 to vector<16xi32>
      %mul3A_623 = arith.muli %add3A_620, %mul3A_622 : vector<16xi32>
      %mul3A_624 = arith.constant 3 : i32
      %mul3A_625 = vector.broadcast %mul3A_624 : i32 to vector<16xi32>
      %mul3A_626 = arith.muli %gather3A_585, %mul3A_625 : vector<16xi32>
      %add3A_627 = arith.addi %mul3A_623, %mul3A_626 : vector<16xi32>
      %add3A_628 = arith.addi %add3A_627, %gather3A_587 : vector<16xi32>
      %add3A_629 = arith.constant 328 : i32
      %add3A_630 = vector.broadcast %add3A_629 : i32 to vector<16xi32>
      %add3A_631 = arith.addi %add3A_628, %add3A_630 : vector<16xi32>
      %mul3A_632 = arith.constant 64 : i32
      %mul3A_633 = vector.broadcast %mul3A_632 : i32 to vector<16xi32>
      %mul3A_634 = arith.muli %add3A_631, %mul3A_633 : vector<16xi32>
      %swap3A_635 = arith.constant 576 : index
      %swap3A_636 = tpu.vector_load %arg7[%swap3A_635] {strides = array<i32>} : memref<640xi32, #tpu.memory_space<vmem>>, vector<16xi32>,
      tpu.vector_store %arg7[%swap3A_635], %mul3A_634 {strides = array<i32>} : memref<640xi32, #tpu.memory_space<vmem>>, vector<16xi32>,
      %add3A_637 = arith.constant 1008 : i32
      %add3A_638 = arith.addi %mul3A_148, %add3A_637 : i32
      %broadcast_in_dim3A_639 = vector.broadcast %add3A_638 : i32 to vector<16xi32>
      %add3A_640 = arith.addi %broadcast_in_dim3A_639, %add3A_24 : vector<16xi32>
      %gather3A_641 = tpu.vector_load_idx %arg6[%add3A_640] : memref<2880xi32, #tpu.memory_space<vmem>>[vector<16xi32>], vector<16xi32>,
      %add3A_642 = arith.addi %broadcast_in_dim3A_639, %add3A_30 : vector<16xi32>
      %gather3A_643 = tpu.vector_load_idx %arg6[%add3A_642] : memref<2880xi32, #tpu.memory_space<vmem>>[vector<16xi32>], vector<16xi32>,
      %add3A_644 = arith.addi %broadcast_in_dim3A_639, %add3A_36 : vector<16xi32>
      %gather3A_645 = tpu.vector_load_idx %arg6[%add3A_644] : memref<2880xi32, #tpu.memory_space<vmem>>[vector<16xi32>], vector<16xi32>,
      %add3A_646 = arith.addi %broadcast_in_dim3A_639, %add3A_42 : vector<16xi32>
      %gather3A_647 = tpu.vector_load_idx %arg6[%add3A_646] : memref<2880xi32, #tpu.memory_space<vmem>>[vector<16xi32>], vector<16xi32>,
      %add3A_648 = arith.addi %broadcast_in_dim3A_639, %add3A_48 : vector<16xi32>
      %gather3A_649 = tpu.vector_load_idx %arg6[%add3A_648] : memref<2880xi32, #tpu.memory_space<vmem>>[vector<16xi32>], vector<16xi32>,
      %add3A_650 = arith.addi %broadcast_in_dim3A_639, %add3A_54 : vector<16xi32>
      %gather3A_651 = tpu.vector_load_idx %arg6[%add3A_650] : memref<2880xi32, #tpu.memory_space<vmem>>[vector<16xi32>], vector<16xi32>,
      %add3A_652 = arith.addi %broadcast_in_dim3A_639, %add3A_60 : vector<16xi32>
      %gather3A_653 = tpu.vector_load_idx %arg6[%add3A_652] : memref<2880xi32, #tpu.memory_space<vmem>>[vector<16xi32>], vector<16xi32>,
      %add3A_654 = arith.addi %broadcast_in_dim3A_639, %add3A_66 : vector<16xi32>
      %gather3A_655 = tpu.vector_load_idx %arg6[%add3A_654] : memref<2880xi32, #tpu.memory_space<vmem>>[vector<16xi32>], vector<16xi32>,
      %add3A_656 = arith.addi %broadcast_in_dim3A_639, %add3A_72 : vector<16xi32>
      %gather3A_657 = tpu.vector_load_idx %arg6[%add3A_656] : memref<2880xi32, #tpu.memory_space<vmem>>[vector<16xi32>], vector<16xi32>,
      %mul3A_658 = arith.constant 64 : i32
      %mul3A_659 = vector.broadcast %mul3A_658 : i32 to vector<16xi32>
      %mul3A_660 = arith.muli %gather3A_641, %mul3A_659 : vector<16xi32>
      %swap3A_661 = arith.constant 112 : index
      %swap3A_662 = tpu.vector_load %arg7[%swap3A_661] {strides = array<i32>} : memref<640xi32, #tpu.memory_space<vmem>>, vector<16xi32>,
      tpu.vector_store %arg7[%swap3A_661], %mul3A_660 {strides = array<i32>} : memref<640xi32, #tpu.memory_space<vmem>>, vector<16xi32>,
      %mul3A_663 = arith.constant 13 : i32
      %mul3A_664 = vector.broadcast %mul3A_663 : i32 to vector<16xi32>
      %mul3A_665 = arith.muli %gather3A_643, %mul3A_664 : vector<16xi32>
      %add3A_666 = arith.addi %mul3A_665, %gather3A_645 : vector<16xi32>
      %add3A_667 = arith.constant 120 : i32
      %add3A_668 = vector.broadcast %add3A_667 : i32 to vector<16xi32>
      %add3A_669 = arith.addi %add3A_666, %add3A_668 : vector<16xi32>
      %mul3A_670 = arith.constant 64 : i32
      %mul3A_671 = vector.broadcast %mul3A_670 : i32 to vector<16xi32>
      %mul3A_672 = arith.muli %add3A_669, %mul3A_671 : vector<16xi32>
      %swap3A_673 = arith.constant 272 : index
      %swap3A_674 = tpu.vector_load %arg7[%swap3A_673] {strides = array<i32>} : memref<640xi32, #tpu.memory_space<vmem>>, vector<16xi32>,
      tpu.vector_store %arg7[%swap3A_673], %mul3A_672 {strides = array<i32>} : memref<640xi32, #tpu.memory_space<vmem>>, vector<16xi32>,
      %mul3A_675 = arith.constant 11 : i32
      %mul3A_676 = vector.broadcast %mul3A_675 : i32 to vector<16xi32>
      %mul3A_677 = arith.muli %gather3A_647, %mul3A_676 : vector<16xi32>
      %add3A_678 = arith.addi %mul3A_677, %gather3A_649 : vector<16xi32>
      %add3A_679 = arith.constant 185 : i32
      %add3A_680 = vector.broadcast %add3A_679 : i32 to vector<16xi32>
      %add3A_681 = arith.addi %add3A_678, %add3A_680 : vector<16xi32>
      %mul3A_682 = arith.constant 64 : i32
      %mul3A_683 = vector.broadcast %mul3A_682 : i32 to vector<16xi32>
      %mul3A_684 = arith.muli %add3A_681, %mul3A_683 : vector<16xi32>
      %swap3A_685 = arith.constant 432 : index
      %swap3A_686 = tpu.vector_load %arg7[%swap3A_685] {strides = array<i32>} : memref<640xi32, #tpu.memory_space<vmem>>, vector<16xi32>,
      tpu.vector_store %arg7[%swap3A_685], %mul3A_684 {strides = array<i32>} : memref<640xi32, #tpu.memory_space<vmem>>, vector<16xi32>,
      %mul3A_687 = arith.constant 7 : i32
      %mul3A_688 = vector.broadcast %mul3A_687 : i32 to vector<16xi32>
      %mul3A_689 = arith.muli %gather3A_651, %mul3A_688 : vector<16xi32>
      %add3A_690 = arith.addi %mul3A_689, %gather3A_653 : vector<16xi32>
      %mul3A_691 = arith.constant 9 : i32
      %mul3A_692 = vector.broadcast %mul3A_691 : i32 to vector<16xi32>
      %mul3A_693 = arith.muli %add3A_690, %mul3A_692 : vector<16xi32>
      %mul3A_694 = arith.constant 3 : i32
      %mul3A_695 = vector.broadcast %mul3A_694 : i32 to vector<16xi32>
      %mul3A_696 = arith.muli %gather3A_655, %mul3A_695 : vector<16xi32>
      %add3A_697 = arith.addi %mul3A_693, %mul3A_696 : vector<16xi32>
      %add3A_698 = arith.addi %add3A_697, %gather3A_657 : vector<16xi32>
      %add3A_699 = arith.constant 328 : i32
      %add3A_700 = vector.broadcast %add3A_699 : i32 to vector<16xi32>
      %add3A_701 = arith.addi %add3A_698, %add3A_700 : vector<16xi32>
      %mul3A_702 = arith.constant 64 : i32
      %mul3A_703 = vector.broadcast %mul3A_702 : i32 to vector<16xi32>
      %mul3A_704 = arith.muli %add3A_701, %mul3A_703 : vector<16xi32>
      %swap3A_705 = arith.constant 592 : index
      %swap3A_706 = tpu.vector_load %arg7[%swap3A_705] {strides = array<i32>} : memref<640xi32, #tpu.memory_space<vmem>>, vector<16xi32>,
      tpu.vector_store %arg7[%swap3A_705], %mul3A_704 {strides = array<i32>} : memref<640xi32, #tpu.memory_space<vmem>>, vector<16xi32>,
      %add3A_707 = arith.constant 1152 : i32
      %add3A_708 = arith.addi %mul3A_148, %add3A_707 : i32
      %broadcast_in_dim3A_709 = vector.broadcast %add3A_708 : i32 to vector<16xi32>
      %add3A_710 = arith.addi %broadcast_in_dim3A_709, %add3A_24 : vector<16xi32>
      %gather3A_711 = tpu.vector_load_idx %arg6[%add3A_710] : memref<2880xi32, #tpu.memory_space<vmem>>[vector<16xi32>], vector<16xi32>,
      %add3A_712 = arith.addi %broadcast_in_dim3A_709, %add3A_30 : vector<16xi32>
      %gather3A_713 = tpu.vector_load_idx %arg6[%add3A_712] : memref<2880xi32, #tpu.memory_space<vmem>>[vector<16xi32>], vector<16xi32>,
      %add3A_714 = arith.addi %broadcast_in_dim3A_709, %add3A_36 : vector<16xi32>
      %gather3A_715 = tpu.vector_load_idx %arg6[%add3A_714] : memref<2880xi32, #tpu.memory_space<vmem>>[vector<16xi32>], vector<16xi32>,
      %add3A_716 = arith.addi %broadcast_in_dim3A_709, %add3A_42 : vector<16xi32>
      %gather3A_717 = tpu.vector_load_idx %arg6[%add3A_716] : memref<2880xi32, #tpu.memory_space<vmem>>[vector<16xi32>], vector<16xi32>,
      %add3A_718 = arith.addi %broadcast_in_dim3A_709, %add3A_48 : vector<16xi32>
      %gather3A_719 = tpu.vector_load_idx %arg6[%add3A_718] : memref<2880xi32, #tpu.memory_space<vmem>>[vector<16xi32>], vector<16xi32>,
      %add3A_720 = arith.addi %broadcast_in_dim3A_709, %add3A_54 : vector<16xi32>
      %gather3A_721 = tpu.vector_load_idx %arg6[%add3A_720] : memref<2880xi32, #tpu.memory_space<vmem>>[vector<16xi32>], vector<16xi32>,
      %add3A_722 = arith.addi %broadcast_in_dim3A_709, %add3A_60 : vector<16xi32>
      %gather3A_723 = tpu.vector_load_idx %arg6[%add3A_722] : memref<2880xi32, #tpu.memory_space<vmem>>[vector<16xi32>], vector<16xi32>,
      %add3A_724 = arith.addi %broadcast_in_dim3A_709, %add3A_66 : vector<16xi32>
      %gather3A_725 = tpu.vector_load_idx %arg6[%add3A_724] : memref<2880xi32, #tpu.memory_space<vmem>>[vector<16xi32>], vector<16xi32>,
      %add3A_726 = arith.addi %broadcast_in_dim3A_709, %add3A_72 : vector<16xi32>
      %gather3A_727 = tpu.vector_load_idx %arg6[%add3A_726] : memref<2880xi32, #tpu.memory_space<vmem>>[vector<16xi32>], vector<16xi32>,
      %mul3A_728 = arith.constant 64 : i32
      %mul3A_729 = vector.broadcast %mul3A_728 : i32 to vector<16xi32>
      %mul3A_730 = arith.muli %gather3A_711, %mul3A_729 : vector<16xi32>
      %swap3A_731 = arith.constant 128 : index
      %swap3A_732 = tpu.vector_load %arg7[%swap3A_731] {strides = array<i32>} : memref<640xi32, #tpu.memory_space<vmem>>, vector<16xi32>,
      tpu.vector_store %arg7[%swap3A_731], %mul3A_730 {strides = array<i32>} : memref<640xi32, #tpu.memory_space<vmem>>, vector<16xi32>,
      %mul3A_733 = arith.constant 13 : i32
      %mul3A_734 = vector.broadcast %mul3A_733 : i32 to vector<16xi32>
      %mul3A_735 = arith.muli %gather3A_713, %mul3A_734 : vector<16xi32>
      %add3A_736 = arith.addi %mul3A_735, %gather3A_715 : vector<16xi32>
      %add3A_737 = arith.constant 120 : i32
      %add3A_738 = vector.broadcast %add3A_737 : i32 to vector<16xi32>
      %add3A_739 = arith.addi %add3A_736, %add3A_738 : vector<16xi32>
      %mul3A_740 = arith.constant 64 : i32
      %mul3A_741 = vector.broadcast %mul3A_740 : i32 to vector<16xi32>
      %mul3A_742 = arith.muli %add3A_739, %mul3A_741 : vector<16xi32>
      %swap3A_743 = arith.constant 288 : index
      %swap3A_744 = tpu.vector_load %arg7[%swap3A_743] {strides = array<i32>} : memref<640xi32, #tpu.memory_space<vmem>>, vector<16xi32>,
      tpu.vector_store %arg7[%swap3A_743], %mul3A_742 {strides = array<i32>} : memref<640xi32, #tpu.memory_space<vmem>>, vector<16xi32>,
      %mul3A_745 = arith.constant 11 : i32
      %mul3A_746 = vector.broadcast %mul3A_745 : i32 to vector<16xi32>
      %mul3A_747 = arith.muli %gather3A_717, %mul3A_746 : vector<16xi32>
      %add3A_748 = arith.addi %mul3A_747, %gather3A_719 : vector<16xi32>
      %add3A_749 = arith.constant 185 : i32
      %add3A_750 = vector.broadcast %add3A_749 : i32 to vector<16xi32>
      %add3A_751 = arith.addi %add3A_748, %add3A_750 : vector<16xi32>
      %mul3A_752 = arith.constant 64 : i32
      %mul3A_753 = vector.broadcast %mul3A_752 : i32 to vector<16xi32>
      %mul3A_754 = arith.muli %add3A_751, %mul3A_753 : vector<16xi32>
      %swap3A_755 = arith.constant 448 : index
      %swap3A_756 = tpu.vector_load %arg7[%swap3A_755] {strides = array<i32>} : memref<640xi32, #tpu.memory_space<vmem>>, vector<16xi32>,
      tpu.vector_store %arg7[%swap3A_755], %mul3A_754 {strides = array<i32>} : memref<640xi32, #tpu.memory_space<vmem>>, vector<16xi32>,
      %mul3A_757 = arith.constant 7 : i32
      %mul3A_758 = vector.broadcast %mul3A_757 : i32 to vector<16xi32>
      %mul3A_759 = arith.muli %gather3A_721, %mul3A_758 : vector<16xi32>
      %add3A_760 = arith.addi %mul3A_759, %gather3A_723 : vector<16xi32>
      %mul3A_761 = arith.constant 9 : i32
      %mul3A_762 = vector.broadcast %mul3A_761 : i32 to vector<16xi32>
      %mul3A_763 = arith.muli %add3A_760, %mul3A_762 : vector<16xi32>
      %mul3A_764 = arith.constant 3 : i32
      %mul3A_765 = vector.broadcast %mul3A_764 : i32 to vector<16xi32>
      %mul3A_766 = arith.muli %gather3A_725, %mul3A_765 : vector<16xi32>
      %add3A_767 = arith.addi %mul3A_763, %mul3A_766 : vector<16xi32>
      %add3A_768 = arith.addi %add3A_767, %gather3A_727 : vector<16xi32>
      %add3A_769 = arith.constant 328 : i32
      %add3A_770 = vector.broadcast %add3A_769 : i32 to vector<16xi32>
      %add3A_771 = arith.addi %add3A_768, %add3A_770 : vector<16xi32>
      %mul3A_772 = arith.constant 64 : i32
      %mul3A_773 = vector.broadcast %mul3A_772 : i32 to vector<16xi32>
      %mul3A_774 = arith.muli %add3A_771, %mul3A_773 : vector<16xi32>
      %swap3A_775 = arith.constant 608 : index
      %swap3A_776 = tpu.vector_load %arg7[%swap3A_775] {strides = array<i32>} : memref<640xi32, #tpu.memory_space<vmem>>, vector<16xi32>,
      tpu.vector_store %arg7[%swap3A_775], %mul3A_774 {strides = array<i32>} : memref<640xi32, #tpu.memory_space<vmem>>, vector<16xi32>,
      %add3A_777 = arith.constant 1296 : i32
      %add3A_778 = arith.addi %mul3A_148, %add3A_777 : i32
      %broadcast_in_dim3A_779 = vector.broadcast %add3A_778 : i32 to vector<16xi32>
      %add3A_780 = arith.addi %broadcast_in_dim3A_779, %add3A_24 : vector<16xi32>
      %gather3A_781 = tpu.vector_load_idx %arg6[%add3A_780] : memref<2880xi32, #tpu.memory_space<vmem>>[vector<16xi32>], vector<16xi32>,
      %add3A_782 = arith.addi %broadcast_in_dim3A_779, %add3A_30 : vector<16xi32>
      %gather3A_783 = tpu.vector_load_idx %arg6[%add3A_782] : memref<2880xi32, #tpu.memory_space<vmem>>[vector<16xi32>], vector<16xi32>,
      %add3A_784 = arith.addi %broadcast_in_dim3A_779, %add3A_36 : vector<16xi32>
      %gather3A_785 = tpu.vector_load_idx %arg6[%add3A_784] : memref<2880xi32, #tpu.memory_space<vmem>>[vector<16xi32>], vector<16xi32>,
      %add3A_786 = arith.addi %broadcast_in_dim3A_779, %add3A_42 : vector<16xi32>
      %gather3A_787 = tpu.vector_load_idx %arg6[%add3A_786] : memref<2880xi32, #tpu.memory_space<vmem>>[vector<16xi32>], vector<16xi32>,
      %add3A_788 = arith.addi %broadcast_in_dim3A_779, %add3A_48 : vector<16xi32>
      %gather3A_789 = tpu.vector_load_idx %arg6[%add3A_788] : memref<2880xi32, #tpu.memory_space<vmem>>[vector<16xi32>], vector<16xi32>,
      %add3A_790 = arith.addi %broadcast_in_dim3A_779, %add3A_54 : vector<16xi32>
      %gather3A_791 = tpu.vector_load_idx %arg6[%add3A_790] : memref<2880xi32, #tpu.memory_space<vmem>>[vector<16xi32>], vector<16xi32>,
      %add3A_792 = arith.addi %broadcast_in_dim3A_779, %add3A_60 : vector<16xi32>
      %gather3A_793 = tpu.vector_load_idx %arg6[%add3A_792] : memref<2880xi32, #tpu.memory_space<vmem>>[vector<16xi32>], vector<16xi32>,
      %add3A_794 = arith.addi %broadcast_in_dim3A_779, %add3A_66 : vector<16xi32>
      %gather3A_795 = tpu.vector_load_idx %arg6[%add3A_794] : memref<2880xi32, #tpu.memory_space<vmem>>[vector<16xi32>], vector<16xi32>,
      %add3A_796 = arith.addi %broadcast_in_dim3A_779, %add3A_72 : vector<16xi32>
      %gather3A_797 = tpu.vector_load_idx %arg6[%add3A_796] : memref<2880xi32, #tpu.memory_space<vmem>>[vector<16xi32>], vector<16xi32>,
      %mul3A_798 = arith.constant 64 : i32
      %mul3A_799 = vector.broadcast %mul3A_798 : i32 to vector<16xi32>
      %mul3A_800 = arith.muli %gather3A_781, %mul3A_799 : vector<16xi32>
      %swap3A_801 = arith.constant 144 : index
      %swap3A_802 = tpu.vector_load %arg7[%swap3A_801] {strides = array<i32>} : memref<640xi32, #tpu.memory_space<vmem>>, vector<16xi32>,
      tpu.vector_store %arg7[%swap3A_801], %mul3A_800 {strides = array<i32>} : memref<640xi32, #tpu.memory_space<vmem>>, vector<16xi32>,
      %mul3A_803 = arith.constant 13 : i32
      %mul3A_804 = vector.broadcast %mul3A_803 : i32 to vector<16xi32>
      %mul3A_805 = arith.muli %gather3A_783, %mul3A_804 : vector<16xi32>
      %add3A_806 = arith.addi %mul3A_805, %gather3A_785 : vector<16xi32>
      %add3A_807 = arith.constant 120 : i32
      %add3A_808 = vector.broadcast %add3A_807 : i32 to vector<16xi32>
      %add3A_809 = arith.addi %add3A_806, %add3A_808 : vector<16xi32>
      %mul3A_810 = arith.constant 64 : i32
      %mul3A_811 = vector.broadcast %mul3A_810 : i32 to vector<16xi32>
      %mul3A_812 = arith.muli %add3A_809, %mul3A_811 : vector<16xi32>
      %swap3A_813 = arith.constant 304 : index
      %swap3A_814 = tpu.vector_load %arg7[%swap3A_813] {strides = array<i32>} : memref<640xi32, #tpu.memory_space<vmem>>, vector<16xi32>,
      tpu.vector_store %arg7[%swap3A_813], %mul3A_812 {strides = array<i32>} : memref<640xi32, #tpu.memory_space<vmem>>, vector<16xi32>,
      %mul3A_815 = arith.constant 11 : i32
      %mul3A_816 = vector.broadcast %mul3A_815 : i32 to vector<16xi32>
      %mul3A_817 = arith.muli %gather3A_787, %mul3A_816 : vector<16xi32>
      %add3A_818 = arith.addi %mul3A_817, %gather3A_789 : vector<16xi32>
      %add3A_819 = arith.constant 185 : i32
      %add3A_820 = vector.broadcast %add3A_819 : i32 to vector<16xi32>
      %add3A_821 = arith.addi %add3A_818, %add3A_820 : vector<16xi32>
      %mul3A_822 = arith.constant 64 : i32
      %mul3A_823 = vector.broadcast %mul3A_822 : i32 to vector<16xi32>
      %mul3A_824 = arith.muli %add3A_821, %mul3A_823 : vector<16xi32>
      %swap3A_825 = arith.constant 464 : index
      %swap3A_826 = tpu.vector_load %arg7[%swap3A_825] {strides = array<i32>} : memref<640xi32, #tpu.memory_space<vmem>>, vector<16xi32>,
      tpu.vector_store %arg7[%swap3A_825], %mul3A_824 {strides = array<i32>} : memref<640xi32, #tpu.memory_space<vmem>>, vector<16xi32>,
      %mul3A_827 = arith.constant 7 : i32
      %mul3A_828 = vector.broadcast %mul3A_827 : i32 to vector<16xi32>
      %mul3A_829 = arith.muli %gather3A_791, %mul3A_828 : vector<16xi32>
      %add3A_830 = arith.addi %mul3A_829, %gather3A_793 : vector<16xi32>
      %mul3A_831 = arith.constant 9 : i32
      %mul3A_832 = vector.broadcast %mul3A_831 : i32 to vector<16xi32>
      %mul3A_833 = arith.muli %add3A_830, %mul3A_832 : vector<16xi32>
      %mul3A_834 = arith.constant 3 : i32
      %mul3A_835 = vector.broadcast %mul3A_834 : i32 to vector<16xi32>
      %mul3A_836 = arith.muli %gather3A_795, %mul3A_835 : vector<16xi32>
      %add3A_837 = arith.addi %mul3A_833, %mul3A_836 : vector<16xi32>
      %add3A_838 = arith.addi %add3A_837, %gather3A_797 : vector<16xi32>
      %add3A_839 = arith.constant 328 : i32
      %add3A_840 = vector.broadcast %add3A_839 : i32 to vector<16xi32>
      %add3A_841 = arith.addi %add3A_838, %add3A_840 : vector<16xi32>
      %mul3A_842 = arith.constant 64 : i32
      %mul3A_843 = vector.broadcast %mul3A_842 : i32 to vector<16xi32>
      %mul3A_844 = arith.muli %add3A_841, %mul3A_843 : vector<16xi32>
      %swap3A_845 = arith.constant 624 : index
      %swap3A_846 = tpu.vector_load %arg7[%swap3A_845] {strides = array<i32>} : memref<640xi32, #tpu.memory_space<vmem>>, vector<16xi32>,
      tpu.vector_store %arg7[%swap3A_845], %mul3A_844 {strides = array<i32>} : memref<640xi32, #tpu.memory_space<vmem>>, vector<16xi32>,
      %mul3A_847 = arith.constant 160 : i32
      %mul3A_848 = arith.muli %rem3A_129, %mul3A_847 : i32
      %parallel_loop3A = arith.constant 0 : i32
      %parallel_loop3A_849 = arith.constant 160 : i32
      %parallel_loop3A_850 = arith.constant 1 : i32
      scf.for %parallel_loop3A_865 = %parallel_loop3A to %parallel_loop3A_849 step %parallel_loop3A_850  : i32 {
        %parallel_loop3A_866 = vector.broadcast %parallel_loop3A_865 : i32 to vector<16xi32>
        %parallel_loop3A_867 = arith.addi %broadcast_in_dim3A_73, %parallel_loop3A_866 : vector<16xi32>
        %parallel_loop3A_868 = tpu.vector_load_idx %arg7[%parallel_loop3A_867] : memref<640xi32, #tpu.memory_space<vmem>>[vector<16xi32>], vector<16xi32>,
        %parallel_loop3A_869 = arith.addi %parallel_loop3A_868, %add3A_9 : vector<16xi32>
        %parallel_loop3A_870 = tpu.vector_load_idx %arg5[%parallel_loop3A_869] : memref<49216xi32, #tpu.memory_space<vmem>>[vector<16xi32>], vector<16xi32>,
        %parallel_loop3A_871 = tpu.bitcast %parallel_loop3A_870 : vector<16xi32> -> vector<16xf32>
        %parallel_loop3A_872 = arith.constant 16 : i32
        %parallel_loop3A_873 = vector.broadcast %parallel_loop3A_872 : i32 to vector<16xi32>
        %parallel_loop3A_874 = arith.shli %parallel_loop3A_870, %parallel_loop3A_873 : vector<16xi32>
        %parallel_loop3A_875 = tpu.bitcast %parallel_loop3A_874 : vector<16xi32> -> vector<16xf32>
        %parallel_loop3A_876 = arith.addi %parallel_loop3A_868, %add3A_12 : vector<16xi32>
        %parallel_loop3A_877 = tpu.vector_load_idx %arg5[%parallel_loop3A_876] : memref<49216xi32, #tpu.memory_space<vmem>>[vector<16xi32>], vector<16xi32>,
        %parallel_loop3A_878 = tpu.bitcast %parallel_loop3A_877 : vector<16xi32> -> vector<16xf32>
        %parallel_loop3A_879 = arith.constant 16 : i32
        %parallel_loop3A_880 = vector.broadcast %parallel_loop3A_879 : i32 to vector<16xi32>
        %parallel_loop3A_881 = arith.shli %parallel_loop3A_877, %parallel_loop3A_880 : vector<16xi32>
        %parallel_loop3A_882 = tpu.bitcast %parallel_loop3A_881 : vector<16xi32> -> vector<16xf32>
        %parallel_loop3A_883 = arith.addi %parallel_loop3A_868, %add3A_15 : vector<16xi32>
        %parallel_loop3A_884 = tpu.vector_load_idx %arg5[%parallel_loop3A_883] : memref<49216xi32, #tpu.memory_space<vmem>>[vector<16xi32>], vector<16xi32>,
        %parallel_loop3A_885 = tpu.bitcast %parallel_loop3A_884 : vector<16xi32> -> vector<16xf32>
        %parallel_loop3A_886 = arith.constant 16 : i32
        %parallel_loop3A_887 = vector.broadcast %parallel_loop3A_886 : i32 to vector<16xi32>
        %parallel_loop3A_888 = arith.shli %parallel_loop3A_884, %parallel_loop3A_887 : vector<16xi32>
        %parallel_loop3A_889 = tpu.bitcast %parallel_loop3A_888 : vector<16xi32> -> vector<16xf32>
        %parallel_loop3A_890 = arith.addi %parallel_loop3A_868, %add3A_18 : vector<16xi32>
        %parallel_loop3A_891 = tpu.vector_load_idx %arg5[%parallel_loop3A_890] : memref<49216xi32, #tpu.memory_space<vmem>>[vector<16xi32>], vector<16xi32>,
        %parallel_loop3A_892 = tpu.bitcast %parallel_loop3A_891 : vector<16xi32> -> vector<16xf32>
        %parallel_loop3A_893 = arith.constant 16 : i32
        %parallel_loop3A_894 = vector.broadcast %parallel_loop3A_893 : i32 to vector<16xi32>
        %parallel_loop3A_895 = arith.shli %parallel_loop3A_891, %parallel_loop3A_894 : vector<16xi32>
        %parallel_loop3A_896 = tpu.bitcast %parallel_loop3A_895 : vector<16xi32> -> vector<16xf32>
        %parallel_loop3A_897 = arith.addi %broadcast_in_dim3A_75, %parallel_loop3A_866 : vector<16xi32>
        %parallel_loop3A_898 = tpu.vector_load_idx %arg7[%parallel_loop3A_897] : memref<640xi32, #tpu.memory_space<vmem>>[vector<16xi32>], vector<16xi32>,
        %parallel_loop3A_899 = arith.addi %parallel_loop3A_898, %add3A_9 : vector<16xi32>
        %parallel_loop3A_900 = tpu.vector_load_idx %arg5[%parallel_loop3A_899] : memref<49216xi32, #tpu.memory_space<vmem>>[vector<16xi32>], vector<16xi32>,
        %parallel_loop3A_901 = tpu.bitcast %parallel_loop3A_900 : vector<16xi32> -> vector<16xf32>
        %parallel_loop3A_902 = arith.constant 16 : i32
        %parallel_loop3A_903 = vector.broadcast %parallel_loop3A_902 : i32 to vector<16xi32>
        %parallel_loop3A_904 = arith.shli %parallel_loop3A_900, %parallel_loop3A_903 : vector<16xi32>
        %parallel_loop3A_905 = tpu.bitcast %parallel_loop3A_904 : vector<16xi32> -> vector<16xf32>
        %parallel_loop3A_906 = arith.addf %parallel_loop3A_871, %parallel_loop3A_901 : vector<16xf32>
        %parallel_loop3A_907 = arith.addf %parallel_loop3A_875, %parallel_loop3A_905 : vector<16xf32>
        %parallel_loop3A_908 = arith.addi %parallel_loop3A_898, %add3A_12 : vector<16xi32>
        %parallel_loop3A_909 = tpu.vector_load_idx %arg5[%parallel_loop3A_908] : memref<49216xi32, #tpu.memory_space<vmem>>[vector<16xi32>], vector<16xi32>,
        %parallel_loop3A_910 = tpu.bitcast %parallel_loop3A_909 : vector<16xi32> -> vector<16xf32>
        %parallel_loop3A_911 = arith.constant 16 : i32
        %parallel_loop3A_912 = vector.broadcast %parallel_loop3A_911 : i32 to vector<16xi32>
        %parallel_loop3A_913 = arith.shli %parallel_loop3A_909, %parallel_loop3A_912 : vector<16xi32>
        %parallel_loop3A_914 = tpu.bitcast %parallel_loop3A_913 : vector<16xi32> -> vector<16xf32>
        %parallel_loop3A_915 = arith.addf %parallel_loop3A_878, %parallel_loop3A_910 : vector<16xf32>
        %parallel_loop3A_916 = arith.addf %parallel_loop3A_882, %parallel_loop3A_914 : vector<16xf32>
        %parallel_loop3A_917 = arith.addi %parallel_loop3A_898, %add3A_15 : vector<16xi32>
        %parallel_loop3A_918 = tpu.vector_load_idx %arg5[%parallel_loop3A_917] : memref<49216xi32, #tpu.memory_space<vmem>>[vector<16xi32>], vector<16xi32>,
        %parallel_loop3A_919 = tpu.bitcast %parallel_loop3A_918 : vector<16xi32> -> vector<16xf32>
        %parallel_loop3A_920 = arith.constant 16 : i32
        %parallel_loop3A_921 = vector.broadcast %parallel_loop3A_920 : i32 to vector<16xi32>
        %parallel_loop3A_922 = arith.shli %parallel_loop3A_918, %parallel_loop3A_921 : vector<16xi32>
        %parallel_loop3A_923 = tpu.bitcast %parallel_loop3A_922 : vector<16xi32> -> vector<16xf32>
        %parallel_loop3A_924 = arith.addf %parallel_loop3A_885, %parallel_loop3A_919 : vector<16xf32>
        %parallel_loop3A_925 = arith.addf %parallel_loop3A_889, %parallel_loop3A_923 : vector<16xf32>
        %parallel_loop3A_926 = arith.addi %parallel_loop3A_898, %add3A_18 : vector<16xi32>
        %parallel_loop3A_927 = tpu.vector_load_idx %arg5[%parallel_loop3A_926] : memref<49216xi32, #tpu.memory_space<vmem>>[vector<16xi32>], vector<16xi32>,
        %parallel_loop3A_928 = tpu.bitcast %parallel_loop3A_927 : vector<16xi32> -> vector<16xf32>
        %parallel_loop3A_929 = arith.constant 16 : i32
        %parallel_loop3A_930 = vector.broadcast %parallel_loop3A_929 : i32 to vector<16xi32>
        %parallel_loop3A_931 = arith.shli %parallel_loop3A_927, %parallel_loop3A_930 : vector<16xi32>
        %parallel_loop3A_932 = tpu.bitcast %parallel_loop3A_931 : vector<16xi32> -> vector<16xf32>
        %parallel_loop3A_933 = arith.addf %parallel_loop3A_892, %parallel_loop3A_928 : vector<16xf32>
        %parallel_loop3A_934 = arith.addf %parallel_loop3A_896, %parallel_loop3A_932 : vector<16xf32>
        %parallel_loop3A_935 = arith.addi %broadcast_in_dim3A_77, %parallel_loop3A_866 : vector<16xi32>
        %parallel_loop3A_936 = tpu.vector_load_idx %arg7[%parallel_loop3A_935] : memref<640xi32, #tpu.memory_space<vmem>>[vector<16xi32>], vector<16xi32>,
        %parallel_loop3A_937 = arith.addi %parallel_loop3A_936, %add3A_9 : vector<16xi32>
        %parallel_loop3A_938 = tpu.vector_load_idx %arg5[%parallel_loop3A_937] : memref<49216xi32, #tpu.memory_space<vmem>>[vector<16xi32>], vector<16xi32>,
        %parallel_loop3A_939 = tpu.bitcast %parallel_loop3A_938 : vector<16xi32> -> vector<16xf32>
        %parallel_loop3A_940 = arith.constant 16 : i32
        %parallel_loop3A_941 = vector.broadcast %parallel_loop3A_940 : i32 to vector<16xi32>
        %parallel_loop3A_942 = arith.shli %parallel_loop3A_938, %parallel_loop3A_941 : vector<16xi32>
        %parallel_loop3A_943 = tpu.bitcast %parallel_loop3A_942 : vector<16xi32> -> vector<16xf32>
        %parallel_loop3A_944 = arith.addf %parallel_loop3A_906, %parallel_loop3A_939 : vector<16xf32>
        %parallel_loop3A_945 = arith.addf %parallel_loop3A_907, %parallel_loop3A_943 : vector<16xf32>
        %parallel_loop3A_946 = arith.addi %parallel_loop3A_936, %add3A_12 : vector<16xi32>
        %parallel_loop3A_947 = tpu.vector_load_idx %arg5[%parallel_loop3A_946] : memref<49216xi32, #tpu.memory_space<vmem>>[vector<16xi32>], vector<16xi32>,
        %parallel_loop3A_948 = tpu.bitcast %parallel_loop3A_947 : vector<16xi32> -> vector<16xf32>
        %parallel_loop3A_949 = arith.constant 16 : i32
        %parallel_loop3A_950 = vector.broadcast %parallel_loop3A_949 : i32 to vector<16xi32>
        %parallel_loop3A_951 = arith.shli %parallel_loop3A_947, %parallel_loop3A_950 : vector<16xi32>
        %parallel_loop3A_952 = tpu.bitcast %parallel_loop3A_951 : vector<16xi32> -> vector<16xf32>
        %parallel_loop3A_953 = arith.addf %parallel_loop3A_915, %parallel_loop3A_948 : vector<16xf32>
        %parallel_loop3A_954 = arith.addf %parallel_loop3A_916, %parallel_loop3A_952 : vector<16xf32>
        %parallel_loop3A_955 = arith.addi %parallel_loop3A_936, %add3A_15 : vector<16xi32>
        %parallel_loop3A_956 = tpu.vector_load_idx %arg5[%parallel_loop3A_955] : memref<49216xi32, #tpu.memory_space<vmem>>[vector<16xi32>], vector<16xi32>,
        %parallel_loop3A_957 = tpu.bitcast %parallel_loop3A_956 : vector<16xi32> -> vector<16xf32>
        %parallel_loop3A_958 = arith.constant 16 : i32
        %parallel_loop3A_959 = vector.broadcast %parallel_loop3A_958 : i32 to vector<16xi32>
        %parallel_loop3A_960 = arith.shli %parallel_loop3A_956, %parallel_loop3A_959 : vector<16xi32>
        %parallel_loop3A_961 = tpu.bitcast %parallel_loop3A_960 : vector<16xi32> -> vector<16xf32>
        %parallel_loop3A_962 = arith.addf %parallel_loop3A_924, %parallel_loop3A_957 : vector<16xf32>
        %parallel_loop3A_963 = arith.addf %parallel_loop3A_925, %parallel_loop3A_961 : vector<16xf32>
        %parallel_loop3A_964 = arith.addi %parallel_loop3A_936, %add3A_18 : vector<16xi32>
        %parallel_loop3A_965 = tpu.vector_load_idx %arg5[%parallel_loop3A_964] : memref<49216xi32, #tpu.memory_space<vmem>>[vector<16xi32>], vector<16xi32>,
        %parallel_loop3A_966 = tpu.bitcast %parallel_loop3A_965 : vector<16xi32> -> vector<16xf32>
        %parallel_loop3A_967 = arith.constant 16 : i32
        %parallel_loop3A_968 = vector.broadcast %parallel_loop3A_967 : i32 to vector<16xi32>
        %parallel_loop3A_969 = arith.shli %parallel_loop3A_965, %parallel_loop3A_968 : vector<16xi32>
        %parallel_loop3A_970 = tpu.bitcast %parallel_loop3A_969 : vector<16xi32> -> vector<16xf32>
        %parallel_loop3A_971 = arith.addf %parallel_loop3A_933, %parallel_loop3A_966 : vector<16xf32>
        %parallel_loop3A_972 = arith.addf %parallel_loop3A_934, %parallel_loop3A_970 : vector<16xf32>
        %parallel_loop3A_973 = arith.addi %broadcast_in_dim3A_79, %parallel_loop3A_866 : vector<16xi32>
        %parallel_loop3A_974 = tpu.vector_load_idx %arg7[%parallel_loop3A_973] : memref<640xi32, #tpu.memory_space<vmem>>[vector<16xi32>], vector<16xi32>,
        %parallel_loop3A_975 = arith.addi %parallel_loop3A_974, %add3A_9 : vector<16xi32>
        %parallel_loop3A_976 = tpu.vector_load_idx %arg5[%parallel_loop3A_975] : memref<49216xi32, #tpu.memory_space<vmem>>[vector<16xi32>], vector<16xi32>,
        %parallel_loop3A_977 = tpu.bitcast %parallel_loop3A_976 : vector<16xi32> -> vector<16xf32>
        %parallel_loop3A_978 = arith.constant 16 : i32
        %parallel_loop3A_979 = vector.broadcast %parallel_loop3A_978 : i32 to vector<16xi32>
        %parallel_loop3A_980 = arith.shli %parallel_loop3A_976, %parallel_loop3A_979 : vector<16xi32>
        %parallel_loop3A_981 = tpu.bitcast %parallel_loop3A_980 : vector<16xi32> -> vector<16xf32>
        %parallel_loop3A_982 = arith.addf %parallel_loop3A_944, %parallel_loop3A_977 : vector<16xf32>
        %parallel_loop3A_983 = arith.addf %parallel_loop3A_945, %parallel_loop3A_981 : vector<16xf32>
        %parallel_loop3A_984 = arith.addi %parallel_loop3A_974, %add3A_12 : vector<16xi32>
        %parallel_loop3A_985 = tpu.vector_load_idx %arg5[%parallel_loop3A_984] : memref<49216xi32, #tpu.memory_space<vmem>>[vector<16xi32>], vector<16xi32>,
        %parallel_loop3A_986 = tpu.bitcast %parallel_loop3A_985 : vector<16xi32> -> vector<16xf32>
        %parallel_loop3A_987 = arith.constant 16 : i32
        %parallel_loop3A_988 = vector.broadcast %parallel_loop3A_987 : i32 to vector<16xi32>
        %parallel_loop3A_989 = arith.shli %parallel_loop3A_985, %parallel_loop3A_988 : vector<16xi32>
        %parallel_loop3A_990 = tpu.bitcast %parallel_loop3A_989 : vector<16xi32> -> vector<16xf32>
        %parallel_loop3A_991 = arith.addf %parallel_loop3A_953, %parallel_loop3A_986 : vector<16xf32>
        %parallel_loop3A_992 = arith.addf %parallel_loop3A_954, %parallel_loop3A_990 : vector<16xf32>
        %parallel_loop3A_993 = arith.addi %parallel_loop3A_974, %add3A_15 : vector<16xi32>
        %parallel_loop3A_994 = tpu.vector_load_idx %arg5[%parallel_loop3A_993] : memref<49216xi32, #tpu.memory_space<vmem>>[vector<16xi32>], vector<16xi32>,
        %parallel_loop3A_995 = tpu.bitcast %parallel_loop3A_994 : vector<16xi32> -> vector<16xf32>
        %parallel_loop3A_996 = arith.constant 16 : i32
        %parallel_loop3A_997 = vector.broadcast %parallel_loop3A_996 : i32 to vector<16xi32>
        %parallel_loop3A_998 = arith.shli %parallel_loop3A_994, %parallel_loop3A_997 : vector<16xi32>
        %parallel_loop3A_999 = tpu.bitcast %parallel_loop3A_998 : vector<16xi32> -> vector<16xf32>
        %parallel_loop3A_1000 = arith.addf %parallel_loop3A_962, %parallel_loop3A_995 : vector<16xf32>
        %parallel_loop3A_1001 = arith.addf %parallel_loop3A_963, %parallel_loop3A_999 : vector<16xf32>
        %parallel_loop3A_1002 = arith.addi %parallel_loop3A_974, %add3A_18 : vector<16xi32>
        %parallel_loop3A_1003 = tpu.vector_load_idx %arg5[%parallel_loop3A_1002] : memref<49216xi32, #tpu.memory_space<vmem>>[vector<16xi32>], vector<16xi32>,
        %parallel_loop3A_1004 = tpu.bitcast %parallel_loop3A_1003 : vector<16xi32> -> vector<16xf32>
        %parallel_loop3A_1005 = arith.constant 16 : i32
        %parallel_loop3A_1006 = vector.broadcast %parallel_loop3A_1005 : i32 to vector<16xi32>
        %parallel_loop3A_1007 = arith.shli %parallel_loop3A_1003, %parallel_loop3A_1006 : vector<16xi32>
        %parallel_loop3A_1008 = tpu.bitcast %parallel_loop3A_1007 : vector<16xi32> -> vector<16xf32>
        %parallel_loop3A_1009 = arith.addf %parallel_loop3A_971, %parallel_loop3A_1004 : vector<16xf32>
        %parallel_loop3A_1010 = arith.addf %parallel_loop3A_972, %parallel_loop3A_1008 : vector<16xf32>
        %parallel_loop3A_1011 = arith.addi %mul3A_848, %parallel_loop3A_865 : i32
        %parallel_loop3A_1012 = arith.index_cast %parallel_loop3A_1011 : i32 to index
        %parallel_loop3A_1013 = arith.constant 0 : index
        %parallel_loop3A_1014 = tpu.vector_load %arg8[%parallel_loop3A_1012, %parallel_loop3A_1013] {strides = array<i32>} : memref<320x128xf32, #tpu.memory_space<vmem>>, vector<16xf32>,
        tpu.vector_store %arg8[%parallel_loop3A_1012, %parallel_loop3A_1013], %parallel_loop3A_982 {strides = array<i32>} : memref<320x128xf32, #tpu.memory_space<vmem>>, vector<16xf32>,
        %parallel_loop3A_1015 = arith.index_cast %parallel_loop3A_1011 : i32 to index
        %parallel_loop3A_1016 = arith.constant 16 : index
        %parallel_loop3A_1017 = tpu.vector_load %arg8[%parallel_loop3A_1015, %parallel_loop3A_1016] {strides = array<i32>} : memref<320x128xf32, #tpu.memory_space<vmem>>, vector<16xf32>,
        tpu.vector_store %arg8[%parallel_loop3A_1015, %parallel_loop3A_1016], %parallel_loop3A_991 {strides = array<i32>} : memref<320x128xf32, #tpu.memory_space<vmem>>, vector<16xf32>,
        %parallel_loop3A_1018 = arith.index_cast %parallel_loop3A_1011 : i32 to index
        %parallel_loop3A_1019 = arith.constant 32 : index
        %parallel_loop3A_1020 = tpu.vector_load %arg8[%parallel_loop3A_1018, %parallel_loop3A_1019] {strides = array<i32>} : memref<320x128xf32, #tpu.memory_space<vmem>>, vector<16xf32>,
        tpu.vector_store %arg8[%parallel_loop3A_1018, %parallel_loop3A_1019], %parallel_loop3A_1000 {strides = array<i32>} : memref<320x128xf32, #tpu.memory_space<vmem>>, vector<16xf32>,
        %parallel_loop3A_1021 = arith.index_cast %parallel_loop3A_1011 : i32 to index
        %parallel_loop3A_1022 = arith.constant 48 : index
        %parallel_loop3A_1023 = tpu.vector_load %arg8[%parallel_loop3A_1021, %parallel_loop3A_1022] {strides = array<i32>} : memref<320x128xf32, #tpu.memory_space<vmem>>, vector<16xf32>,
        tpu.vector_store %arg8[%parallel_loop3A_1021, %parallel_loop3A_1022], %parallel_loop3A_1009 {strides = array<i32>} : memref<320x128xf32, #tpu.memory_space<vmem>>, vector<16xf32>,
        %parallel_loop3A_1024 = arith.index_cast %parallel_loop3A_1011 : i32 to index
        %parallel_loop3A_1025 = arith.constant 64 : index
        %parallel_loop3A_1026 = tpu.vector_load %arg8[%parallel_loop3A_1024, %parallel_loop3A_1025] {strides = array<i32>} : memref<320x128xf32, #tpu.memory_space<vmem>>, vector<16xf32>,
        tpu.vector_store %arg8[%parallel_loop3A_1024, %parallel_loop3A_1025], %parallel_loop3A_983 {strides = array<i32>} : memref<320x128xf32, #tpu.memory_space<vmem>>, vector<16xf32>,
        %parallel_loop3A_1027 = arith.index_cast %parallel_loop3A_1011 : i32 to index
        %parallel_loop3A_1028 = arith.constant 80 : index
        %parallel_loop3A_1029 = tpu.vector_load %arg8[%parallel_loop3A_1027, %parallel_loop3A_1028] {strides = array<i32>} : memref<320x128xf32, #tpu.memory_space<vmem>>, vector<16xf32>,
        tpu.vector_store %arg8[%parallel_loop3A_1027, %parallel_loop3A_1028], %parallel_loop3A_992 {strides = array<i32>} : memref<320x128xf32, #tpu.memory_space<vmem>>, vector<16xf32>,
        %parallel_loop3A_1030 = arith.index_cast %parallel_loop3A_1011 : i32 to index
        %parallel_loop3A_1031 = arith.constant 96 : index
        %parallel_loop3A_1032 = tpu.vector_load %arg8[%parallel_loop3A_1030, %parallel_loop3A_1031] {strides = array<i32>} : memref<320x128xf32, #tpu.memory_space<vmem>>, vector<16xf32>,
        tpu.vector_store %arg8[%parallel_loop3A_1030, %parallel_loop3A_1031], %parallel_loop3A_1001 {strides = array<i32>} : memref<320x128xf32, #tpu.memory_space<vmem>>, vector<16xf32>,
        %parallel_loop3A_1033 = arith.index_cast %parallel_loop3A_1011 : i32 to index
        %parallel_loop3A_1034 = arith.constant 112 : index
        %parallel_loop3A_1035 = tpu.vector_load %arg8[%parallel_loop3A_1033, %parallel_loop3A_1034] {strides = array<i32>} : memref<320x128xf32, #tpu.memory_space<vmem>>, vector<16xf32>,
        tpu.vector_store %arg8[%parallel_loop3A_1033, %parallel_loop3A_1034], %parallel_loop3A_1010 {strides = array<i32>} : memref<320x128xf32, #tpu.memory_space<vmem>>, vector<16xf32>,
      } {sc.loop_unroll_factor = 1 : i64, sc.parallel_access}
      %mul3A_851 = arith.constant 160 : i32
      %mul3A_852 = arith.muli %rem3A_129, %mul3A_851 : i32
      %mul3A_853 = arith.constant 160 : i32
      %mul3A_854 = arith.muli %add3A_130, %mul3A_853 : i32
      %dma_start3A_855 = arith.constant 0 : i32
      %dma_start3A_856 = tpu.memref_slice %arg8[%mul3A_852, %dma_start3A_855] : memref<320x128xf32, #tpu.memory_space<vmem>> -> memref<160x128xf32, #tpu.memory_space<vmem>>
      %dma_start3A_857 = arith.constant 0 : i32
      %dma_start3A_858 = tpu.memref_slice %arg4[%mul3A_854, %dma_start3A_857] : memref<100000x128xf32, #tpu.memory_space<hbm>> -> memref<160x128xf32, #tpu.memory_space<hbm>>
      %dma_start3A_859 = tpu.memref_slice %arg10[%rem3A_129] : memref<2x!tpu.dma_semaphore, #tpu.memory_space<semaphore_mem>> -> memref<1x!tpu.dma_semaphore, #tpu.memory_space<semaphore_mem>>
      %dma_start3A_860 = tpu.memref_squeeze %dma_start3A_859 : memref<1x!tpu.dma_semaphore, #tpu.memory_space<semaphore_mem>> -> memref<!tpu.dma_semaphore, #tpu.memory_space<semaphore_mem>>
      %dma_start3A_861 = arith.constant 0 : i32
      %dma_start3A_862 = tpu.memref_slice %arg4[%mul3A_854, %dma_start3A_861] : memref<100000x128xf32, #tpu.memory_space<hbm>> -> memref<160x128xf32, #tpu.memory_space<hbm>>
      %dma_start3A_863 = arith.constant 0 : i32
      %dma_start3A_864 = tpu.memref_slice %arg8[%mul3A_852, %dma_start3A_863] : memref<320x128xf32, #tpu.memory_space<vmem>> -> memref<160x128xf32, #tpu.memory_space<vmem>>
      tpu.enqueue_dma source(%dma_start3A_864 : memref<160x128xf32, #tpu.memory_space<vmem>>) target(%dma_start3A_862 : memref<160x128xf32, #tpu.memory_space<hbm>>) target_semaphore(%dma_start3A_860 : memref<!tpu.dma_semaphore, #tpu.memory_space<semaphore_mem>>)
    }
    %while3A_95 = arith.constant 1 : i32
    scf.for %while3A_127 = %while3A_93 to %while3A_89 step %while3A_95  : i32 {
      %rem3A_128 = arith.constant 2 : i32
      %rem3A_129 = arith.remsi %while3A_127, %rem3A_128 : i32
      %add3A_130 = arith.addi %add3A_6, %while3A_127 : i32
      %ge3A = arith.constant 2 : i32
      %ge3A_131 = arith.cmpi sge, %while3A_127, %ge3A : i32
      %convert_element_type3A = arith.extui %ge3A_131 : i1 to i32
      %cond3A = arith.constant 0 : i32
      %cond3A_132 = arith.cmpi ne, %convert_element_type3A, %cond3A : i32
      scf.if %cond3A_132 {
        %mul3A_865 = arith.constant 160 : i32
        %mul3A_866 = arith.muli %rem3A_129, %mul3A_865 : i32
        %sub3A_867 = arith.constant 2 : i32
        %sub3A_868 = arith.subi %add3A_130, %sub3A_867 : i32
        %mul3A_869 = arith.constant 160 : i32
        %mul3A_870 = arith.muli %sub3A_868, %mul3A_869 : i32
        %dma_wait3A_871 = arith.constant 0 : i32
        %dma_wait3A_872 = tpu.memref_slice %arg8[%mul3A_866, %dma_wait3A_871] : memref<320x128xf32, #tpu.memory_space<vmem>> -> memref<160x128xf32, #tpu.memory_space<vmem>>
        %dma_wait3A_873 = arith.constant 0 : i32
        %dma_wait3A_874 = tpu.memref_slice %arg4[%mul3A_870, %dma_wait3A_873] : memref<100000x128xf32, #tpu.memory_space<hbm>> -> memref<160x128xf32, #tpu.memory_space<hbm>>
        %dma_wait3A_875 = tpu.memref_slice %arg10[%rem3A_129] : memref<2x!tpu.dma_semaphore, #tpu.memory_space<semaphore_mem>> -> memref<1x!tpu.dma_semaphore, #tpu.memory_space<semaphore_mem>>
        %dma_wait3A_876 = tpu.memref_squeeze %dma_wait3A_875 : memref<1x!tpu.dma_semaphore, #tpu.memory_space<semaphore_mem>> -> memref<!tpu.dma_semaphore, #tpu.memory_space<semaphore_mem>>
        %dma_wait3A_877 = arith.constant 0 : i32
        %dma_wait3A_878 = tpu.memref_slice %arg4[%mul3A_870, %dma_wait3A_877] : memref<100000x128xf32, #tpu.memory_space<hbm>> -> memref<160x128xf32, #tpu.memory_space<hbm>>
        %dma_wait3A_879 = arith.constant 0 : i32
        %dma_wait3A_880 = tpu.memref_slice %arg8[%mul3A_866, %dma_wait3A_879] : memref<320x128xf32, #tpu.memory_space<vmem>> -> memref<160x128xf32, #tpu.memory_space<vmem>>
        tpu.wait_dma2 semaphore(%dma_wait3A_876 : memref<!tpu.dma_semaphore, #tpu.memory_space<semaphore_mem>>) src(%dma_wait3A_880 : memref<160x128xf32, #tpu.memory_space<vmem>>) dst(%dma_wait3A_878 : memref<160x128xf32, #tpu.memory_space<hbm>>)
      } else {
      }
      %mul3A_133 = arith.constant 1440 : i32
      %mul3A_134 = arith.muli %add3A_130, %mul3A_133 : i32
      %mul3A_135 = arith.constant 1440 : i32
      %mul3A_136 = arith.muli %rem3A_129, %mul3A_135 : i32
      %dma_wait3A_137 = tpu.memref_slice %arg6[%mul3A_136] : memref<2880xi32, #tpu.memory_space<vmem>> -> memref<1440xi32, #tpu.memory_space<vmem>>
      %dma_wait3A_138 = tpu.memref_slice %arg2[%mul3A_134] : memref<900000xi32, #tpu.memory_space<hbm>> -> memref<1440xi32, #tpu.memory_space<hbm>>
      %dma_wait3A_139 = tpu.memref_slice %arg6[%mul3A_136] : memref<2880xi32, #tpu.memory_space<vmem>> -> memref<1440xi32, #tpu.memory_space<vmem>>
      %dma_wait3A_140 = tpu.memref_slice %arg2[%mul3A_134] : memref<900000xi32, #tpu.memory_space<hbm>> -> memref<1440xi32, #tpu.memory_space<hbm>>
      tpu.wait_dma2 semaphore(%arg9 : memref<!tpu.dma_semaphore, #tpu.memory_space<semaphore_mem>>) src(%dma_wait3A_140 : memref<1440xi32, #tpu.memory_space<hbm>>) dst(%dma_wait3A_139 : memref<1440xi32, #tpu.memory_space<vmem>>)
      %add3A_141 = arith.constant 1 : i32
      %add3A_142 = arith.addi %while3A_127, %add3A_141 : i32
      %lt3A_143 = arith.cmpi slt, %add3A_142, %select_n3A : i32
      %convert_element_type3A_144 = arith.extui %lt3A_143 : i1 to i32
      %cond3A_145 = arith.constant 0 : i32
      %cond3A_146 = arith.cmpi ne, %convert_element_type3A_144, %cond3A_145 : i32
      scf.if %cond3A_146 {
        %add3A_865 = arith.constant 1 : i32
        %add3A_866 = arith.addi %add3A_130, %add3A_865 : i32
        %mul3A_867 = arith.constant 1440 : i32
        %mul3A_868 = arith.muli %add3A_866, %mul3A_867 : i32
        %sub3A_869 = arith.constant 1 : i32
        %sub3A_870 = arith.subi %sub3A_869, %rem3A_129 : i32
        %mul3A_871 = arith.constant 1440 : i32
        %mul3A_872 = arith.muli %sub3A_870, %mul3A_871 : i32
        %dma_start3A_873 = tpu.memref_slice %arg6[%mul3A_872] : memref<2880xi32, #tpu.memory_space<vmem>> -> memref<1440xi32, #tpu.memory_space<vmem>>
        %dma_start3A_874 = tpu.memref_slice %arg2[%mul3A_868] : memref<900000xi32, #tpu.memory_space<hbm>> -> memref<1440xi32, #tpu.memory_space<hbm>>
        %dma_start3A_875 = tpu.memref_slice %arg6[%mul3A_872] : memref<2880xi32, #tpu.memory_space<vmem>> -> memref<1440xi32, #tpu.memory_space<vmem>>
        %dma_start3A_876 = tpu.memref_slice %arg2[%mul3A_868] : memref<900000xi32, #tpu.memory_space<hbm>> -> memref<1440xi32, #tpu.memory_space<hbm>>
        tpu.enqueue_dma source(%dma_start3A_876 : memref<1440xi32, #tpu.memory_space<hbm>>) target(%dma_start3A_875 : memref<1440xi32, #tpu.memory_space<vmem>>) target_semaphore(%arg9 : memref<!tpu.dma_semaphore, #tpu.memory_space<semaphore_mem>>)
      } else {
      }
      %mul3A_147 = arith.constant 1440 : i32
      %mul3A_148 = arith.muli %rem3A_129, %mul3A_147 : i32
      %add3A_149 = arith.constant 0 : i32
      %add3A_150 = arith.addi %mul3A_148, %add3A_149 : i32
      %broadcast_in_dim3A_151 = vector.broadcast %add3A_150 : i32 to vector<16xi32>
      %add3A_152 = arith.addi %broadcast_in_dim3A_151, %add3A_24 : vector<16xi32>
      %gather3A = tpu.vector_load_idx %arg6[%add3A_152] : memref<2880xi32, #tpu.memory_space<vmem>>[vector<16xi32>], vector<16xi32>,
      %add3A_153 = arith.addi %broadcast_in_dim3A_151, %add3A_30 : vector<16xi32>
      %gather3A_154 = tpu.vector_load_idx %arg6[%add3A_153] : memref<2880xi32, #tpu.memory_space<vmem>>[vector<16xi32>], vector<16xi32>,
      %add3A_155 = arith.addi %broadcast_in_dim3A_151, %add3A_36 : vector<16xi32>
      %gather3A_156 = tpu.vector_load_idx %arg6[%add3A_155] : memref<2880xi32, #tpu.memory_space<vmem>>[vector<16xi32>], vector<16xi32>,
      %add3A_157 = arith.addi %broadcast_in_dim3A_151, %add3A_42 : vector<16xi32>
      %gather3A_158 = tpu.vector_load_idx %arg6[%add3A_157] : memref<2880xi32, #tpu.memory_space<vmem>>[vector<16xi32>], vector<16xi32>,
      %add3A_159 = arith.addi %broadcast_in_dim3A_151, %add3A_48 : vector<16xi32>
      %gather3A_160 = tpu.vector_load_idx %arg6[%add3A_159] : memref<2880xi32, #tpu.memory_space<vmem>>[vector<16xi32>], vector<16xi32>,
      %add3A_161 = arith.addi %broadcast_in_dim3A_151, %add3A_54 : vector<16xi32>
      %gather3A_162 = tpu.vector_load_idx %arg6[%add3A_161] : memref<2880xi32, #tpu.memory_space<vmem>>[vector<16xi32>], vector<16xi32>,
      %add3A_163 = arith.addi %broadcast_in_dim3A_151, %add3A_60 : vector<16xi32>
      %gather3A_164 = tpu.vector_load_idx %arg6[%add3A_163] : memref<2880xi32, #tpu.memory_space<vmem>>[vector<16xi32>], vector<16xi32>,
      %add3A_165 = arith.addi %broadcast_in_dim3A_151, %add3A_66 : vector<16xi32>
      %gather3A_166 = tpu.vector_load_idx %arg6[%add3A_165] : memref<2880xi32, #tpu.memory_space<vmem>>[vector<16xi32>], vector<16xi32>,
      %add3A_167 = arith.addi %broadcast_in_dim3A_151, %add3A_72 : vector<16xi32>
      %gather3A_168 = tpu.vector_load_idx %arg6[%add3A_167] : memref<2880xi32, #tpu.memory_space<vmem>>[vector<16xi32>], vector<16xi32>,
      %mul3A_169 = arith.constant 64 : i32
      %mul3A_170 = vector.broadcast %mul3A_169 : i32 to vector<16xi32>
      %mul3A_171 = arith.muli %gather3A, %mul3A_170 : vector<16xi32>
      %swap3A = arith.constant 0 : index
      %swap3A_172 = tpu.vector_load %arg7[%swap3A] {strides = array<i32>} : memref<640xi32, #tpu.memory_space<vmem>>, vector<16xi32>,
      tpu.vector_store %arg7[%swap3A], %mul3A_171 {strides = array<i32>} : memref<640xi32, #tpu.memory_space<vmem>>, vector<16xi32>,
      %mul3A_173 = arith.constant 13 : i32
      %mul3A_174 = vector.broadcast %mul3A_173 : i32 to vector<16xi32>
      %mul3A_175 = arith.muli %gather3A_154, %mul3A_174 : vector<16xi32>
      %add3A_176 = arith.addi %mul3A_175, %gather3A_156 : vector<16xi32>
      %add3A_177 = arith.constant 120 : i32
      %add3A_178 = vector.broadcast %add3A_177 : i32 to vector<16xi32>
      %add3A_179 = arith.addi %add3A_176, %add3A_178 : vector<16xi32>
      %mul3A_180 = arith.constant 64 : i32
      %mul3A_181 = vector.broadcast %mul3A_180 : i32 to vector<16xi32>
      %mul3A_182 = arith.muli %add3A_179, %mul3A_181 : vector<16xi32>
      %swap3A_183 = arith.constant 160 : index
      %swap3A_184 = tpu.vector_load %arg7[%swap3A_183] {strides = array<i32>} : memref<640xi32, #tpu.memory_space<vmem>>, vector<16xi32>,
      tpu.vector_store %arg7[%swap3A_183], %mul3A_182 {strides = array<i32>} : memref<640xi32, #tpu.memory_space<vmem>>, vector<16xi32>,
      %mul3A_185 = arith.constant 11 : i32
      %mul3A_186 = vector.broadcast %mul3A_185 : i32 to vector<16xi32>
      %mul3A_187 = arith.muli %gather3A_158, %mul3A_186 : vector<16xi32>
      %add3A_188 = arith.addi %mul3A_187, %gather3A_160 : vector<16xi32>
      %add3A_189 = arith.constant 185 : i32
      %add3A_190 = vector.broadcast %add3A_189 : i32 to vector<16xi32>
      %add3A_191 = arith.addi %add3A_188, %add3A_190 : vector<16xi32>
      %mul3A_192 = arith.constant 64 : i32
      %mul3A_193 = vector.broadcast %mul3A_192 : i32 to vector<16xi32>
      %mul3A_194 = arith.muli %add3A_191, %mul3A_193 : vector<16xi32>
      %swap3A_195 = arith.constant 320 : index
      %swap3A_196 = tpu.vector_load %arg7[%swap3A_195] {strides = array<i32>} : memref<640xi32, #tpu.memory_space<vmem>>, vector<16xi32>,
      tpu.vector_store %arg7[%swap3A_195], %mul3A_194 {strides = array<i32>} : memref<640xi32, #tpu.memory_space<vmem>>, vector<16xi32>,
      %mul3A_197 = arith.constant 7 : i32
      %mul3A_198 = vector.broadcast %mul3A_197 : i32 to vector<16xi32>
      %mul3A_199 = arith.muli %gather3A_162, %mul3A_198 : vector<16xi32>
      %add3A_200 = arith.addi %mul3A_199, %gather3A_164 : vector<16xi32>
      %mul3A_201 = arith.constant 9 : i32
      %mul3A_202 = vector.broadcast %mul3A_201 : i32 to vector<16xi32>
      %mul3A_203 = arith.muli %add3A_200, %mul3A_202 : vector<16xi32>
      %mul3A_204 = arith.constant 3 : i32
      %mul3A_205 = vector.broadcast %mul3A_204 : i32 to vector<16xi32>
      %mul3A_206 = arith.muli %gather3A_166, %mul3A_205 : vector<16xi32>
      %add3A_207 = arith.addi %mul3A_203, %mul3A_206 : vector<16xi32>
      %add3A_208 = arith.addi %add3A_207, %gather3A_168 : vector<16xi32>
      %add3A_209 = arith.constant 328 : i32
      %add3A_210 = vector.broadcast %add3A_209 : i32 to vector<16xi32>
      %add3A_211 = arith.addi %add3A_208, %add3A_210 : vector<16xi32>
      %mul3A_212 = arith.constant 64 : i32
      %mul3A_213 = vector.broadcast %mul3A_212 : i32 to vector<16xi32>
      %mul3A_214 = arith.muli %add3A_211, %mul3A_213 : vector<16xi32>
      %swap3A_215 = arith.constant 480 : index
      %swap3A_216 = tpu.vector_load %arg7[%swap3A_215] {strides = array<i32>} : memref<640xi32, #tpu.memory_space<vmem>>, vector<16xi32>,
      tpu.vector_store %arg7[%swap3A_215], %mul3A_214 {strides = array<i32>} : memref<640xi32, #tpu.memory_space<vmem>>, vector<16xi32>,
      %add3A_217 = arith.constant 144 : i32
      %add3A_218 = arith.addi %mul3A_148, %add3A_217 : i32
      %broadcast_in_dim3A_219 = vector.broadcast %add3A_218 : i32 to vector<16xi32>
      %add3A_220 = arith.addi %broadcast_in_dim3A_219, %add3A_24 : vector<16xi32>
      %gather3A_221 = tpu.vector_load_idx %arg6[%add3A_220] : memref<2880xi32, #tpu.memory_space<vmem>>[vector<16xi32>], vector<16xi32>,
      %add3A_222 = arith.addi %broadcast_in_dim3A_219, %add3A_30 : vector<16xi32>
      %gather3A_223 = tpu.vector_load_idx %arg6[%add3A_222] : memref<2880xi32, #tpu.memory_space<vmem>>[vector<16xi32>], vector<16xi32>,
      %add3A_224 = arith.addi %broadcast_in_dim3A_219, %add3A_36 : vector<16xi32>
      %gather3A_225 = tpu.vector_load_idx %arg6[%add3A_224] : memref<2880xi32, #tpu.memory_space<vmem>>[vector<16xi32>], vector<16xi32>,
      %add3A_226 = arith.addi %broadcast_in_dim3A_219, %add3A_42 : vector<16xi32>
      %gather3A_227 = tpu.vector_load_idx %arg6[%add3A_226] : memref<2880xi32, #tpu.memory_space<vmem>>[vector<16xi32>], vector<16xi32>,
      %add3A_228 = arith.addi %broadcast_in_dim3A_219, %add3A_48 : vector<16xi32>
      %gather3A_229 = tpu.vector_load_idx %arg6[%add3A_228] : memref<2880xi32, #tpu.memory_space<vmem>>[vector<16xi32>], vector<16xi32>,
      %add3A_230 = arith.addi %broadcast_in_dim3A_219, %add3A_54 : vector<16xi32>
      %gather3A_231 = tpu.vector_load_idx %arg6[%add3A_230] : memref<2880xi32, #tpu.memory_space<vmem>>[vector<16xi32>], vector<16xi32>,
      %add3A_232 = arith.addi %broadcast_in_dim3A_219, %add3A_60 : vector<16xi32>
      %gather3A_233 = tpu.vector_load_idx %arg6[%add3A_232] : memref<2880xi32, #tpu.memory_space<vmem>>[vector<16xi32>], vector<16xi32>,
      %add3A_234 = arith.addi %broadcast_in_dim3A_219, %add3A_66 : vector<16xi32>
      %gather3A_235 = tpu.vector_load_idx %arg6[%add3A_234] : memref<2880xi32, #tpu.memory_space<vmem>>[vector<16xi32>], vector<16xi32>,
      %add3A_236 = arith.addi %broadcast_in_dim3A_219, %add3A_72 : vector<16xi32>
      %gather3A_237 = tpu.vector_load_idx %arg6[%add3A_236] : memref<2880xi32, #tpu.memory_space<vmem>>[vector<16xi32>], vector<16xi32>,
      %mul3A_238 = arith.constant 64 : i32
      %mul3A_239 = vector.broadcast %mul3A_238 : i32 to vector<16xi32>
      %mul3A_240 = arith.muli %gather3A_221, %mul3A_239 : vector<16xi32>
      %swap3A_241 = arith.constant 16 : index
      %swap3A_242 = tpu.vector_load %arg7[%swap3A_241] {strides = array<i32>} : memref<640xi32, #tpu.memory_space<vmem>>, vector<16xi32>,
      tpu.vector_store %arg7[%swap3A_241], %mul3A_240 {strides = array<i32>} : memref<640xi32, #tpu.memory_space<vmem>>, vector<16xi32>,
      %mul3A_243 = arith.constant 13 : i32
      %mul3A_244 = vector.broadcast %mul3A_243 : i32 to vector<16xi32>
      %mul3A_245 = arith.muli %gather3A_223, %mul3A_244 : vector<16xi32>
      %add3A_246 = arith.addi %mul3A_245, %gather3A_225 : vector<16xi32>
      %add3A_247 = arith.constant 120 : i32
      %add3A_248 = vector.broadcast %add3A_247 : i32 to vector<16xi32>
      %add3A_249 = arith.addi %add3A_246, %add3A_248 : vector<16xi32>
      %mul3A_250 = arith.constant 64 : i32
      %mul3A_251 = vector.broadcast %mul3A_250 : i32 to vector<16xi32>
      %mul3A_252 = arith.muli %add3A_249, %mul3A_251 : vector<16xi32>
      %swap3A_253 = arith.constant 176 : index
      %swap3A_254 = tpu.vector_load %arg7[%swap3A_253] {strides = array<i32>} : memref<640xi32, #tpu.memory_space<vmem>>, vector<16xi32>,
      tpu.vector_store %arg7[%swap3A_253], %mul3A_252 {strides = array<i32>} : memref<640xi32, #tpu.memory_space<vmem>>, vector<16xi32>,
      %mul3A_255 = arith.constant 11 : i32
      %mul3A_256 = vector.broadcast %mul3A_255 : i32 to vector<16xi32>
      %mul3A_257 = arith.muli %gather3A_227, %mul3A_256 : vector<16xi32>
      %add3A_258 = arith.addi %mul3A_257, %gather3A_229 : vector<16xi32>
      %add3A_259 = arith.constant 185 : i32
      %add3A_260 = vector.broadcast %add3A_259 : i32 to vector<16xi32>
      %add3A_261 = arith.addi %add3A_258, %add3A_260 : vector<16xi32>
      %mul3A_262 = arith.constant 64 : i32
      %mul3A_263 = vector.broadcast %mul3A_262 : i32 to vector<16xi32>
      %mul3A_264 = arith.muli %add3A_261, %mul3A_263 : vector<16xi32>
      %swap3A_265 = arith.constant 336 : index
      %swap3A_266 = tpu.vector_load %arg7[%swap3A_265] {strides = array<i32>} : memref<640xi32, #tpu.memory_space<vmem>>, vector<16xi32>,
      tpu.vector_store %arg7[%swap3A_265], %mul3A_264 {strides = array<i32>} : memref<640xi32, #tpu.memory_space<vmem>>, vector<16xi32>,
      %mul3A_267 = arith.constant 7 : i32
      %mul3A_268 = vector.broadcast %mul3A_267 : i32 to vector<16xi32>
      %mul3A_269 = arith.muli %gather3A_231, %mul3A_268 : vector<16xi32>
      %add3A_270 = arith.addi %mul3A_269, %gather3A_233 : vector<16xi32>
      %mul3A_271 = arith.constant 9 : i32
      %mul3A_272 = vector.broadcast %mul3A_271 : i32 to vector<16xi32>
      %mul3A_273 = arith.muli %add3A_270, %mul3A_272 : vector<16xi32>
      %mul3A_274 = arith.constant 3 : i32
      %mul3A_275 = vector.broadcast %mul3A_274 : i32 to vector<16xi32>
      %mul3A_276 = arith.muli %gather3A_235, %mul3A_275 : vector<16xi32>
      %add3A_277 = arith.addi %mul3A_273, %mul3A_276 : vector<16xi32>
      %add3A_278 = arith.addi %add3A_277, %gather3A_237 : vector<16xi32>
      %add3A_279 = arith.constant 328 : i32
      %add3A_280 = vector.broadcast %add3A_279 : i32 to vector<16xi32>
      %add3A_281 = arith.addi %add3A_278, %add3A_280 : vector<16xi32>
      %mul3A_282 = arith.constant 64 : i32
      %mul3A_283 = vector.broadcast %mul3A_282 : i32 to vector<16xi32>
      %mul3A_284 = arith.muli %add3A_281, %mul3A_283 : vector<16xi32>
      %swap3A_285 = arith.constant 496 : index
      %swap3A_286 = tpu.vector_load %arg7[%swap3A_285] {strides = array<i32>} : memref<640xi32, #tpu.memory_space<vmem>>, vector<16xi32>,
      tpu.vector_store %arg7[%swap3A_285], %mul3A_284 {strides = array<i32>} : memref<640xi32, #tpu.memory_space<vmem>>, vector<16xi32>,
      %add3A_287 = arith.constant 288 : i32
      %add3A_288 = arith.addi %mul3A_148, %add3A_287 : i32
      %broadcast_in_dim3A_289 = vector.broadcast %add3A_288 : i32 to vector<16xi32>
      %add3A_290 = arith.addi %broadcast_in_dim3A_289, %add3A_24 : vector<16xi32>
      %gather3A_291 = tpu.vector_load_idx %arg6[%add3A_290] : memref<2880xi32, #tpu.memory_space<vmem>>[vector<16xi32>], vector<16xi32>,
      %add3A_292 = arith.addi %broadcast_in_dim3A_289, %add3A_30 : vector<16xi32>
      %gather3A_293 = tpu.vector_load_idx %arg6[%add3A_292] : memref<2880xi32, #tpu.memory_space<vmem>>[vector<16xi32>], vector<16xi32>,
      %add3A_294 = arith.addi %broadcast_in_dim3A_289, %add3A_36 : vector<16xi32>
      %gather3A_295 = tpu.vector_load_idx %arg6[%add3A_294] : memref<2880xi32, #tpu.memory_space<vmem>>[vector<16xi32>], vector<16xi32>,
      %add3A_296 = arith.addi %broadcast_in_dim3A_289, %add3A_42 : vector<16xi32>
      %gather3A_297 = tpu.vector_load_idx %arg6[%add3A_296] : memref<2880xi32, #tpu.memory_space<vmem>>[vector<16xi32>], vector<16xi32>,
      %add3A_298 = arith.addi %broadcast_in_dim3A_289, %add3A_48 : vector<16xi32>
      %gather3A_299 = tpu.vector_load_idx %arg6[%add3A_298] : memref<2880xi32, #tpu.memory_space<vmem>>[vector<16xi32>], vector<16xi32>,
      %add3A_300 = arith.addi %broadcast_in_dim3A_289, %add3A_54 : vector<16xi32>
      %gather3A_301 = tpu.vector_load_idx %arg6[%add3A_300] : memref<2880xi32, #tpu.memory_space<vmem>>[vector<16xi32>], vector<16xi32>,
      %add3A_302 = arith.addi %broadcast_in_dim3A_289, %add3A_60 : vector<16xi32>
      %gather3A_303 = tpu.vector_load_idx %arg6[%add3A_302] : memref<2880xi32, #tpu.memory_space<vmem>>[vector<16xi32>], vector<16xi32>,
      %add3A_304 = arith.addi %broadcast_in_dim3A_289, %add3A_66 : vector<16xi32>
      %gather3A_305 = tpu.vector_load_idx %arg6[%add3A_304] : memref<2880xi32, #tpu.memory_space<vmem>>[vector<16xi32>], vector<16xi32>,
      %add3A_306 = arith.addi %broadcast_in_dim3A_289, %add3A_72 : vector<16xi32>
      %gather3A_307 = tpu.vector_load_idx %arg6[%add3A_306] : memref<2880xi32, #tpu.memory_space<vmem>>[vector<16xi32>], vector<16xi32>,
      %mul3A_308 = arith.constant 64 : i32
      %mul3A_309 = vector.broadcast %mul3A_308 : i32 to vector<16xi32>
      %mul3A_310 = arith.muli %gather3A_291, %mul3A_309 : vector<16xi32>
      %swap3A_311 = arith.constant 32 : index
      %swap3A_312 = tpu.vector_load %arg7[%swap3A_311] {strides = array<i32>} : memref<640xi32, #tpu.memory_space<vmem>>, vector<16xi32>,
      tpu.vector_store %arg7[%swap3A_311], %mul3A_310 {strides = array<i32>} : memref<640xi32, #tpu.memory_space<vmem>>, vector<16xi32>,
      %mul3A_313 = arith.constant 13 : i32
      %mul3A_314 = vector.broadcast %mul3A_313 : i32 to vector<16xi32>
      %mul3A_315 = arith.muli %gather3A_293, %mul3A_314 : vector<16xi32>
      %add3A_316 = arith.addi %mul3A_315, %gather3A_295 : vector<16xi32>
      %add3A_317 = arith.constant 120 : i32
      %add3A_318 = vector.broadcast %add3A_317 : i32 to vector<16xi32>
      %add3A_319 = arith.addi %add3A_316, %add3A_318 : vector<16xi32>
      %mul3A_320 = arith.constant 64 : i32
      %mul3A_321 = vector.broadcast %mul3A_320 : i32 to vector<16xi32>
      %mul3A_322 = arith.muli %add3A_319, %mul3A_321 : vector<16xi32>
      %swap3A_323 = arith.constant 192 : index
      %swap3A_324 = tpu.vector_load %arg7[%swap3A_323] {strides = array<i32>} : memref<640xi32, #tpu.memory_space<vmem>>, vector<16xi32>,
      tpu.vector_store %arg7[%swap3A_323], %mul3A_322 {strides = array<i32>} : memref<640xi32, #tpu.memory_space<vmem>>, vector<16xi32>,
      %mul3A_325 = arith.constant 11 : i32
      %mul3A_326 = vector.broadcast %mul3A_325 : i32 to vector<16xi32>
      %mul3A_327 = arith.muli %gather3A_297, %mul3A_326 : vector<16xi32>
      %add3A_328 = arith.addi %mul3A_327, %gather3A_299 : vector<16xi32>
      %add3A_329 = arith.constant 185 : i32
      %add3A_330 = vector.broadcast %add3A_329 : i32 to vector<16xi32>
      %add3A_331 = arith.addi %add3A_328, %add3A_330 : vector<16xi32>
      %mul3A_332 = arith.constant 64 : i32
      %mul3A_333 = vector.broadcast %mul3A_332 : i32 to vector<16xi32>
      %mul3A_334 = arith.muli %add3A_331, %mul3A_333 : vector<16xi32>
      %swap3A_335 = arith.constant 352 : index
      %swap3A_336 = tpu.vector_load %arg7[%swap3A_335] {strides = array<i32>} : memref<640xi32, #tpu.memory_space<vmem>>, vector<16xi32>,
      tpu.vector_store %arg7[%swap3A_335], %mul3A_334 {strides = array<i32>} : memref<640xi32, #tpu.memory_space<vmem>>, vector<16xi32>,
      %mul3A_337 = arith.constant 7 : i32
      %mul3A_338 = vector.broadcast %mul3A_337 : i32 to vector<16xi32>
      %mul3A_339 = arith.muli %gather3A_301, %mul3A_338 : vector<16xi32>
      %add3A_340 = arith.addi %mul3A_339, %gather3A_303 : vector<16xi32>
      %mul3A_341 = arith.constant 9 : i32
      %mul3A_342 = vector.broadcast %mul3A_341 : i32 to vector<16xi32>
      %mul3A_343 = arith.muli %add3A_340, %mul3A_342 : vector<16xi32>
      %mul3A_344 = arith.constant 3 : i32
      %mul3A_345 = vector.broadcast %mul3A_344 : i32 to vector<16xi32>
      %mul3A_346 = arith.muli %gather3A_305, %mul3A_345 : vector<16xi32>
      %add3A_347 = arith.addi %mul3A_343, %mul3A_346 : vector<16xi32>
      %add3A_348 = arith.addi %add3A_347, %gather3A_307 : vector<16xi32>
      %add3A_349 = arith.constant 328 : i32
      %add3A_350 = vector.broadcast %add3A_349 : i32 to vector<16xi32>
      %add3A_351 = arith.addi %add3A_348, %add3A_350 : vector<16xi32>
      %mul3A_352 = arith.constant 64 : i32
      %mul3A_353 = vector.broadcast %mul3A_352 : i32 to vector<16xi32>
      %mul3A_354 = arith.muli %add3A_351, %mul3A_353 : vector<16xi32>
      %swap3A_355 = arith.constant 512 : index
      %swap3A_356 = tpu.vector_load %arg7[%swap3A_355] {strides = array<i32>} : memref<640xi32, #tpu.memory_space<vmem>>, vector<16xi32>,
      tpu.vector_store %arg7[%swap3A_355], %mul3A_354 {strides = array<i32>} : memref<640xi32, #tpu.memory_space<vmem>>, vector<16xi32>,
      %add3A_357 = arith.constant 432 : i32
      %add3A_358 = arith.addi %mul3A_148, %add3A_357 : i32
      %broadcast_in_dim3A_359 = vector.broadcast %add3A_358 : i32 to vector<16xi32>
      %add3A_360 = arith.addi %broadcast_in_dim3A_359, %add3A_24 : vector<16xi32>
      %gather3A_361 = tpu.vector_load_idx %arg6[%add3A_360] : memref<2880xi32, #tpu.memory_space<vmem>>[vector<16xi32>], vector<16xi32>,
      %add3A_362 = arith.addi %broadcast_in_dim3A_359, %add3A_30 : vector<16xi32>
      %gather3A_363 = tpu.vector_load_idx %arg6[%add3A_362] : memref<2880xi32, #tpu.memory_space<vmem>>[vector<16xi32>], vector<16xi32>,
      %add3A_364 = arith.addi %broadcast_in_dim3A_359, %add3A_36 : vector<16xi32>
      %gather3A_365 = tpu.vector_load_idx %arg6[%add3A_364] : memref<2880xi32, #tpu.memory_space<vmem>>[vector<16xi32>], vector<16xi32>,
      %add3A_366 = arith.addi %broadcast_in_dim3A_359, %add3A_42 : vector<16xi32>
      %gather3A_367 = tpu.vector_load_idx %arg6[%add3A_366] : memref<2880xi32, #tpu.memory_space<vmem>>[vector<16xi32>], vector<16xi32>,
      %add3A_368 = arith.addi %broadcast_in_dim3A_359, %add3A_48 : vector<16xi32>
      %gather3A_369 = tpu.vector_load_idx %arg6[%add3A_368] : memref<2880xi32, #tpu.memory_space<vmem>>[vector<16xi32>], vector<16xi32>,
      %add3A_370 = arith.addi %broadcast_in_dim3A_359, %add3A_54 : vector<16xi32>
      %gather3A_371 = tpu.vector_load_idx %arg6[%add3A_370] : memref<2880xi32, #tpu.memory_space<vmem>>[vector<16xi32>], vector<16xi32>,
      %add3A_372 = arith.addi %broadcast_in_dim3A_359, %add3A_60 : vector<16xi32>
      %gather3A_373 = tpu.vector_load_idx %arg6[%add3A_372] : memref<2880xi32, #tpu.memory_space<vmem>>[vector<16xi32>], vector<16xi32>,
      %add3A_374 = arith.addi %broadcast_in_dim3A_359, %add3A_66 : vector<16xi32>
      %gather3A_375 = tpu.vector_load_idx %arg6[%add3A_374] : memref<2880xi32, #tpu.memory_space<vmem>>[vector<16xi32>], vector<16xi32>,
      %add3A_376 = arith.addi %broadcast_in_dim3A_359, %add3A_72 : vector<16xi32>
      %gather3A_377 = tpu.vector_load_idx %arg6[%add3A_376] : memref<2880xi32, #tpu.memory_space<vmem>>[vector<16xi32>], vector<16xi32>,
      %mul3A_378 = arith.constant 64 : i32
      %mul3A_379 = vector.broadcast %mul3A_378 : i32 to vector<16xi32>
      %mul3A_380 = arith.muli %gather3A_361, %mul3A_379 : vector<16xi32>
      %swap3A_381 = arith.constant 48 : index
      %swap3A_382 = tpu.vector_load %arg7[%swap3A_381] {strides = array<i32>} : memref<640xi32, #tpu.memory_space<vmem>>, vector<16xi32>,
      tpu.vector_store %arg7[%swap3A_381], %mul3A_380 {strides = array<i32>} : memref<640xi32, #tpu.memory_space<vmem>>, vector<16xi32>,
      %mul3A_383 = arith.constant 13 : i32
      %mul3A_384 = vector.broadcast %mul3A_383 : i32 to vector<16xi32>
      %mul3A_385 = arith.muli %gather3A_363, %mul3A_384 : vector<16xi32>
      %add3A_386 = arith.addi %mul3A_385, %gather3A_365 : vector<16xi32>
      %add3A_387 = arith.constant 120 : i32
      %add3A_388 = vector.broadcast %add3A_387 : i32 to vector<16xi32>
      %add3A_389 = arith.addi %add3A_386, %add3A_388 : vector<16xi32>
      %mul3A_390 = arith.constant 64 : i32
      %mul3A_391 = vector.broadcast %mul3A_390 : i32 to vector<16xi32>
      %mul3A_392 = arith.muli %add3A_389, %mul3A_391 : vector<16xi32>
      %swap3A_393 = arith.constant 208 : index
      %swap3A_394 = tpu.vector_load %arg7[%swap3A_393] {strides = array<i32>} : memref<640xi32, #tpu.memory_space<vmem>>, vector<16xi32>,
      tpu.vector_store %arg7[%swap3A_393], %mul3A_392 {strides = array<i32>} : memref<640xi32, #tpu.memory_space<vmem>>, vector<16xi32>,
      %mul3A_395 = arith.constant 11 : i32
      %mul3A_396 = vector.broadcast %mul3A_395 : i32 to vector<16xi32>
      %mul3A_397 = arith.muli %gather3A_367, %mul3A_396 : vector<16xi32>
      %add3A_398 = arith.addi %mul3A_397, %gather3A_369 : vector<16xi32>
      %add3A_399 = arith.constant 185 : i32
      %add3A_400 = vector.broadcast %add3A_399 : i32 to vector<16xi32>
      %add3A_401 = arith.addi %add3A_398, %add3A_400 : vector<16xi32>
      %mul3A_402 = arith.constant 64 : i32
      %mul3A_403 = vector.broadcast %mul3A_402 : i32 to vector<16xi32>
      %mul3A_404 = arith.muli %add3A_401, %mul3A_403 : vector<16xi32>
      %swap3A_405 = arith.constant 368 : index
      %swap3A_406 = tpu.vector_load %arg7[%swap3A_405] {strides = array<i32>} : memref<640xi32, #tpu.memory_space<vmem>>, vector<16xi32>,
      tpu.vector_store %arg7[%swap3A_405], %mul3A_404 {strides = array<i32>} : memref<640xi32, #tpu.memory_space<vmem>>, vector<16xi32>,
      %mul3A_407 = arith.constant 7 : i32
      %mul3A_408 = vector.broadcast %mul3A_407 : i32 to vector<16xi32>
      %mul3A_409 = arith.muli %gather3A_371, %mul3A_408 : vector<16xi32>
      %add3A_410 = arith.addi %mul3A_409, %gather3A_373 : vector<16xi32>
      %mul3A_411 = arith.constant 9 : i32
      %mul3A_412 = vector.broadcast %mul3A_411 : i32 to vector<16xi32>
      %mul3A_413 = arith.muli %add3A_410, %mul3A_412 : vector<16xi32>
      %mul3A_414 = arith.constant 3 : i32
      %mul3A_415 = vector.broadcast %mul3A_414 : i32 to vector<16xi32>
      %mul3A_416 = arith.muli %gather3A_375, %mul3A_415 : vector<16xi32>
      %add3A_417 = arith.addi %mul3A_413, %mul3A_416 : vector<16xi32>
      %add3A_418 = arith.addi %add3A_417, %gather3A_377 : vector<16xi32>
      %add3A_419 = arith.constant 328 : i32
      %add3A_420 = vector.broadcast %add3A_419 : i32 to vector<16xi32>
      %add3A_421 = arith.addi %add3A_418, %add3A_420 : vector<16xi32>
      %mul3A_422 = arith.constant 64 : i32
      %mul3A_423 = vector.broadcast %mul3A_422 : i32 to vector<16xi32>
      %mul3A_424 = arith.muli %add3A_421, %mul3A_423 : vector<16xi32>
      %swap3A_425 = arith.constant 528 : index
      %swap3A_426 = tpu.vector_load %arg7[%swap3A_425] {strides = array<i32>} : memref<640xi32, #tpu.memory_space<vmem>>, vector<16xi32>,
      tpu.vector_store %arg7[%swap3A_425], %mul3A_424 {strides = array<i32>} : memref<640xi32, #tpu.memory_space<vmem>>, vector<16xi32>,
      %add3A_427 = arith.constant 576 : i32
      %add3A_428 = arith.addi %mul3A_148, %add3A_427 : i32
      %broadcast_in_dim3A_429 = vector.broadcast %add3A_428 : i32 to vector<16xi32>
      %add3A_430 = arith.addi %broadcast_in_dim3A_429, %add3A_24 : vector<16xi32>
      %gather3A_431 = tpu.vector_load_idx %arg6[%add3A_430] : memref<2880xi32, #tpu.memory_space<vmem>>[vector<16xi32>], vector<16xi32>,
      %add3A_432 = arith.addi %broadcast_in_dim3A_429, %add3A_30 : vector<16xi32>
      %gather3A_433 = tpu.vector_load_idx %arg6[%add3A_432] : memref<2880xi32, #tpu.memory_space<vmem>>[vector<16xi32>], vector<16xi32>,
      %add3A_434 = arith.addi %broadcast_in_dim3A_429, %add3A_36 : vector<16xi32>
      %gather3A_435 = tpu.vector_load_idx %arg6[%add3A_434] : memref<2880xi32, #tpu.memory_space<vmem>>[vector<16xi32>], vector<16xi32>,
      %add3A_436 = arith.addi %broadcast_in_dim3A_429, %add3A_42 : vector<16xi32>
      %gather3A_437 = tpu.vector_load_idx %arg6[%add3A_436] : memref<2880xi32, #tpu.memory_space<vmem>>[vector<16xi32>], vector<16xi32>,
      %add3A_438 = arith.addi %broadcast_in_dim3A_429, %add3A_48 : vector<16xi32>
      %gather3A_439 = tpu.vector_load_idx %arg6[%add3A_438] : memref<2880xi32, #tpu.memory_space<vmem>>[vector<16xi32>], vector<16xi32>,
      %add3A_440 = arith.addi %broadcast_in_dim3A_429, %add3A_54 : vector<16xi32>
      %gather3A_441 = tpu.vector_load_idx %arg6[%add3A_440] : memref<2880xi32, #tpu.memory_space<vmem>>[vector<16xi32>], vector<16xi32>,
      %add3A_442 = arith.addi %broadcast_in_dim3A_429, %add3A_60 : vector<16xi32>
      %gather3A_443 = tpu.vector_load_idx %arg6[%add3A_442] : memref<2880xi32, #tpu.memory_space<vmem>>[vector<16xi32>], vector<16xi32>,
      %add3A_444 = arith.addi %broadcast_in_dim3A_429, %add3A_66 : vector<16xi32>
      %gather3A_445 = tpu.vector_load_idx %arg6[%add3A_444] : memref<2880xi32, #tpu.memory_space<vmem>>[vector<16xi32>], vector<16xi32>,
      %add3A_446 = arith.addi %broadcast_in_dim3A_429, %add3A_72 : vector<16xi32>
      %gather3A_447 = tpu.vector_load_idx %arg6[%add3A_446] : memref<2880xi32, #tpu.memory_space<vmem>>[vector<16xi32>], vector<16xi32>,
      %mul3A_448 = arith.constant 64 : i32
      %mul3A_449 = vector.broadcast %mul3A_448 : i32 to vector<16xi32>
      %mul3A_450 = arith.muli %gather3A_431, %mul3A_449 : vector<16xi32>
      %swap3A_451 = arith.constant 64 : index
      %swap3A_452 = tpu.vector_load %arg7[%swap3A_451] {strides = array<i32>} : memref<640xi32, #tpu.memory_space<vmem>>, vector<16xi32>,
      tpu.vector_store %arg7[%swap3A_451], %mul3A_450 {strides = array<i32>} : memref<640xi32, #tpu.memory_space<vmem>>, vector<16xi32>,
      %mul3A_453 = arith.constant 13 : i32
      %mul3A_454 = vector.broadcast %mul3A_453 : i32 to vector<16xi32>
      %mul3A_455 = arith.muli %gather3A_433, %mul3A_454 : vector<16xi32>
      %add3A_456 = arith.addi %mul3A_455, %gather3A_435 : vector<16xi32>
      %add3A_457 = arith.constant 120 : i32
      %add3A_458 = vector.broadcast %add3A_457 : i32 to vector<16xi32>
      %add3A_459 = arith.addi %add3A_456, %add3A_458 : vector<16xi32>
      %mul3A_460 = arith.constant 64 : i32
      %mul3A_461 = vector.broadcast %mul3A_460 : i32 to vector<16xi32>
      %mul3A_462 = arith.muli %add3A_459, %mul3A_461 : vector<16xi32>
      %swap3A_463 = arith.constant 224 : index
      %swap3A_464 = tpu.vector_load %arg7[%swap3A_463] {strides = array<i32>} : memref<640xi32, #tpu.memory_space<vmem>>, vector<16xi32>,
      tpu.vector_store %arg7[%swap3A_463], %mul3A_462 {strides = array<i32>} : memref<640xi32, #tpu.memory_space<vmem>>, vector<16xi32>,
      %mul3A_465 = arith.constant 11 : i32
      %mul3A_466 = vector.broadcast %mul3A_465 : i32 to vector<16xi32>
      %mul3A_467 = arith.muli %gather3A_437, %mul3A_466 : vector<16xi32>
      %add3A_468 = arith.addi %mul3A_467, %gather3A_439 : vector<16xi32>
      %add3A_469 = arith.constant 185 : i32
      %add3A_470 = vector.broadcast %add3A_469 : i32 to vector<16xi32>
      %add3A_471 = arith.addi %add3A_468, %add3A_470 : vector<16xi32>
      %mul3A_472 = arith.constant 64 : i32
      %mul3A_473 = vector.broadcast %mul3A_472 : i32 to vector<16xi32>
      %mul3A_474 = arith.muli %add3A_471, %mul3A_473 : vector<16xi32>
      %swap3A_475 = arith.constant 384 : index
      %swap3A_476 = tpu.vector_load %arg7[%swap3A_475] {strides = array<i32>} : memref<640xi32, #tpu.memory_space<vmem>>, vector<16xi32>,
      tpu.vector_store %arg7[%swap3A_475], %mul3A_474 {strides = array<i32>} : memref<640xi32, #tpu.memory_space<vmem>>, vector<16xi32>,
      %mul3A_477 = arith.constant 7 : i32
      %mul3A_478 = vector.broadcast %mul3A_477 : i32 to vector<16xi32>
      %mul3A_479 = arith.muli %gather3A_441, %mul3A_478 : vector<16xi32>
      %add3A_480 = arith.addi %mul3A_479, %gather3A_443 : vector<16xi32>
      %mul3A_481 = arith.constant 9 : i32
      %mul3A_482 = vector.broadcast %mul3A_481 : i32 to vector<16xi32>
      %mul3A_483 = arith.muli %add3A_480, %mul3A_482 : vector<16xi32>
      %mul3A_484 = arith.constant 3 : i32
      %mul3A_485 = vector.broadcast %mul3A_484 : i32 to vector<16xi32>
      %mul3A_486 = arith.muli %gather3A_445, %mul3A_485 : vector<16xi32>
      %add3A_487 = arith.addi %mul3A_483, %mul3A_486 : vector<16xi32>
      %add3A_488 = arith.addi %add3A_487, %gather3A_447 : vector<16xi32>
      %add3A_489 = arith.constant 328 : i32
      %add3A_490 = vector.broadcast %add3A_489 : i32 to vector<16xi32>
      %add3A_491 = arith.addi %add3A_488, %add3A_490 : vector<16xi32>
      %mul3A_492 = arith.constant 64 : i32
      %mul3A_493 = vector.broadcast %mul3A_492 : i32 to vector<16xi32>
      %mul3A_494 = arith.muli %add3A_491, %mul3A_493 : vector<16xi32>
      %swap3A_495 = arith.constant 544 : index
      %swap3A_496 = tpu.vector_load %arg7[%swap3A_495] {strides = array<i32>} : memref<640xi32, #tpu.memory_space<vmem>>, vector<16xi32>,
      tpu.vector_store %arg7[%swap3A_495], %mul3A_494 {strides = array<i32>} : memref<640xi32, #tpu.memory_space<vmem>>, vector<16xi32>,
      %add3A_497 = arith.constant 720 : i32
      %add3A_498 = arith.addi %mul3A_148, %add3A_497 : i32
      %broadcast_in_dim3A_499 = vector.broadcast %add3A_498 : i32 to vector<16xi32>
      %add3A_500 = arith.addi %broadcast_in_dim3A_499, %add3A_24 : vector<16xi32>
      %gather3A_501 = tpu.vector_load_idx %arg6[%add3A_500] : memref<2880xi32, #tpu.memory_space<vmem>>[vector<16xi32>], vector<16xi32>,
      %add3A_502 = arith.addi %broadcast_in_dim3A_499, %add3A_30 : vector<16xi32>
      %gather3A_503 = tpu.vector_load_idx %arg6[%add3A_502] : memref<2880xi32, #tpu.memory_space<vmem>>[vector<16xi32>], vector<16xi32>,
      %add3A_504 = arith.addi %broadcast_in_dim3A_499, %add3A_36 : vector<16xi32>
      %gather3A_505 = tpu.vector_load_idx %arg6[%add3A_504] : memref<2880xi32, #tpu.memory_space<vmem>>[vector<16xi32>], vector<16xi32>,
      %add3A_506 = arith.addi %broadcast_in_dim3A_499, %add3A_42 : vector<16xi32>
      %gather3A_507 = tpu.vector_load_idx %arg6[%add3A_506] : memref<2880xi32, #tpu.memory_space<vmem>>[vector<16xi32>], vector<16xi32>,
      %add3A_508 = arith.addi %broadcast_in_dim3A_499, %add3A_48 : vector<16xi32>
      %gather3A_509 = tpu.vector_load_idx %arg6[%add3A_508] : memref<2880xi32, #tpu.memory_space<vmem>>[vector<16xi32>], vector<16xi32>,
      %add3A_510 = arith.addi %broadcast_in_dim3A_499, %add3A_54 : vector<16xi32>
      %gather3A_511 = tpu.vector_load_idx %arg6[%add3A_510] : memref<2880xi32, #tpu.memory_space<vmem>>[vector<16xi32>], vector<16xi32>,
      %add3A_512 = arith.addi %broadcast_in_dim3A_499, %add3A_60 : vector<16xi32>
      %gather3A_513 = tpu.vector_load_idx %arg6[%add3A_512] : memref<2880xi32, #tpu.memory_space<vmem>>[vector<16xi32>], vector<16xi32>,
      %add3A_514 = arith.addi %broadcast_in_dim3A_499, %add3A_66 : vector<16xi32>
      %gather3A_515 = tpu.vector_load_idx %arg6[%add3A_514] : memref<2880xi32, #tpu.memory_space<vmem>>[vector<16xi32>], vector<16xi32>,
      %add3A_516 = arith.addi %broadcast_in_dim3A_499, %add3A_72 : vector<16xi32>
      %gather3A_517 = tpu.vector_load_idx %arg6[%add3A_516] : memref<2880xi32, #tpu.memory_space<vmem>>[vector<16xi32>], vector<16xi32>,
      %mul3A_518 = arith.constant 64 : i32
      %mul3A_519 = vector.broadcast %mul3A_518 : i32 to vector<16xi32>
      %mul3A_520 = arith.muli %gather3A_501, %mul3A_519 : vector<16xi32>
      %swap3A_521 = arith.constant 80 : index
      %swap3A_522 = tpu.vector_load %arg7[%swap3A_521] {strides = array<i32>} : memref<640xi32, #tpu.memory_space<vmem>>, vector<16xi32>,
      tpu.vector_store %arg7[%swap3A_521], %mul3A_520 {strides = array<i32>} : memref<640xi32, #tpu.memory_space<vmem>>, vector<16xi32>,
      %mul3A_523 = arith.constant 13 : i32
      %mul3A_524 = vector.broadcast %mul3A_523 : i32 to vector<16xi32>
      %mul3A_525 = arith.muli %gather3A_503, %mul3A_524 : vector<16xi32>
      %add3A_526 = arith.addi %mul3A_525, %gather3A_505 : vector<16xi32>
      %add3A_527 = arith.constant 120 : i32
      %add3A_528 = vector.broadcast %add3A_527 : i32 to vector<16xi32>
      %add3A_529 = arith.addi %add3A_526, %add3A_528 : vector<16xi32>
      %mul3A_530 = arith.constant 64 : i32
      %mul3A_531 = vector.broadcast %mul3A_530 : i32 to vector<16xi32>
      %mul3A_532 = arith.muli %add3A_529, %mul3A_531 : vector<16xi32>
      %swap3A_533 = arith.constant 240 : index
      %swap3A_534 = tpu.vector_load %arg7[%swap3A_533] {strides = array<i32>} : memref<640xi32, #tpu.memory_space<vmem>>, vector<16xi32>,
      tpu.vector_store %arg7[%swap3A_533], %mul3A_532 {strides = array<i32>} : memref<640xi32, #tpu.memory_space<vmem>>, vector<16xi32>,
      %mul3A_535 = arith.constant 11 : i32
      %mul3A_536 = vector.broadcast %mul3A_535 : i32 to vector<16xi32>
      %mul3A_537 = arith.muli %gather3A_507, %mul3A_536 : vector<16xi32>
      %add3A_538 = arith.addi %mul3A_537, %gather3A_509 : vector<16xi32>
      %add3A_539 = arith.constant 185 : i32
      %add3A_540 = vector.broadcast %add3A_539 : i32 to vector<16xi32>
      %add3A_541 = arith.addi %add3A_538, %add3A_540 : vector<16xi32>
      %mul3A_542 = arith.constant 64 : i32
      %mul3A_543 = vector.broadcast %mul3A_542 : i32 to vector<16xi32>
      %mul3A_544 = arith.muli %add3A_541, %mul3A_543 : vector<16xi32>
      %swap3A_545 = arith.constant 400 : index
      %swap3A_546 = tpu.vector_load %arg7[%swap3A_545] {strides = array<i32>} : memref<640xi32, #tpu.memory_space<vmem>>, vector<16xi32>,
      tpu.vector_store %arg7[%swap3A_545], %mul3A_544 {strides = array<i32>} : memref<640xi32, #tpu.memory_space<vmem>>, vector<16xi32>,
      %mul3A_547 = arith.constant 7 : i32
      %mul3A_548 = vector.broadcast %mul3A_547 : i32 to vector<16xi32>
      %mul3A_549 = arith.muli %gather3A_511, %mul3A_548 : vector<16xi32>
      %add3A_550 = arith.addi %mul3A_549, %gather3A_513 : vector<16xi32>
      %mul3A_551 = arith.constant 9 : i32
      %mul3A_552 = vector.broadcast %mul3A_551 : i32 to vector<16xi32>
      %mul3A_553 = arith.muli %add3A_550, %mul3A_552 : vector<16xi32>
      %mul3A_554 = arith.constant 3 : i32
      %mul3A_555 = vector.broadcast %mul3A_554 : i32 to vector<16xi32>
      %mul3A_556 = arith.muli %gather3A_515, %mul3A_555 : vector<16xi32>
      %add3A_557 = arith.addi %mul3A_553, %mul3A_556 : vector<16xi32>
      %add3A_558 = arith.addi %add3A_557, %gather3A_517 : vector<16xi32>
      %add3A_559 = arith.constant 328 : i32
      %add3A_560 = vector.broadcast %add3A_559 : i32 to vector<16xi32>
      %add3A_561 = arith.addi %add3A_558, %add3A_560 : vector<16xi32>
      %mul3A_562 = arith.constant 64 : i32
      %mul3A_563 = vector.broadcast %mul3A_562 : i32 to vector<16xi32>
      %mul3A_564 = arith.muli %add3A_561, %mul3A_563 : vector<16xi32>
      %swap3A_565 = arith.constant 560 : index
      %swap3A_566 = tpu.vector_load %arg7[%swap3A_565] {strides = array<i32>} : memref<640xi32, #tpu.memory_space<vmem>>, vector<16xi32>,
      tpu.vector_store %arg7[%swap3A_565], %mul3A_564 {strides = array<i32>} : memref<640xi32, #tpu.memory_space<vmem>>, vector<16xi32>,
      %add3A_567 = arith.constant 864 : i32
      %add3A_568 = arith.addi %mul3A_148, %add3A_567 : i32
      %broadcast_in_dim3A_569 = vector.broadcast %add3A_568 : i32 to vector<16xi32>
      %add3A_570 = arith.addi %broadcast_in_dim3A_569, %add3A_24 : vector<16xi32>
      %gather3A_571 = tpu.vector_load_idx %arg6[%add3A_570] : memref<2880xi32, #tpu.memory_space<vmem>>[vector<16xi32>], vector<16xi32>,
      %add3A_572 = arith.addi %broadcast_in_dim3A_569, %add3A_30 : vector<16xi32>
      %gather3A_573 = tpu.vector_load_idx %arg6[%add3A_572] : memref<2880xi32, #tpu.memory_space<vmem>>[vector<16xi32>], vector<16xi32>,
      %add3A_574 = arith.addi %broadcast_in_dim3A_569, %add3A_36 : vector<16xi32>
      %gather3A_575 = tpu.vector_load_idx %arg6[%add3A_574] : memref<2880xi32, #tpu.memory_space<vmem>>[vector<16xi32>], vector<16xi32>,
      %add3A_576 = arith.addi %broadcast_in_dim3A_569, %add3A_42 : vector<16xi32>
      %gather3A_577 = tpu.vector_load_idx %arg6[%add3A_576] : memref<2880xi32, #tpu.memory_space<vmem>>[vector<16xi32>], vector<16xi32>,
      %add3A_578 = arith.addi %broadcast_in_dim3A_569, %add3A_48 : vector<16xi32>
      %gather3A_579 = tpu.vector_load_idx %arg6[%add3A_578] : memref<2880xi32, #tpu.memory_space<vmem>>[vector<16xi32>], vector<16xi32>,
      %add3A_580 = arith.addi %broadcast_in_dim3A_569, %add3A_54 : vector<16xi32>
      %gather3A_581 = tpu.vector_load_idx %arg6[%add3A_580] : memref<2880xi32, #tpu.memory_space<vmem>>[vector<16xi32>], vector<16xi32>,
      %add3A_582 = arith.addi %broadcast_in_dim3A_569, %add3A_60 : vector<16xi32>
      %gather3A_583 = tpu.vector_load_idx %arg6[%add3A_582] : memref<2880xi32, #tpu.memory_space<vmem>>[vector<16xi32>], vector<16xi32>,
      %add3A_584 = arith.addi %broadcast_in_dim3A_569, %add3A_66 : vector<16xi32>
      %gather3A_585 = tpu.vector_load_idx %arg6[%add3A_584] : memref<2880xi32, #tpu.memory_space<vmem>>[vector<16xi32>], vector<16xi32>,
      %add3A_586 = arith.addi %broadcast_in_dim3A_569, %add3A_72 : vector<16xi32>
      %gather3A_587 = tpu.vector_load_idx %arg6[%add3A_586] : memref<2880xi32, #tpu.memory_space<vmem>>[vector<16xi32>], vector<16xi32>,
      %mul3A_588 = arith.constant 64 : i32
      %mul3A_589 = vector.broadcast %mul3A_588 : i32 to vector<16xi32>
      %mul3A_590 = arith.muli %gather3A_571, %mul3A_589 : vector<16xi32>
      %swap3A_591 = arith.constant 96 : index
      %swap3A_592 = tpu.vector_load %arg7[%swap3A_591] {strides = array<i32>} : memref<640xi32, #tpu.memory_space<vmem>>, vector<16xi32>,
      tpu.vector_store %arg7[%swap3A_591], %mul3A_590 {strides = array<i32>} : memref<640xi32, #tpu.memory_space<vmem>>, vector<16xi32>,
      %mul3A_593 = arith.constant 13 : i32
      %mul3A_594 = vector.broadcast %mul3A_593 : i32 to vector<16xi32>
      %mul3A_595 = arith.muli %gather3A_573, %mul3A_594 : vector<16xi32>
      %add3A_596 = arith.addi %mul3A_595, %gather3A_575 : vector<16xi32>
      %add3A_597 = arith.constant 120 : i32
      %add3A_598 = vector.broadcast %add3A_597 : i32 to vector<16xi32>
      %add3A_599 = arith.addi %add3A_596, %add3A_598 : vector<16xi32>
      %mul3A_600 = arith.constant 64 : i32
      %mul3A_601 = vector.broadcast %mul3A_600 : i32 to vector<16xi32>
      %mul3A_602 = arith.muli %add3A_599, %mul3A_601 : vector<16xi32>
      %swap3A_603 = arith.constant 256 : index
      %swap3A_604 = tpu.vector_load %arg7[%swap3A_603] {strides = array<i32>} : memref<640xi32, #tpu.memory_space<vmem>>, vector<16xi32>,
      tpu.vector_store %arg7[%swap3A_603], %mul3A_602 {strides = array<i32>} : memref<640xi32, #tpu.memory_space<vmem>>, vector<16xi32>,
      %mul3A_605 = arith.constant 11 : i32
      %mul3A_606 = vector.broadcast %mul3A_605 : i32 to vector<16xi32>
      %mul3A_607 = arith.muli %gather3A_577, %mul3A_606 : vector<16xi32>
      %add3A_608 = arith.addi %mul3A_607, %gather3A_579 : vector<16xi32>
      %add3A_609 = arith.constant 185 : i32
      %add3A_610 = vector.broadcast %add3A_609 : i32 to vector<16xi32>
      %add3A_611 = arith.addi %add3A_608, %add3A_610 : vector<16xi32>
      %mul3A_612 = arith.constant 64 : i32
      %mul3A_613 = vector.broadcast %mul3A_612 : i32 to vector<16xi32>
      %mul3A_614 = arith.muli %add3A_611, %mul3A_613 : vector<16xi32>
      %swap3A_615 = arith.constant 416 : index
      %swap3A_616 = tpu.vector_load %arg7[%swap3A_615] {strides = array<i32>} : memref<640xi32, #tpu.memory_space<vmem>>, vector<16xi32>,
      tpu.vector_store %arg7[%swap3A_615], %mul3A_614 {strides = array<i32>} : memref<640xi32, #tpu.memory_space<vmem>>, vector<16xi32>,
      %mul3A_617 = arith.constant 7 : i32
      %mul3A_618 = vector.broadcast %mul3A_617 : i32 to vector<16xi32>
      %mul3A_619 = arith.muli %gather3A_581, %mul3A_618 : vector<16xi32>
      %add3A_620 = arith.addi %mul3A_619, %gather3A_583 : vector<16xi32>
      %mul3A_621 = arith.constant 9 : i32
      %mul3A_622 = vector.broadcast %mul3A_621 : i32 to vector<16xi32>
      %mul3A_623 = arith.muli %add3A_620, %mul3A_622 : vector<16xi32>
      %mul3A_624 = arith.constant 3 : i32
      %mul3A_625 = vector.broadcast %mul3A_624 : i32 to vector<16xi32>
      %mul3A_626 = arith.muli %gather3A_585, %mul3A_625 : vector<16xi32>
      %add3A_627 = arith.addi %mul3A_623, %mul3A_626 : vector<16xi32>
      %add3A_628 = arith.addi %add3A_627, %gather3A_587 : vector<16xi32>
      %add3A_629 = arith.constant 328 : i32
      %add3A_630 = vector.broadcast %add3A_629 : i32 to vector<16xi32>
      %add3A_631 = arith.addi %add3A_628, %add3A_630 : vector<16xi32>
      %mul3A_632 = arith.constant 64 : i32
      %mul3A_633 = vector.broadcast %mul3A_632 : i32 to vector<16xi32>
      %mul3A_634 = arith.muli %add3A_631, %mul3A_633 : vector<16xi32>
      %swap3A_635 = arith.constant 576 : index
      %swap3A_636 = tpu.vector_load %arg7[%swap3A_635] {strides = array<i32>} : memref<640xi32, #tpu.memory_space<vmem>>, vector<16xi32>,
      tpu.vector_store %arg7[%swap3A_635], %mul3A_634 {strides = array<i32>} : memref<640xi32, #tpu.memory_space<vmem>>, vector<16xi32>,
      %add3A_637 = arith.constant 1008 : i32
      %add3A_638 = arith.addi %mul3A_148, %add3A_637 : i32
      %broadcast_in_dim3A_639 = vector.broadcast %add3A_638 : i32 to vector<16xi32>
      %add3A_640 = arith.addi %broadcast_in_dim3A_639, %add3A_24 : vector<16xi32>
      %gather3A_641 = tpu.vector_load_idx %arg6[%add3A_640] : memref<2880xi32, #tpu.memory_space<vmem>>[vector<16xi32>], vector<16xi32>,
      %add3A_642 = arith.addi %broadcast_in_dim3A_639, %add3A_30 : vector<16xi32>
      %gather3A_643 = tpu.vector_load_idx %arg6[%add3A_642] : memref<2880xi32, #tpu.memory_space<vmem>>[vector<16xi32>], vector<16xi32>,
      %add3A_644 = arith.addi %broadcast_in_dim3A_639, %add3A_36 : vector<16xi32>
      %gather3A_645 = tpu.vector_load_idx %arg6[%add3A_644] : memref<2880xi32, #tpu.memory_space<vmem>>[vector<16xi32>], vector<16xi32>,
      %add3A_646 = arith.addi %broadcast_in_dim3A_639, %add3A_42 : vector<16xi32>
      %gather3A_647 = tpu.vector_load_idx %arg6[%add3A_646] : memref<2880xi32, #tpu.memory_space<vmem>>[vector<16xi32>], vector<16xi32>,
      %add3A_648 = arith.addi %broadcast_in_dim3A_639, %add3A_48 : vector<16xi32>
      %gather3A_649 = tpu.vector_load_idx %arg6[%add3A_648] : memref<2880xi32, #tpu.memory_space<vmem>>[vector<16xi32>], vector<16xi32>,
      %add3A_650 = arith.addi %broadcast_in_dim3A_639, %add3A_54 : vector<16xi32>
      %gather3A_651 = tpu.vector_load_idx %arg6[%add3A_650] : memref<2880xi32, #tpu.memory_space<vmem>>[vector<16xi32>], vector<16xi32>,
      %add3A_652 = arith.addi %broadcast_in_dim3A_639, %add3A_60 : vector<16xi32>
      %gather3A_653 = tpu.vector_load_idx %arg6[%add3A_652] : memref<2880xi32, #tpu.memory_space<vmem>>[vector<16xi32>], vector<16xi32>,
      %add3A_654 = arith.addi %broadcast_in_dim3A_639, %add3A_66 : vector<16xi32>
      %gather3A_655 = tpu.vector_load_idx %arg6[%add3A_654] : memref<2880xi32, #tpu.memory_space<vmem>>[vector<16xi32>], vector<16xi32>,
      %add3A_656 = arith.addi %broadcast_in_dim3A_639, %add3A_72 : vector<16xi32>
      %gather3A_657 = tpu.vector_load_idx %arg6[%add3A_656] : memref<2880xi32, #tpu.memory_space<vmem>>[vector<16xi32>], vector<16xi32>,
      %mul3A_658 = arith.constant 64 : i32
      %mul3A_659 = vector.broadcast %mul3A_658 : i32 to vector<16xi32>
      %mul3A_660 = arith.muli %gather3A_641, %mul3A_659 : vector<16xi32>
      %swap3A_661 = arith.constant 112 : index
      %swap3A_662 = tpu.vector_load %arg7[%swap3A_661] {strides = array<i32>} : memref<640xi32, #tpu.memory_space<vmem>>, vector<16xi32>,
      tpu.vector_store %arg7[%swap3A_661], %mul3A_660 {strides = array<i32>} : memref<640xi32, #tpu.memory_space<vmem>>, vector<16xi32>,
      %mul3A_663 = arith.constant 13 : i32
      %mul3A_664 = vector.broadcast %mul3A_663 : i32 to vector<16xi32>
      %mul3A_665 = arith.muli %gather3A_643, %mul3A_664 : vector<16xi32>
      %add3A_666 = arith.addi %mul3A_665, %gather3A_645 : vector<16xi32>
      %add3A_667 = arith.constant 120 : i32
      %add3A_668 = vector.broadcast %add3A_667 : i32 to vector<16xi32>
      %add3A_669 = arith.addi %add3A_666, %add3A_668 : vector<16xi32>
      %mul3A_670 = arith.constant 64 : i32
      %mul3A_671 = vector.broadcast %mul3A_670 : i32 to vector<16xi32>
      %mul3A_672 = arith.muli %add3A_669, %mul3A_671 : vector<16xi32>
      %swap3A_673 = arith.constant 272 : index
      %swap3A_674 = tpu.vector_load %arg7[%swap3A_673] {strides = array<i32>} : memref<640xi32, #tpu.memory_space<vmem>>, vector<16xi32>,
      tpu.vector_store %arg7[%swap3A_673], %mul3A_672 {strides = array<i32>} : memref<640xi32, #tpu.memory_space<vmem>>, vector<16xi32>,
      %mul3A_675 = arith.constant 11 : i32
      %mul3A_676 = vector.broadcast %mul3A_675 : i32 to vector<16xi32>
      %mul3A_677 = arith.muli %gather3A_647, %mul3A_676 : vector<16xi32>
      %add3A_678 = arith.addi %mul3A_677, %gather3A_649 : vector<16xi32>
      %add3A_679 = arith.constant 185 : i32
      %add3A_680 = vector.broadcast %add3A_679 : i32 to vector<16xi32>
      %add3A_681 = arith.addi %add3A_678, %add3A_680 : vector<16xi32>
      %mul3A_682 = arith.constant 64 : i32
      %mul3A_683 = vector.broadcast %mul3A_682 : i32 to vector<16xi32>
      %mul3A_684 = arith.muli %add3A_681, %mul3A_683 : vector<16xi32>
      %swap3A_685 = arith.constant 432 : index
      %swap3A_686 = tpu.vector_load %arg7[%swap3A_685] {strides = array<i32>} : memref<640xi32, #tpu.memory_space<vmem>>, vector<16xi32>,
      tpu.vector_store %arg7[%swap3A_685], %mul3A_684 {strides = array<i32>} : memref<640xi32, #tpu.memory_space<vmem>>, vector<16xi32>,
      %mul3A_687 = arith.constant 7 : i32
      %mul3A_688 = vector.broadcast %mul3A_687 : i32 to vector<16xi32>
      %mul3A_689 = arith.muli %gather3A_651, %mul3A_688 : vector<16xi32>
      %add3A_690 = arith.addi %mul3A_689, %gather3A_653 : vector<16xi32>
      %mul3A_691 = arith.constant 9 : i32
      %mul3A_692 = vector.broadcast %mul3A_691 : i32 to vector<16xi32>
      %mul3A_693 = arith.muli %add3A_690, %mul3A_692 : vector<16xi32>
      %mul3A_694 = arith.constant 3 : i32
      %mul3A_695 = vector.broadcast %mul3A_694 : i32 to vector<16xi32>
      %mul3A_696 = arith.muli %gather3A_655, %mul3A_695 : vector<16xi32>
      %add3A_697 = arith.addi %mul3A_693, %mul3A_696 : vector<16xi32>
      %add3A_698 = arith.addi %add3A_697, %gather3A_657 : vector<16xi32>
      %add3A_699 = arith.constant 328 : i32
      %add3A_700 = vector.broadcast %add3A_699 : i32 to vector<16xi32>
      %add3A_701 = arith.addi %add3A_698, %add3A_700 : vector<16xi32>
      %mul3A_702 = arith.constant 64 : i32
      %mul3A_703 = vector.broadcast %mul3A_702 : i32 to vector<16xi32>
      %mul3A_704 = arith.muli %add3A_701, %mul3A_703 : vector<16xi32>
      %swap3A_705 = arith.constant 592 : index
      %swap3A_706 = tpu.vector_load %arg7[%swap3A_705] {strides = array<i32>} : memref<640xi32, #tpu.memory_space<vmem>>, vector<16xi32>,
      tpu.vector_store %arg7[%swap3A_705], %mul3A_704 {strides = array<i32>} : memref<640xi32, #tpu.memory_space<vmem>>, vector<16xi32>,
      %add3A_707 = arith.constant 1152 : i32
      %add3A_708 = arith.addi %mul3A_148, %add3A_707 : i32
      %broadcast_in_dim3A_709 = vector.broadcast %add3A_708 : i32 to vector<16xi32>
      %add3A_710 = arith.addi %broadcast_in_dim3A_709, %add3A_24 : vector<16xi32>
      %gather3A_711 = tpu.vector_load_idx %arg6[%add3A_710] : memref<2880xi32, #tpu.memory_space<vmem>>[vector<16xi32>], vector<16xi32>,
      %add3A_712 = arith.addi %broadcast_in_dim3A_709, %add3A_30 : vector<16xi32>
      %gather3A_713 = tpu.vector_load_idx %arg6[%add3A_712] : memref<2880xi32, #tpu.memory_space<vmem>>[vector<16xi32>], vector<16xi32>,
      %add3A_714 = arith.addi %broadcast_in_dim3A_709, %add3A_36 : vector<16xi32>
      %gather3A_715 = tpu.vector_load_idx %arg6[%add3A_714] : memref<2880xi32, #tpu.memory_space<vmem>>[vector<16xi32>], vector<16xi32>,
      %add3A_716 = arith.addi %broadcast_in_dim3A_709, %add3A_42 : vector<16xi32>
      %gather3A_717 = tpu.vector_load_idx %arg6[%add3A_716] : memref<2880xi32, #tpu.memory_space<vmem>>[vector<16xi32>], vector<16xi32>,
      %add3A_718 = arith.addi %broadcast_in_dim3A_709, %add3A_48 : vector<16xi32>
      %gather3A_719 = tpu.vector_load_idx %arg6[%add3A_718] : memref<2880xi32, #tpu.memory_space<vmem>>[vector<16xi32>], vector<16xi32>,
      %add3A_720 = arith.addi %broadcast_in_dim3A_709, %add3A_54 : vector<16xi32>
      %gather3A_721 = tpu.vector_load_idx %arg6[%add3A_720] : memref<2880xi32, #tpu.memory_space<vmem>>[vector<16xi32>], vector<16xi32>,
      %add3A_722 = arith.addi %broadcast_in_dim3A_709, %add3A_60 : vector<16xi32>
      %gather3A_723 = tpu.vector_load_idx %arg6[%add3A_722] : memref<2880xi32, #tpu.memory_space<vmem>>[vector<16xi32>], vector<16xi32>,
      %add3A_724 = arith.addi %broadcast_in_dim3A_709, %add3A_66 : vector<16xi32>
      %gather3A_725 = tpu.vector_load_idx %arg6[%add3A_724] : memref<2880xi32, #tpu.memory_space<vmem>>[vector<16xi32>], vector<16xi32>,
      %add3A_726 = arith.addi %broadcast_in_dim3A_709, %add3A_72 : vector<16xi32>
      %gather3A_727 = tpu.vector_load_idx %arg6[%add3A_726] : memref<2880xi32, #tpu.memory_space<vmem>>[vector<16xi32>], vector<16xi32>,
      %mul3A_728 = arith.constant 64 : i32
      %mul3A_729 = vector.broadcast %mul3A_728 : i32 to vector<16xi32>
      %mul3A_730 = arith.muli %gather3A_711, %mul3A_729 : vector<16xi32>
      %swap3A_731 = arith.constant 128 : index
      %swap3A_732 = tpu.vector_load %arg7[%swap3A_731] {strides = array<i32>} : memref<640xi32, #tpu.memory_space<vmem>>, vector<16xi32>,
      tpu.vector_store %arg7[%swap3A_731], %mul3A_730 {strides = array<i32>} : memref<640xi32, #tpu.memory_space<vmem>>, vector<16xi32>,
      %mul3A_733 = arith.constant 13 : i32
      %mul3A_734 = vector.broadcast %mul3A_733 : i32 to vector<16xi32>
      %mul3A_735 = arith.muli %gather3A_713, %mul3A_734 : vector<16xi32>
      %add3A_736 = arith.addi %mul3A_735, %gather3A_715 : vector<16xi32>
      %add3A_737 = arith.constant 120 : i32
      %add3A_738 = vector.broadcast %add3A_737 : i32 to vector<16xi32>
      %add3A_739 = arith.addi %add3A_736, %add3A_738 : vector<16xi32>
      %mul3A_740 = arith.constant 64 : i32
      %mul3A_741 = vector.broadcast %mul3A_740 : i32 to vector<16xi32>
      %mul3A_742 = arith.muli %add3A_739, %mul3A_741 : vector<16xi32>
      %swap3A_743 = arith.constant 288 : index
      %swap3A_744 = tpu.vector_load %arg7[%swap3A_743] {strides = array<i32>} : memref<640xi32, #tpu.memory_space<vmem>>, vector<16xi32>,
      tpu.vector_store %arg7[%swap3A_743], %mul3A_742 {strides = array<i32>} : memref<640xi32, #tpu.memory_space<vmem>>, vector<16xi32>,
      %mul3A_745 = arith.constant 11 : i32
      %mul3A_746 = vector.broadcast %mul3A_745 : i32 to vector<16xi32>
      %mul3A_747 = arith.muli %gather3A_717, %mul3A_746 : vector<16xi32>
      %add3A_748 = arith.addi %mul3A_747, %gather3A_719 : vector<16xi32>
      %add3A_749 = arith.constant 185 : i32
      %add3A_750 = vector.broadcast %add3A_749 : i32 to vector<16xi32>
      %add3A_751 = arith.addi %add3A_748, %add3A_750 : vector<16xi32>
      %mul3A_752 = arith.constant 64 : i32
      %mul3A_753 = vector.broadcast %mul3A_752 : i32 to vector<16xi32>
      %mul3A_754 = arith.muli %add3A_751, %mul3A_753 : vector<16xi32>
      %swap3A_755 = arith.constant 448 : index
      %swap3A_756 = tpu.vector_load %arg7[%swap3A_755] {strides = array<i32>} : memref<640xi32, #tpu.memory_space<vmem>>, vector<16xi32>,
      tpu.vector_store %arg7[%swap3A_755], %mul3A_754 {strides = array<i32>} : memref<640xi32, #tpu.memory_space<vmem>>, vector<16xi32>,
      %mul3A_757 = arith.constant 7 : i32
      %mul3A_758 = vector.broadcast %mul3A_757 : i32 to vector<16xi32>
      %mul3A_759 = arith.muli %gather3A_721, %mul3A_758 : vector<16xi32>
      %add3A_760 = arith.addi %mul3A_759, %gather3A_723 : vector<16xi32>
      %mul3A_761 = arith.constant 9 : i32
      %mul3A_762 = vector.broadcast %mul3A_761 : i32 to vector<16xi32>
      %mul3A_763 = arith.muli %add3A_760, %mul3A_762 : vector<16xi32>
      %mul3A_764 = arith.constant 3 : i32
      %mul3A_765 = vector.broadcast %mul3A_764 : i32 to vector<16xi32>
      %mul3A_766 = arith.muli %gather3A_725, %mul3A_765 : vector<16xi32>
      %add3A_767 = arith.addi %mul3A_763, %mul3A_766 : vector<16xi32>
      %add3A_768 = arith.addi %add3A_767, %gather3A_727 : vector<16xi32>
      %add3A_769 = arith.constant 328 : i32
      %add3A_770 = vector.broadcast %add3A_769 : i32 to vector<16xi32>
      %add3A_771 = arith.addi %add3A_768, %add3A_770 : vector<16xi32>
      %mul3A_772 = arith.constant 64 : i32
      %mul3A_773 = vector.broadcast %mul3A_772 : i32 to vector<16xi32>
      %mul3A_774 = arith.muli %add3A_771, %mul3A_773 : vector<16xi32>
      %swap3A_775 = arith.constant 608 : index
      %swap3A_776 = tpu.vector_load %arg7[%swap3A_775] {strides = array<i32>} : memref<640xi32, #tpu.memory_space<vmem>>, vector<16xi32>,
      tpu.vector_store %arg7[%swap3A_775], %mul3A_774 {strides = array<i32>} : memref<640xi32, #tpu.memory_space<vmem>>, vector<16xi32>,
      %add3A_777 = arith.constant 1296 : i32
      %add3A_778 = arith.addi %mul3A_148, %add3A_777 : i32
      %broadcast_in_dim3A_779 = vector.broadcast %add3A_778 : i32 to vector<16xi32>
      %add3A_780 = arith.addi %broadcast_in_dim3A_779, %add3A_24 : vector<16xi32>
      %gather3A_781 = tpu.vector_load_idx %arg6[%add3A_780] : memref<2880xi32, #tpu.memory_space<vmem>>[vector<16xi32>], vector<16xi32>,
      %add3A_782 = arith.addi %broadcast_in_dim3A_779, %add3A_30 : vector<16xi32>
      %gather3A_783 = tpu.vector_load_idx %arg6[%add3A_782] : memref<2880xi32, #tpu.memory_space<vmem>>[vector<16xi32>], vector<16xi32>,
      %add3A_784 = arith.addi %broadcast_in_dim3A_779, %add3A_36 : vector<16xi32>
      %gather3A_785 = tpu.vector_load_idx %arg6[%add3A_784] : memref<2880xi32, #tpu.memory_space<vmem>>[vector<16xi32>], vector<16xi32>,
      %add3A_786 = arith.addi %broadcast_in_dim3A_779, %add3A_42 : vector<16xi32>
      %gather3A_787 = tpu.vector_load_idx %arg6[%add3A_786] : memref<2880xi32, #tpu.memory_space<vmem>>[vector<16xi32>], vector<16xi32>,
      %add3A_788 = arith.addi %broadcast_in_dim3A_779, %add3A_48 : vector<16xi32>
      %gather3A_789 = tpu.vector_load_idx %arg6[%add3A_788] : memref<2880xi32, #tpu.memory_space<vmem>>[vector<16xi32>], vector<16xi32>,
      %add3A_790 = arith.addi %broadcast_in_dim3A_779, %add3A_54 : vector<16xi32>
      %gather3A_791 = tpu.vector_load_idx %arg6[%add3A_790] : memref<2880xi32, #tpu.memory_space<vmem>>[vector<16xi32>], vector<16xi32>,
      %add3A_792 = arith.addi %broadcast_in_dim3A_779, %add3A_60 : vector<16xi32>
      %gather3A_793 = tpu.vector_load_idx %arg6[%add3A_792] : memref<2880xi32, #tpu.memory_space<vmem>>[vector<16xi32>], vector<16xi32>,
      %add3A_794 = arith.addi %broadcast_in_dim3A_779, %add3A_66 : vector<16xi32>
      %gather3A_795 = tpu.vector_load_idx %arg6[%add3A_794] : memref<2880xi32, #tpu.memory_space<vmem>>[vector<16xi32>], vector<16xi32>,
      %add3A_796 = arith.addi %broadcast_in_dim3A_779, %add3A_72 : vector<16xi32>
      %gather3A_797 = tpu.vector_load_idx %arg6[%add3A_796] : memref<2880xi32, #tpu.memory_space<vmem>>[vector<16xi32>], vector<16xi32>,
      %mul3A_798 = arith.constant 64 : i32
      %mul3A_799 = vector.broadcast %mul3A_798 : i32 to vector<16xi32>
      %mul3A_800 = arith.muli %gather3A_781, %mul3A_799 : vector<16xi32>
      %swap3A_801 = arith.constant 144 : index
      %swap3A_802 = tpu.vector_load %arg7[%swap3A_801] {strides = array<i32>} : memref<640xi32, #tpu.memory_space<vmem>>, vector<16xi32>,
      tpu.vector_store %arg7[%swap3A_801], %mul3A_800 {strides = array<i32>} : memref<640xi32, #tpu.memory_space<vmem>>, vector<16xi32>,
      %mul3A_803 = arith.constant 13 : i32
      %mul3A_804 = vector.broadcast %mul3A_803 : i32 to vector<16xi32>
      %mul3A_805 = arith.muli %gather3A_783, %mul3A_804 : vector<16xi32>
      %add3A_806 = arith.addi %mul3A_805, %gather3A_785 : vector<16xi32>
      %add3A_807 = arith.constant 120 : i32
      %add3A_808 = vector.broadcast %add3A_807 : i32 to vector<16xi32>
      %add3A_809 = arith.addi %add3A_806, %add3A_808 : vector<16xi32>
      %mul3A_810 = arith.constant 64 : i32
      %mul3A_811 = vector.broadcast %mul3A_810 : i32 to vector<16xi32>
      %mul3A_812 = arith.muli %add3A_809, %mul3A_811 : vector<16xi32>
      %swap3A_813 = arith.constant 304 : index
      %swap3A_814 = tpu.vector_load %arg7[%swap3A_813] {strides = array<i32>} : memref<640xi32, #tpu.memory_space<vmem>>, vector<16xi32>,
      tpu.vector_store %arg7[%swap3A_813], %mul3A_812 {strides = array<i32>} : memref<640xi32, #tpu.memory_space<vmem>>, vector<16xi32>,
      %mul3A_815 = arith.constant 11 : i32
      %mul3A_816 = vector.broadcast %mul3A_815 : i32 to vector<16xi32>
      %mul3A_817 = arith.muli %gather3A_787, %mul3A_816 : vector<16xi32>
      %add3A_818 = arith.addi %mul3A_817, %gather3A_789 : vector<16xi32>
      %add3A_819 = arith.constant 185 : i32
      %add3A_820 = vector.broadcast %add3A_819 : i32 to vector<16xi32>
      %add3A_821 = arith.addi %add3A_818, %add3A_820 : vector<16xi32>
      %mul3A_822 = arith.constant 64 : i32
      %mul3A_823 = vector.broadcast %mul3A_822 : i32 to vector<16xi32>
      %mul3A_824 = arith.muli %add3A_821, %mul3A_823 : vector<16xi32>
      %swap3A_825 = arith.constant 464 : index
      %swap3A_826 = tpu.vector_load %arg7[%swap3A_825] {strides = array<i32>} : memref<640xi32, #tpu.memory_space<vmem>>, vector<16xi32>,
      tpu.vector_store %arg7[%swap3A_825], %mul3A_824 {strides = array<i32>} : memref<640xi32, #tpu.memory_space<vmem>>, vector<16xi32>,
      %mul3A_827 = arith.constant 7 : i32
      %mul3A_828 = vector.broadcast %mul3A_827 : i32 to vector<16xi32>
      %mul3A_829 = arith.muli %gather3A_791, %mul3A_828 : vector<16xi32>
      %add3A_830 = arith.addi %mul3A_829, %gather3A_793 : vector<16xi32>
      %mul3A_831 = arith.constant 9 : i32
      %mul3A_832 = vector.broadcast %mul3A_831 : i32 to vector<16xi32>
      %mul3A_833 = arith.muli %add3A_830, %mul3A_832 : vector<16xi32>
      %mul3A_834 = arith.constant 3 : i32
      %mul3A_835 = vector.broadcast %mul3A_834 : i32 to vector<16xi32>
      %mul3A_836 = arith.muli %gather3A_795, %mul3A_835 : vector<16xi32>
      %add3A_837 = arith.addi %mul3A_833, %mul3A_836 : vector<16xi32>
      %add3A_838 = arith.addi %add3A_837, %gather3A_797 : vector<16xi32>
      %add3A_839 = arith.constant 328 : i32
      %add3A_840 = vector.broadcast %add3A_839 : i32 to vector<16xi32>
      %add3A_841 = arith.addi %add3A_838, %add3A_840 : vector<16xi32>
      %mul3A_842 = arith.constant 64 : i32
      %mul3A_843 = vector.broadcast %mul3A_842 : i32 to vector<16xi32>
      %mul3A_844 = arith.muli %add3A_841, %mul3A_843 : vector<16xi32>
      %swap3A_845 = arith.constant 624 : index
      %swap3A_846 = tpu.vector_load %arg7[%swap3A_845] {strides = array<i32>} : memref<640xi32, #tpu.memory_space<vmem>>, vector<16xi32>,
      tpu.vector_store %arg7[%swap3A_845], %mul3A_844 {strides = array<i32>} : memref<640xi32, #tpu.memory_space<vmem>>, vector<16xi32>,
      %mul3A_847 = arith.constant 160 : i32
      %mul3A_848 = arith.muli %rem3A_129, %mul3A_847 : i32
      %parallel_loop3A = arith.constant 0 : i32
      %parallel_loop3A_849 = arith.constant 160 : i32
      %parallel_loop3A_850 = arith.constant 1 : i32
      scf.for %parallel_loop3A_865 = %parallel_loop3A to %parallel_loop3A_849 step %parallel_loop3A_850  : i32 {
        %parallel_loop3A_866 = vector.broadcast %parallel_loop3A_865 : i32 to vector<16xi32>
        %parallel_loop3A_867 = arith.addi %broadcast_in_dim3A_73, %parallel_loop3A_866 : vector<16xi32>
        %parallel_loop3A_868 = tpu.vector_load_idx %arg7[%parallel_loop3A_867] : memref<640xi32, #tpu.memory_space<vmem>>[vector<16xi32>], vector<16xi32>,
        %parallel_loop3A_869 = arith.addi %parallel_loop3A_868, %add3A_9 : vector<16xi32>
        %parallel_loop3A_870 = tpu.vector_load_idx %arg5[%parallel_loop3A_869] : memref<49216xi32, #tpu.memory_space<vmem>>[vector<16xi32>], vector<16xi32>,
        %parallel_loop3A_871 = tpu.bitcast %parallel_loop3A_870 : vector<16xi32> -> vector<16xf32>
        %parallel_loop3A_872 = arith.constant 16 : i32
        %parallel_loop3A_873 = vector.broadcast %parallel_loop3A_872 : i32 to vector<16xi32>
        %parallel_loop3A_874 = arith.shli %parallel_loop3A_870, %parallel_loop3A_873 : vector<16xi32>
        %parallel_loop3A_875 = tpu.bitcast %parallel_loop3A_874 : vector<16xi32> -> vector<16xf32>
        %parallel_loop3A_876 = arith.addi %parallel_loop3A_868, %add3A_12 : vector<16xi32>
        %parallel_loop3A_877 = tpu.vector_load_idx %arg5[%parallel_loop3A_876] : memref<49216xi32, #tpu.memory_space<vmem>>[vector<16xi32>], vector<16xi32>,
        %parallel_loop3A_878 = tpu.bitcast %parallel_loop3A_877 : vector<16xi32> -> vector<16xf32>
        %parallel_loop3A_879 = arith.constant 16 : i32
        %parallel_loop3A_880 = vector.broadcast %parallel_loop3A_879 : i32 to vector<16xi32>
        %parallel_loop3A_881 = arith.shli %parallel_loop3A_877, %parallel_loop3A_880 : vector<16xi32>
        %parallel_loop3A_882 = tpu.bitcast %parallel_loop3A_881 : vector<16xi32> -> vector<16xf32>
        %parallel_loop3A_883 = arith.addi %parallel_loop3A_868, %add3A_15 : vector<16xi32>
        %parallel_loop3A_884 = tpu.vector_load_idx %arg5[%parallel_loop3A_883] : memref<49216xi32, #tpu.memory_space<vmem>>[vector<16xi32>], vector<16xi32>,
        %parallel_loop3A_885 = tpu.bitcast %parallel_loop3A_884 : vector<16xi32> -> vector<16xf32>
        %parallel_loop3A_886 = arith.constant 16 : i32
        %parallel_loop3A_887 = vector.broadcast %parallel_loop3A_886 : i32 to vector<16xi32>
        %parallel_loop3A_888 = arith.shli %parallel_loop3A_884, %parallel_loop3A_887 : vector<16xi32>
        %parallel_loop3A_889 = tpu.bitcast %parallel_loop3A_888 : vector<16xi32> -> vector<16xf32>
        %parallel_loop3A_890 = arith.addi %parallel_loop3A_868, %add3A_18 : vector<16xi32>
        %parallel_loop3A_891 = tpu.vector_load_idx %arg5[%parallel_loop3A_890] : memref<49216xi32, #tpu.memory_space<vmem>>[vector<16xi32>], vector<16xi32>,
        %parallel_loop3A_892 = tpu.bitcast %parallel_loop3A_891 : vector<16xi32> -> vector<16xf32>
        %parallel_loop3A_893 = arith.constant 16 : i32
        %parallel_loop3A_894 = vector.broadcast %parallel_loop3A_893 : i32 to vector<16xi32>
        %parallel_loop3A_895 = arith.shli %parallel_loop3A_891, %parallel_loop3A_894 : vector<16xi32>
        %parallel_loop3A_896 = tpu.bitcast %parallel_loop3A_895 : vector<16xi32> -> vector<16xf32>
        %parallel_loop3A_897 = arith.addi %broadcast_in_dim3A_75, %parallel_loop3A_866 : vector<16xi32>
        %parallel_loop3A_898 = tpu.vector_load_idx %arg7[%parallel_loop3A_897] : memref<640xi32, #tpu.memory_space<vmem>>[vector<16xi32>], vector<16xi32>,
        %parallel_loop3A_899 = arith.addi %parallel_loop3A_898, %add3A_9 : vector<16xi32>
        %parallel_loop3A_900 = tpu.vector_load_idx %arg5[%parallel_loop3A_899] : memref<49216xi32, #tpu.memory_space<vmem>>[vector<16xi32>], vector<16xi32>,
        %parallel_loop3A_901 = tpu.bitcast %parallel_loop3A_900 : vector<16xi32> -> vector<16xf32>
        %parallel_loop3A_902 = arith.constant 16 : i32
        %parallel_loop3A_903 = vector.broadcast %parallel_loop3A_902 : i32 to vector<16xi32>
        %parallel_loop3A_904 = arith.shli %parallel_loop3A_900, %parallel_loop3A_903 : vector<16xi32>
        %parallel_loop3A_905 = tpu.bitcast %parallel_loop3A_904 : vector<16xi32> -> vector<16xf32>
        %parallel_loop3A_906 = arith.addf %parallel_loop3A_871, %parallel_loop3A_901 : vector<16xf32>
        %parallel_loop3A_907 = arith.addf %parallel_loop3A_875, %parallel_loop3A_905 : vector<16xf32>
        %parallel_loop3A_908 = arith.addi %parallel_loop3A_898, %add3A_12 : vector<16xi32>
        %parallel_loop3A_909 = tpu.vector_load_idx %arg5[%parallel_loop3A_908] : memref<49216xi32, #tpu.memory_space<vmem>>[vector<16xi32>], vector<16xi32>,
        %parallel_loop3A_910 = tpu.bitcast %parallel_loop3A_909 : vector<16xi32> -> vector<16xf32>
        %parallel_loop3A_911 = arith.constant 16 : i32
        %parallel_loop3A_912 = vector.broadcast %parallel_loop3A_911 : i32 to vector<16xi32>
        %parallel_loop3A_913 = arith.shli %parallel_loop3A_909, %parallel_loop3A_912 : vector<16xi32>
        %parallel_loop3A_914 = tpu.bitcast %parallel_loop3A_913 : vector<16xi32> -> vector<16xf32>
        %parallel_loop3A_915 = arith.addf %parallel_loop3A_878, %parallel_loop3A_910 : vector<16xf32>
        %parallel_loop3A_916 = arith.addf %parallel_loop3A_882, %parallel_loop3A_914 : vector<16xf32>
        %parallel_loop3A_917 = arith.addi %parallel_loop3A_898, %add3A_15 : vector<16xi32>
        %parallel_loop3A_918 = tpu.vector_load_idx %arg5[%parallel_loop3A_917] : memref<49216xi32, #tpu.memory_space<vmem>>[vector<16xi32>], vector<16xi32>,
        %parallel_loop3A_919 = tpu.bitcast %parallel_loop3A_918 : vector<16xi32> -> vector<16xf32>
        %parallel_loop3A_920 = arith.constant 16 : i32
        %parallel_loop3A_921 = vector.broadcast %parallel_loop3A_920 : i32 to vector<16xi32>
        %parallel_loop3A_922 = arith.shli %parallel_loop3A_918, %parallel_loop3A_921 : vector<16xi32>
        %parallel_loop3A_923 = tpu.bitcast %parallel_loop3A_922 : vector<16xi32> -> vector<16xf32>
        %parallel_loop3A_924 = arith.addf %parallel_loop3A_885, %parallel_loop3A_919 : vector<16xf32>
        %parallel_loop3A_925 = arith.addf %parallel_loop3A_889, %parallel_loop3A_923 : vector<16xf32>
        %parallel_loop3A_926 = arith.addi %parallel_loop3A_898, %add3A_18 : vector<16xi32>
        %parallel_loop3A_927 = tpu.vector_load_idx %arg5[%parallel_loop3A_926] : memref<49216xi32, #tpu.memory_space<vmem>>[vector<16xi32>], vector<16xi32>,
        %parallel_loop3A_928 = tpu.bitcast %parallel_loop3A_927 : vector<16xi32> -> vector<16xf32>
        %parallel_loop3A_929 = arith.constant 16 : i32
        %parallel_loop3A_930 = vector.broadcast %parallel_loop3A_929 : i32 to vector<16xi32>
        %parallel_loop3A_931 = arith.shli %parallel_loop3A_927, %parallel_loop3A_930 : vector<16xi32>
        %parallel_loop3A_932 = tpu.bitcast %parallel_loop3A_931 : vector<16xi32> -> vector<16xf32>
        %parallel_loop3A_933 = arith.addf %parallel_loop3A_892, %parallel_loop3A_928 : vector<16xf32>
        %parallel_loop3A_934 = arith.addf %parallel_loop3A_896, %parallel_loop3A_932 : vector<16xf32>
        %parallel_loop3A_935 = arith.addi %broadcast_in_dim3A_77, %parallel_loop3A_866 : vector<16xi32>
        %parallel_loop3A_936 = tpu.vector_load_idx %arg7[%parallel_loop3A_935] : memref<640xi32, #tpu.memory_space<vmem>>[vector<16xi32>], vector<16xi32>,
        %parallel_loop3A_937 = arith.addi %parallel_loop3A_936, %add3A_9 : vector<16xi32>
        %parallel_loop3A_938 = tpu.vector_load_idx %arg5[%parallel_loop3A_937] : memref<49216xi32, #tpu.memory_space<vmem>>[vector<16xi32>], vector<16xi32>,
        %parallel_loop3A_939 = tpu.bitcast %parallel_loop3A_938 : vector<16xi32> -> vector<16xf32>
        %parallel_loop3A_940 = arith.constant 16 : i32
        %parallel_loop3A_941 = vector.broadcast %parallel_loop3A_940 : i32 to vector<16xi32>
        %parallel_loop3A_942 = arith.shli %parallel_loop3A_938, %parallel_loop3A_941 : vector<16xi32>
        %parallel_loop3A_943 = tpu.bitcast %parallel_loop3A_942 : vector<16xi32> -> vector<16xf32>
        %parallel_loop3A_944 = arith.addf %parallel_loop3A_906, %parallel_loop3A_939 : vector<16xf32>
        %parallel_loop3A_945 = arith.addf %parallel_loop3A_907, %parallel_loop3A_943 : vector<16xf32>
        %parallel_loop3A_946 = arith.addi %parallel_loop3A_936, %add3A_12 : vector<16xi32>
        %parallel_loop3A_947 = tpu.vector_load_idx %arg5[%parallel_loop3A_946] : memref<49216xi32, #tpu.memory_space<vmem>>[vector<16xi32>], vector<16xi32>,
        %parallel_loop3A_948 = tpu.bitcast %parallel_loop3A_947 : vector<16xi32> -> vector<16xf32>
        %parallel_loop3A_949 = arith.constant 16 : i32
        %parallel_loop3A_950 = vector.broadcast %parallel_loop3A_949 : i32 to vector<16xi32>
        %parallel_loop3A_951 = arith.shli %parallel_loop3A_947, %parallel_loop3A_950 : vector<16xi32>
        %parallel_loop3A_952 = tpu.bitcast %parallel_loop3A_951 : vector<16xi32> -> vector<16xf32>
        %parallel_loop3A_953 = arith.addf %parallel_loop3A_915, %parallel_loop3A_948 : vector<16xf32>
        %parallel_loop3A_954 = arith.addf %parallel_loop3A_916, %parallel_loop3A_952 : vector<16xf32>
        %parallel_loop3A_955 = arith.addi %parallel_loop3A_936, %add3A_15 : vector<16xi32>
        %parallel_loop3A_956 = tpu.vector_load_idx %arg5[%parallel_loop3A_955] : memref<49216xi32, #tpu.memory_space<vmem>>[vector<16xi32>], vector<16xi32>,
        %parallel_loop3A_957 = tpu.bitcast %parallel_loop3A_956 : vector<16xi32> -> vector<16xf32>
        %parallel_loop3A_958 = arith.constant 16 : i32
        %parallel_loop3A_959 = vector.broadcast %parallel_loop3A_958 : i32 to vector<16xi32>
        %parallel_loop3A_960 = arith.shli %parallel_loop3A_956, %parallel_loop3A_959 : vector<16xi32>
        %parallel_loop3A_961 = tpu.bitcast %parallel_loop3A_960 : vector<16xi32> -> vector<16xf32>
        %parallel_loop3A_962 = arith.addf %parallel_loop3A_924, %parallel_loop3A_957 : vector<16xf32>
        %parallel_loop3A_963 = arith.addf %parallel_loop3A_925, %parallel_loop3A_961 : vector<16xf32>
        %parallel_loop3A_964 = arith.addi %parallel_loop3A_936, %add3A_18 : vector<16xi32>
        %parallel_loop3A_965 = tpu.vector_load_idx %arg5[%parallel_loop3A_964] : memref<49216xi32, #tpu.memory_space<vmem>>[vector<16xi32>], vector<16xi32>,
        %parallel_loop3A_966 = tpu.bitcast %parallel_loop3A_965 : vector<16xi32> -> vector<16xf32>
        %parallel_loop3A_967 = arith.constant 16 : i32
        %parallel_loop3A_968 = vector.broadcast %parallel_loop3A_967 : i32 to vector<16xi32>
        %parallel_loop3A_969 = arith.shli %parallel_loop3A_965, %parallel_loop3A_968 : vector<16xi32>
        %parallel_loop3A_970 = tpu.bitcast %parallel_loop3A_969 : vector<16xi32> -> vector<16xf32>
        %parallel_loop3A_971 = arith.addf %parallel_loop3A_933, %parallel_loop3A_966 : vector<16xf32>
        %parallel_loop3A_972 = arith.addf %parallel_loop3A_934, %parallel_loop3A_970 : vector<16xf32>
        %parallel_loop3A_973 = arith.addi %broadcast_in_dim3A_79, %parallel_loop3A_866 : vector<16xi32>
        %parallel_loop3A_974 = tpu.vector_load_idx %arg7[%parallel_loop3A_973] : memref<640xi32, #tpu.memory_space<vmem>>[vector<16xi32>], vector<16xi32>,
        %parallel_loop3A_975 = arith.addi %parallel_loop3A_974, %add3A_9 : vector<16xi32>
        %parallel_loop3A_976 = tpu.vector_load_idx %arg5[%parallel_loop3A_975] : memref<49216xi32, #tpu.memory_space<vmem>>[vector<16xi32>], vector<16xi32>,
        %parallel_loop3A_977 = tpu.bitcast %parallel_loop3A_976 : vector<16xi32> -> vector<16xf32>
        %parallel_loop3A_978 = arith.constant 16 : i32
        %parallel_loop3A_979 = vector.broadcast %parallel_loop3A_978 : i32 to vector<16xi32>
        %parallel_loop3A_980 = arith.shli %parallel_loop3A_976, %parallel_loop3A_979 : vector<16xi32>
        %parallel_loop3A_981 = tpu.bitcast %parallel_loop3A_980 : vector<16xi32> -> vector<16xf32>
        %parallel_loop3A_982 = arith.addf %parallel_loop3A_944, %parallel_loop3A_977 : vector<16xf32>
        %parallel_loop3A_983 = arith.addf %parallel_loop3A_945, %parallel_loop3A_981 : vector<16xf32>
        %parallel_loop3A_984 = arith.addi %parallel_loop3A_974, %add3A_12 : vector<16xi32>
        %parallel_loop3A_985 = tpu.vector_load_idx %arg5[%parallel_loop3A_984] : memref<49216xi32, #tpu.memory_space<vmem>>[vector<16xi32>], vector<16xi32>,
        %parallel_loop3A_986 = tpu.bitcast %parallel_loop3A_985 : vector<16xi32> -> vector<16xf32>
        %parallel_loop3A_987 = arith.constant 16 : i32
        %parallel_loop3A_988 = vector.broadcast %parallel_loop3A_987 : i32 to vector<16xi32>
        %parallel_loop3A_989 = arith.shli %parallel_loop3A_985, %parallel_loop3A_988 : vector<16xi32>
        %parallel_loop3A_990 = tpu.bitcast %parallel_loop3A_989 : vector<16xi32> -> vector<16xf32>
        %parallel_loop3A_991 = arith.addf %parallel_loop3A_953, %parallel_loop3A_986 : vector<16xf32>
        %parallel_loop3A_992 = arith.addf %parallel_loop3A_954, %parallel_loop3A_990 : vector<16xf32>
        %parallel_loop3A_993 = arith.addi %parallel_loop3A_974, %add3A_15 : vector<16xi32>
        %parallel_loop3A_994 = tpu.vector_load_idx %arg5[%parallel_loop3A_993] : memref<49216xi32, #tpu.memory_space<vmem>>[vector<16xi32>], vector<16xi32>,
        %parallel_loop3A_995 = tpu.bitcast %parallel_loop3A_994 : vector<16xi32> -> vector<16xf32>
        %parallel_loop3A_996 = arith.constant 16 : i32
        %parallel_loop3A_997 = vector.broadcast %parallel_loop3A_996 : i32 to vector<16xi32>
        %parallel_loop3A_998 = arith.shli %parallel_loop3A_994, %parallel_loop3A_997 : vector<16xi32>
        %parallel_loop3A_999 = tpu.bitcast %parallel_loop3A_998 : vector<16xi32> -> vector<16xf32>
        %parallel_loop3A_1000 = arith.addf %parallel_loop3A_962, %parallel_loop3A_995 : vector<16xf32>
        %parallel_loop3A_1001 = arith.addf %parallel_loop3A_963, %parallel_loop3A_999 : vector<16xf32>
        %parallel_loop3A_1002 = arith.addi %parallel_loop3A_974, %add3A_18 : vector<16xi32>
        %parallel_loop3A_1003 = tpu.vector_load_idx %arg5[%parallel_loop3A_1002] : memref<49216xi32, #tpu.memory_space<vmem>>[vector<16xi32>], vector<16xi32>,
        %parallel_loop3A_1004 = tpu.bitcast %parallel_loop3A_1003 : vector<16xi32> -> vector<16xf32>
        %parallel_loop3A_1005 = arith.constant 16 : i32
        %parallel_loop3A_1006 = vector.broadcast %parallel_loop3A_1005 : i32 to vector<16xi32>
        %parallel_loop3A_1007 = arith.shli %parallel_loop3A_1003, %parallel_loop3A_1006 : vector<16xi32>
        %parallel_loop3A_1008 = tpu.bitcast %parallel_loop3A_1007 : vector<16xi32> -> vector<16xf32>
        %parallel_loop3A_1009 = arith.addf %parallel_loop3A_971, %parallel_loop3A_1004 : vector<16xf32>
        %parallel_loop3A_1010 = arith.addf %parallel_loop3A_972, %parallel_loop3A_1008 : vector<16xf32>
        %parallel_loop3A_1011 = arith.addi %mul3A_848, %parallel_loop3A_865 : i32
        %parallel_loop3A_1012 = arith.index_cast %parallel_loop3A_1011 : i32 to index
        %parallel_loop3A_1013 = arith.constant 0 : index
        %parallel_loop3A_1014 = tpu.vector_load %arg8[%parallel_loop3A_1012, %parallel_loop3A_1013] {strides = array<i32>} : memref<320x128xf32, #tpu.memory_space<vmem>>, vector<16xf32>,
        tpu.vector_store %arg8[%parallel_loop3A_1012, %parallel_loop3A_1013], %parallel_loop3A_982 {strides = array<i32>} : memref<320x128xf32, #tpu.memory_space<vmem>>, vector<16xf32>,
        %parallel_loop3A_1015 = arith.index_cast %parallel_loop3A_1011 : i32 to index
        %parallel_loop3A_1016 = arith.constant 16 : index
        %parallel_loop3A_1017 = tpu.vector_load %arg8[%parallel_loop3A_1015, %parallel_loop3A_1016] {strides = array<i32>} : memref<320x128xf32, #tpu.memory_space<vmem>>, vector<16xf32>,
        tpu.vector_store %arg8[%parallel_loop3A_1015, %parallel_loop3A_1016], %parallel_loop3A_991 {strides = array<i32>} : memref<320x128xf32, #tpu.memory_space<vmem>>, vector<16xf32>,
        %parallel_loop3A_1018 = arith.index_cast %parallel_loop3A_1011 : i32 to index
        %parallel_loop3A_1019 = arith.constant 32 : index
        %parallel_loop3A_1020 = tpu.vector_load %arg8[%parallel_loop3A_1018, %parallel_loop3A_1019] {strides = array<i32>} : memref<320x128xf32, #tpu.memory_space<vmem>>, vector<16xf32>,
        tpu.vector_store %arg8[%parallel_loop3A_1018, %parallel_loop3A_1019], %parallel_loop3A_1000 {strides = array<i32>} : memref<320x128xf32, #tpu.memory_space<vmem>>, vector<16xf32>,
        %parallel_loop3A_1021 = arith.index_cast %parallel_loop3A_1011 : i32 to index
        %parallel_loop3A_1022 = arith.constant 48 : index
        %parallel_loop3A_1023 = tpu.vector_load %arg8[%parallel_loop3A_1021, %parallel_loop3A_1022] {strides = array<i32>} : memref<320x128xf32, #tpu.memory_space<vmem>>, vector<16xf32>,
        tpu.vector_store %arg8[%parallel_loop3A_1021, %parallel_loop3A_1022], %parallel_loop3A_1009 {strides = array<i32>} : memref<320x128xf32, #tpu.memory_space<vmem>>, vector<16xf32>,
        %parallel_loop3A_1024 = arith.index_cast %parallel_loop3A_1011 : i32 to index
        %parallel_loop3A_1025 = arith.constant 64 : index
        %parallel_loop3A_1026 = tpu.vector_load %arg8[%parallel_loop3A_1024, %parallel_loop3A_1025] {strides = array<i32>} : memref<320x128xf32, #tpu.memory_space<vmem>>, vector<16xf32>,
        tpu.vector_store %arg8[%parallel_loop3A_1024, %parallel_loop3A_1025], %parallel_loop3A_983 {strides = array<i32>} : memref<320x128xf32, #tpu.memory_space<vmem>>, vector<16xf32>,
        %parallel_loop3A_1027 = arith.index_cast %parallel_loop3A_1011 : i32 to index
        %parallel_loop3A_1028 = arith.constant 80 : index
        %parallel_loop3A_1029 = tpu.vector_load %arg8[%parallel_loop3A_1027, %parallel_loop3A_1028] {strides = array<i32>} : memref<320x128xf32, #tpu.memory_space<vmem>>, vector<16xf32>,
        tpu.vector_store %arg8[%parallel_loop3A_1027, %parallel_loop3A_1028], %parallel_loop3A_992 {strides = array<i32>} : memref<320x128xf32, #tpu.memory_space<vmem>>, vector<16xf32>,
        %parallel_loop3A_1030 = arith.index_cast %parallel_loop3A_1011 : i32 to index
        %parallel_loop3A_1031 = arith.constant 96 : index
        %parallel_loop3A_1032 = tpu.vector_load %arg8[%parallel_loop3A_1030, %parallel_loop3A_1031] {strides = array<i32>} : memref<320x128xf32, #tpu.memory_space<vmem>>, vector<16xf32>,
        tpu.vector_store %arg8[%parallel_loop3A_1030, %parallel_loop3A_1031], %parallel_loop3A_1001 {strides = array<i32>} : memref<320x128xf32, #tpu.memory_space<vmem>>, vector<16xf32>,
        %parallel_loop3A_1033 = arith.index_cast %parallel_loop3A_1011 : i32 to index
        %parallel_loop3A_1034 = arith.constant 112 : index
        %parallel_loop3A_1035 = tpu.vector_load %arg8[%parallel_loop3A_1033, %parallel_loop3A_1034] {strides = array<i32>} : memref<320x128xf32, #tpu.memory_space<vmem>>, vector<16xf32>,
        tpu.vector_store %arg8[%parallel_loop3A_1033, %parallel_loop3A_1034], %parallel_loop3A_1010 {strides = array<i32>} : memref<320x128xf32, #tpu.memory_space<vmem>>, vector<16xf32>,
      } {sc.loop_unroll_factor = 1 : i64, sc.parallel_access}
      %mul3A_851 = arith.constant 160 : i32
      %mul3A_852 = arith.muli %rem3A_129, %mul3A_851 : i32
      %mul3A_853 = arith.constant 160 : i32
      %mul3A_854 = arith.muli %add3A_130, %mul3A_853 : i32
      %dma_start3A_855 = arith.constant 0 : i32
      %dma_start3A_856 = tpu.memref_slice %arg8[%mul3A_852, %dma_start3A_855] : memref<320x128xf32, #tpu.memory_space<vmem>> -> memref<160x128xf32, #tpu.memory_space<vmem>>
      %dma_start3A_857 = arith.constant 0 : i32
      %dma_start3A_858 = tpu.memref_slice %arg4[%mul3A_854, %dma_start3A_857] : memref<100000x128xf32, #tpu.memory_space<hbm>> -> memref<160x128xf32, #tpu.memory_space<hbm>>
      %dma_start3A_859 = tpu.memref_slice %arg10[%rem3A_129] : memref<2x!tpu.dma_semaphore, #tpu.memory_space<semaphore_mem>> -> memref<1x!tpu.dma_semaphore, #tpu.memory_space<semaphore_mem>>
      %dma_start3A_860 = tpu.memref_squeeze %dma_start3A_859 : memref<1x!tpu.dma_semaphore, #tpu.memory_space<semaphore_mem>> -> memref<!tpu.dma_semaphore, #tpu.memory_space<semaphore_mem>>
      %dma_start3A_861 = arith.constant 0 : i32
      %dma_start3A_862 = tpu.memref_slice %arg4[%mul3A_854, %dma_start3A_861] : memref<100000x128xf32, #tpu.memory_space<hbm>> -> memref<160x128xf32, #tpu.memory_space<hbm>>
      %dma_start3A_863 = arith.constant 0 : i32
      %dma_start3A_864 = tpu.memref_slice %arg8[%mul3A_852, %dma_start3A_863] : memref<320x128xf32, #tpu.memory_space<vmem>> -> memref<160x128xf32, #tpu.memory_space<vmem>>
      tpu.enqueue_dma source(%dma_start3A_864 : memref<160x128xf32, #tpu.memory_space<vmem>>) target(%dma_start3A_862 : memref<160x128xf32, #tpu.memory_space<hbm>>) target_semaphore(%dma_start3A_860 : memref<!tpu.dma_semaphore, #tpu.memory_space<semaphore_mem>>)
    }
    %rem3A = arith.constant 2 : i32
    %rem3A_96 = arith.remsi %select_n3A, %rem3A : i32
    %mul3A_97 = arith.constant 160 : i32
    %mul3A_98 = arith.muli %rem3A_96, %mul3A_97 : i32
    %mul3A_99 = arith.constant 160 : i32
    %mul3A_100 = arith.muli %add3A_6, %mul3A_99 : i32
    %dma_wait3A = arith.constant 0 : i32
    %dma_wait3A_101 = tpu.memref_slice %arg8[%mul3A_98, %dma_wait3A] : memref<320x128xf32, #tpu.memory_space<vmem>> -> memref<160x128xf32, #tpu.memory_space<vmem>>
    %dma_wait3A_102 = arith.constant 0 : i32
    %dma_wait3A_103 = tpu.memref_slice %arg4[%mul3A_100, %dma_wait3A_102] : memref<100000x128xf32, #tpu.memory_space<hbm>> -> memref<160x128xf32, #tpu.memory_space<hbm>>
    %dma_wait3A_104 = tpu.memref_slice %arg10[%rem3A_96] : memref<2x!tpu.dma_semaphore, #tpu.memory_space<semaphore_mem>> -> memref<1x!tpu.dma_semaphore, #tpu.memory_space<semaphore_mem>>
    %dma_wait3A_105 = tpu.memref_squeeze %dma_wait3A_104 : memref<1x!tpu.dma_semaphore, #tpu.memory_space<semaphore_mem>> -> memref<!tpu.dma_semaphore, #tpu.memory_space<semaphore_mem>>
    %dma_wait3A_106 = arith.constant 0 : i32
    %dma_wait3A_107 = tpu.memref_slice %arg4[%mul3A_100, %dma_wait3A_106] : memref<100000x128xf32, #tpu.memory_space<hbm>> -> memref<160x128xf32, #tpu.memory_space<hbm>>
    %dma_wait3A_108 = arith.constant 0 : i32
    %dma_wait3A_109 = tpu.memref_slice %arg8[%mul3A_98, %dma_wait3A_108] : memref<320x128xf32, #tpu.memory_space<vmem>> -> memref<160x128xf32, #tpu.memory_space<vmem>>
    tpu.wait_dma2 semaphore(%dma_wait3A_105 : memref<!tpu.dma_semaphore, #tpu.memory_space<semaphore_mem>>) src(%dma_wait3A_109 : memref<160x128xf32, #tpu.memory_space<vmem>>) dst(%dma_wait3A_107 : memref<160x128xf32, #tpu.memory_space<hbm>>)
    %sub3A = arith.constant 1 : i32
    %sub3A_110 = arith.subi %sub3A, %rem3A_96 : i32
    %mul3A_111 = arith.constant 160 : i32
    %mul3A_112 = arith.muli %sub3A_110, %mul3A_111 : i32
    %mul3A_113 = arith.constant 160 : i32
    %mul3A_114 = arith.muli %add3A_6, %mul3A_113 : i32
    %sub3A_115 = arith.constant 1 : i32
    %sub3A_116 = arith.subi %sub3A_115, %rem3A_96 : i32
    %dma_wait3A_117 = arith.constant 0 : i32
    %dma_wait3A_118 = tpu.memref_slice %arg8[%mul3A_112, %dma_wait3A_117] : memref<320x128xf32, #tpu.memory_space<vmem>> -> memref<160x128xf32, #tpu.memory_space<vmem>>
    %dma_wait3A_119 = arith.constant 0 : i32
    %dma_wait3A_120 = tpu.memref_slice %arg4[%mul3A_114, %dma_wait3A_119] : memref<100000x128xf32, #tpu.memory_space<hbm>> -> memref<160x128xf32, #tpu.memory_space<hbm>>
    %dma_wait3A_121 = tpu.memref_slice %arg10[%sub3A_116] : memref<2x!tpu.dma_semaphore, #tpu.memory_space<semaphore_mem>> -> memref<1x!tpu.dma_semaphore, #tpu.memory_space<semaphore_mem>>
    %dma_wait3A_122 = tpu.memref_squeeze %dma_wait3A_121 : memref<1x!tpu.dma_semaphore, #tpu.memory_space<semaphore_mem>> -> memref<!tpu.dma_semaphore, #tpu.memory_space<semaphore_mem>>
    %dma_wait3A_123 = arith.constant 0 : i32
    %dma_wait3A_124 = tpu.memref_slice %arg4[%mul3A_114, %dma_wait3A_123] : memref<100000x128xf32, #tpu.memory_space<hbm>> -> memref<160x128xf32, #tpu.memory_space<hbm>>
    %dma_wait3A_125 = arith.constant 0 : i32
    %dma_wait3A_126 = tpu.memref_slice %arg8[%mul3A_112, %dma_wait3A_125] : memref<320x128xf32, #tpu.memory_space<vmem>> -> memref<160x128xf32, #tpu.memory_space<vmem>>
    tpu.wait_dma2 semaphore(%dma_wait3A_122 : memref<!tpu.dma_semaphore, #tpu.memory_space<semaphore_mem>>) src(%dma_wait3A_126 : memref<160x128xf32, #tpu.memory_space<vmem>>) dst(%dma_wait3A_124 : memref<160x128xf32, #tpu.memory_space<hbm>>)
    return
  }
}

</mosaic_0001>

<sc_bundles>
// kernel: kernel.3.cloned.1.call-start
scs
__scs_entry_jumppad:
0x0: {  	(pc) =	sbr.rel $0x88, $3  }
0x1: {  	(tag) =	ssettag $0x0;
	lr =	simm.s32 $0x1  }
0x2: {  	[smem:$0x3F97] =	sst lr;
	_ =	strace $0xD0000000  }
0x3: {  	_ = 	snop  }
0x4: {  	_ = 	snop  }
0x5: {  	_ = 	snop  }
0x6: {  	_ = 	snop  }
0x7: {  	_ = 	snop  }
__scs_overlays_trampoline_lowered:
0x8: {  	[smem:$0x3FA6] =	sst s0  }
0x9: {  	[smem:$0x3FA7] =	sst s1  }
0xa: {  	[smem:$0x3FA8] =	sst s2  }
0xb: {  	[smem:$0x3FA9] =	sst s3  }
0xc: {  	[smem:$0x3FAA] =	sst s4  }
0xd: {  	[smem:$0x3FAB] =	sst s5  }
0xe: {  	[smem:$0x3FAC] =	sst s6  }
0xf: {  	[smem:$0x3FAD] =	sst s7  }
0x10: {  	[smem:$0x3FAE] =	sst s8  }
0x11: {  	[smem:$0x3FAF] =	sst s9;
	s0 =	simm.s32 @!p0 $0x0  }
0x12: {  	s1 =	sld [smem:$0x3F95];
	s0 =	simm.s32 @p0 $0x1  }
0x13: {  	[smem:$0x3FB0] =	sst s0;
	s0 =	simm.s32 @!p1 $0x0  }
0x14: {  	s2 =	sld [smem:$0x3F94];
	s0 =	simm.s32 @p1 $0x1  }
0x15: {  	[smem:$0x3FB1] =	sst s0;
	s0 =	simm.s32 @!p2 $0x0  }
0x16: {  	s3 =	sld [smem:$0x3FDB];
	s0 =	simm.s32 @p2 $0x1  }
0x17: {  	s4 =	simm.s32 $0x1BF5;
	[smem:$0x3FB3] =	sst s0  }
0x18: {  	s0 =	sld [smem:$0x3F96];
	_ =	swait.ge [sflag:s4], $0x0  }
0x19: {  	s7 =	sld [smem:$0x3F97]  }
0x1a: {  	s8 =	sadd.s32 $0xFFFFE003, lr  }
0x1b: {  	s9 =	sadd.s32 $0xFFFFFEF7, lr;
	s5 =	simm.s32 $0xFFFFFFFF;
	p2 =	slt.u32 s8, $0xFFFFF086  }
0x1c: {  	p1 =	slt.u32 s9, $0xF7A;
	s5 =	simm.s32 @!p2 $0x0  }
0x1d: {  	s5 =	simm.s32 @p1 $0x1;
	p0 =	seq.s32 s7, s2  }
0x1e: {  	s7 =	smul.u32 @!p0 $0xF7A, s2;
	p2 =	seq.s32 @!p0 s5, $0x0  }
0x1f: {  	s9 =	smul.u32 $0xF7A, s1;
	s8 =	simm.s32 @!p0 $0x1BF5;
	p2 =	por !p2, p0  }
0x20: {  	[sflag:s8] =	ssyncset.s32 @!p0 $0xFFFFF086;
	s6 =	sadd.s32 @!p0 s3, s7;
	s7 =	simm.s32 @!p0 $0x108  }
0x21: {  	s3 =	sadd.s32 s3, s9;
	s6 =	sadd.s32 @!p0 $0x88, s6;
	s7 =	simm.s32 @p2 $0x1082  }
0x22: {  	[simem:s7], [sflag:s8] =	dma.local @!p0 [hbm:s6], $0xF7A  }
0x23: {  	s9 =	sor.u32 $0xD0000000, s2;
	s6 =	simm.s32 $0x108;
	_ =	swait.ge @!p0 [sflag:s8], $0x0  }
0x24: {  	s3 =	sadd.s32 $0x88, s3;
	s6 =	simm.s32 @!p1 $0x1082;
	[sflag:s4] =	ssyncset.s32 $0xFFFFF086  }
0x25: {  	[simem:s6], [sflag:s4] =	dma.local [hbm:s3], $0xF7A  }
0x26: {  	[smem:$0x3F97] =	sst s1;
	(tag) =	ssettag s2;
	_ =	strace s9  }
0x27: {  	s1 =	sld [smem:$0x3FA7]  }
0x28: {  	s2 =	sld [smem:$0x3FA8]  }
0x29: {  	s4 =	sld [smem:$0x3FAA]  }
0x2a: {  	p0 =	seq.s32 s5, $0x0;
	s5 =	sld [smem:$0x3FAB]  }
0x2b: {  	s6 =	sld [smem:$0x3FAC]  }
0x2c: {  	s7 =	sld [smem:$0x3FAD]  }
0x2d: {  	s3 =	simm.s32 $0x108;
	s8 =	sld [smem:$0x3FAE]  }
0x2e: {  	s3 =	simm.s32 @!p0 $0x1082;
	s9 =	sld [smem:$0x3FAF]  }
0x2f: {  	lr =	sadd.s32 s0, s3;
	s0 =	sld [smem:$0x3FA6]  }
0x30: {  	s3 =	sld [smem:$0x3FA9]  }
0x31: {  	[smem:$0x3FB2] =	sst s10  }
0x32: {  	s10 =	sld [smem:$0x3FB0];
	_ =	sdelay $0x3  }
0x33: {  	p0 =	seq.s32 s10, $0x1;
	s10 =	sld [smem:$0x3FB2];
	_ =	sdelay $0x3  }
0x34: {  	[smem:$0x3FB2] =	sst s10  }
0x35: {  	s10 =	sld [smem:$0x3FB1];
	_ =	sdelay $0x3  }
0x36: {  	p1 =	seq.s32 s10, $0x1;
	s10 =	sld [smem:$0x3FB2];
	_ =	sdelay $0x3  }
0x37: {  	[smem:$0x3FB2] =	sst s10  }
0x38: {  	s10 =	sld [smem:$0x3FB3]  }
0x39: {  	_ = 	snop;
	(pc) =	sbr.ind lr, $3  }
0x3a: {  	_ = 	snop  }
0x3b: {  	_ = 	snop  }
0x3c: {  	p2 =	seq.s32 s10, $0x1;
	s10 =	sld [smem:$0x3FB2]  }
0x3d: {  	_ =	shalt  }
0x3e: {  	_ =	shalt  }
0x3f: {  	_ =	shalt  }
0x40: {  	_ =	shalt  }
0x41: {  	_ =	shalt  }
0x42: {  	_ =	shalt  }
0x43: {  	_ =	shalt  }
0x44: {  	_ =	shalt  }
0x45: {  	_ =	shalt  }
0x46: {  	_ =	shalt  }
0x47: {  	_ =	shalt  }
0x48: {  	_ =	shalt  }
0x49: {  	_ =	shalt  }
0x4a: {  	_ =	shalt  }
0x4b: {  	_ =	shalt  }
0x4c: {  	_ =	shalt  }
0x4d: {  	_ =	shalt  }
0x4e: {  	_ =	shalt  }
0x4f: {  	_ =	shalt  }
0x50: {  	_ =	shalt  }
0x51: {  	_ =	shalt  }
0x52: {  	_ =	shalt  }
0x53: {  	_ =	shalt  }
0x54: {  	_ =	shalt  }
0x55: {  	_ =	shalt  }
0x56: {  	_ =	shalt  }
0x57: {  	_ =	shalt  }
0x58: {  	_ =	shalt  }
0x59: {  	_ =	shalt  }
0x5a: {  	_ =	shalt  }
0x5b: {  	_ =	shalt  }
0x5c: {  	_ =	shalt  }
0x5d: {  	_ =	shalt  }
0x5e: {  	_ =	shalt  }
0x5f: {  	_ =	shalt  }
0x60: {  	_ =	shalt  }
0x61: {  	_ =	shalt  }
0x62: {  	_ =	shalt  }
0x63: {  	_ =	shalt  }
0x64: {  	_ =	shalt  }
0x65: {  	_ =	shalt  }
0x66: {  	_ =	shalt  }
0x67: {  	_ =	shalt  }
0x68: {  	_ =	shalt  }
0x69: {  	_ =	shalt  }
0x6a: {  	_ =	shalt  }
0x6b: {  	_ =	shalt  }
0x6c: {  	_ =	shalt  }
0x6d: {  	_ =	shalt  }
0x6e: {  	_ =	shalt  }
0x6f: {  	_ =	shalt  }
0x70: {  	_ =	shalt  }
0x71: {  	_ =	shalt  }
0x72: {  	_ =	shalt  }
0x73: {  	_ =	shalt  }
0x74: {  	_ =	shalt  }
0x75: {  	_ =	shalt  }
0x76: {  	_ =	shalt  }
0x77: {  	_ =	shalt  }
0x78: {  	_ =	shalt  }
0x79: {  	_ =	shalt  }
0x7a: {  	_ =	shalt  }
0x7b: {  	_ =	shalt  }
0x7c: {  	_ =	shalt  }
0x7d: {  	_ =	shalt  }
0x7e: {  	_ =	shalt  }
0x7f: {  	_ =	shalt  }
0x80: {  	_ =	shalt  }
0x81: {  	_ =	shalt  }
0x82: {  	_ =	shalt  }
0x83: {  	_ =	shalt  }
0x84: {  	_ =	shalt  }
0x85: {  	_ =	shalt  }
0x86: {  	_ =	shalt  }
0x87: {  	_ =	shalt  }
.Lfunc_end0:
.L_simem_size_0:
called_computation_lowered:
.L_overlay_start_0:
0x88: {  	s2 =	sld [smem:$0x3FD9]  }
0x89: {  	s3 =	sld [smem:$0x3FFE];
	_ =	sdelay $0x1  }
0x8a: {  	s1 =	srdreg.scid  }
0x8b: {  	s0 =	sand.u32 $0x1, s1  }
0x8c: {  	s17 =	sshll.u32 s0, $0xA;
	s2 =	sadd.s32 s3, s2  }
0x8d: {  	s2 =	sadd.s32 s2, s17  }
0x8e: {  	[smem:$0x3FBE] =	sst s2  }
0x8f: {  	_ = 	snop  }
0x90: {  	s2 =	sld [smem:$0x3FD0];
	(tm) =	ssettm $0x1  }
0x91: {  	s18 =	sld [smem:$0x3FFB];
	_ =	sdelay $0x3  }
0x92: {  	_ =	strace s18  }
0x93: {  	s3 =	sld [smem:$0x3FFC];
	_ =	sdelay $0x3  }
0x94: {  	_ =	strace s3  }
0x95: {  	s3 =	sld [smem:$0x3FFD];
	_ =	sdelay $0x3  }
0x96: {  	_ =	strace s3  }
0x97: {  	_ =	strace $0x8FFFFFFF  }
0x98: {  	s19 =	sld [smem:$0x3FDB];
	_ =	sdelay $0x1  }
0x99: {  	s4 =	simm.s32 $_scs_section_size  }
0x9a: {  	s5 =	simm.s32 $_size__tile_overlayer_lowered;
	s6 =	simm.s32 $_tile_overlayer_lowered  }
0x9b: {  	s22 =	simm.s32 $0x1BFF;
	s21 =	sshll.u32 s6, $0x1;
	s3 =	sadd.s32 s4, s19  }
0x9c: {  	s7 =	simm.s32 $0x0;
	s20 =	sshll.u32 s5, $0x1;
	s5 =	sadd.s32 s21, s3  }
0x9d: {  	[timem:s7], [sflag:s22] =	dma.local [hbm:s5], s20  }
0x9e: {  	_ =	swait.ge [sflag:s22], s20  }
0x9f: {  	s4 =	ssub.s32 $0x0, s20;
	[sflag:s22] =	ssyncset.done $0x0  }
0xa0: {  	[sflag:s22] =	ssyncadd.s32 s4;
	_ =	sdelay $0x1  }
0xa1: {  	s23 =	simm.s32 $0x1B8B  }
0xa2: {  	_ =	swait.ge [sflag:s23], $0x1  }
0xa3: {  	[sflag:s23] =	ssyncset.done $0x0  }
0xa4: {  	s25 =	simm.s32 $0x1B8E;
	s24 =	sld [smem:$0x3FFE];
	[sflag:s23] =	ssyncadd.s32 $0xFFFFFFFF  }
0xa5: {  	s26 =	simm.s32 $execute0_lowered;
	[smem:$0x3FD2] =	sst s25  }
0xa6: {  	s5 =	sshll.u32 s26, $0x1;
	_ =	strace $0x80000046;
	[dreg:$0x1] =	wrdreg $0xFFFFFFFF  }
0xa7: {  	s28 =	simm.s32 $_size_execute0_lowered;
	s3 =	sadd.s32 s3, s5;
	[dreg:$0x0] =	wrdreg $0x0  }
0xa8: {  	s5 =	sshll.u32 s28, $0x1;
	[dreg:$0x2] =	wrdreg s3  }
0xa9: {  	[dreg:$0x3] =	wrdreg s5  }
0xaa: {  	[dreg:$0x4] =	wrdreg $0xC0  }
0xab: {  	_ =	task [dreg:s7], $0x5FFFF  }
0xac: {  	[dreg:$0x1] =	wrdreg $0xFFFFFFFF  }
0xad: {  	[dreg:$0x0] =	wrdreg $0x60  }
0xae: {  	[dreg:$0x2] =	wrdreg s24  }
0xaf: {  	[dreg:$0x3] =	wrdreg s2  }
0xb0: {  	[dreg:$0x4] =	wrdreg $0x9  }
0xb1: {  	_ =	task.clear_ibuf [dreg:s7], $0x5FFFF;
	_ =	strace $0x90000046  }
0xb2: {  	s29 =	simm.s32 $0x9;
	_ =	strace $0x80000048  }
0xb3: {  	_ =	swait.ge [sflag:s29], $0x1  }
0xb4: {  	[sflag:s29] =	ssyncadd.s32 $0xFFFFFFFF  }
0xb5: {  	_ =	strace $0x90000048  }
0xb6: {  	_ =	sfence  }
0xb7: {  	s30 =	sld [smem:$0x0];
	_ =	sdelay $0x2  }
0xb8: {  	s31 =	sshll.u32 s1, $0xD;
	s1 =	sshrl.u32 s1, $0x2  }
0xb9: {  	s3 =	sand.u32 $0x4000, s31;
	s1 =	sadd.s32 s1, s30  }
0xba: {  	s0 =	sor.u32 s3, s0;
	s1 =	sshll.u32 s1, $0x11  }
0xbb: {  	s0 =	sor.u32 s1, s0  }
0xbc: {  	s0 =	sadd.s32 $0x8F2B, s0  }
0xbd: {  	[sflag:s0] =	ssyncadd.remote.s32 $0x1  }
0xbe: {  	_ =	sfence.sel $0xFFFF  }
0xbf: {  	[dreg:$0x0] =	wrdreg $0xFFFFFFFF;
	(pc) =	sbr.abs _section_cstart, $3  }
0xc0: {  	[dreg:$0x1] =	wrdreg $0xFFFFFFFF  }
0xc1: {  	_ =	task.clear_ibuf [dreg:s7], $0x2FFFF;
	_ =	strace $0x9FFFFFFF  }
0xc2: {  	(tm) =	ssettm $0x7FFFFFFF  }
0xc3: {  	_ =	shalt  }
tec
execute0_lowered:
.L_overlay_start_1:
0x0: {  	(tag) =	ssettag $0x1  }
0x1: {  	s7 =	rddreg [dreg:$0x0]  }
0x2: {  	s2 =	rddreg [dreg:$0x1]  }
0x3: {  	s0 =	rddreg [dreg:$0x2];
	s4 =	srdreg.scid  }
0x4: {  	s1 =	stileid.u32;
	s3 =	simm.s32 $0x0;
	s5 =	simm.s32 $0x14  }
0x5: {  	s13 =	simm.s32 $0xC080;
	s6 =	sand.u32 $0x1, s4;
	s29 =	sshll.u32 s1, $0x1  }
0x6: {  	s14 =	simm.s32 $0x1;
	s15 =	simm.s32 $0xCC00;
	s8 =	sor.u32 s6, s29  }
0x7: {  	s16 =	simm.s32 $0x0;
	[smem:$0x7FF] =	sst s3;
	s9 =	smul.u32 $0x13, s8  }
0x8: {  	v0 =	vlaneseq.u32;
	s4 =	sadd.s32 $0x1E00, s7;
	p0 =	slt.u32 s8, $0x11;
	s8 =	smin.u32 s8, $0x11  }
0x9: {  	v1 =	vmul.u32 $0x9, v0;
	s10 =	ssub.s32 $0x2, s6;
	s5 =	simm.s32 @!p0 $0x13;
	s6 =	sadd.s32 s8, s9  }
0xa: {  	s7 =	sadd.s32 $0x400, s7;
	v10 =	vor.u32 $0x10, v0;
	v11 =	vor.u32 $0x20, v0;
	s11 =	sand.u32 $0x1, s5;
	s9 =	smul.u32 $0xB4, s6  }
0xb: {  	v12 =	vor.u32 $0x30, v0;
	_ =	strace $0x80000047;
	s30 =	sshrl.u32 s10, $0x1;
	v2 =	vadd.s32 $0x1, v1;
	v3 =	vadd.s32 $0x2, v1;
	s31 =	sxor.u32 $0x1, s11  }
0xc: {  	v4 =	vadd.s32 $0x3, v1;
	v5 =	vadd.s32 $0x4, v1;
	v6 =	vadd.s32 $0x5, v1;
	s12 =	ssub.s32 s10, s30;
	s10 =	sor.u32 $0x2, s31;
	s8 =	sadd.s32 s4, s9  }
0xd: {  	v7 =	vadd.s32 $0x6, v1;
	v8 =	vadd.s32 $0x7, v1;
	v9 =	vadd.s32 $0x8, v1;
	s9 =	sor.u32 $0x2, s11;
	s11 =	smax.u32 s12, $0x1;
	s12 =	simm.s32 $0x4  }
.LBB2_1:
0xe: {  	[tilespmem:s3], [sflag:$0x4] =	stream.linear.gather [hbm4b:s7+s3], $0xC080, $0x38;
	[tilespmem:$0x16E80] =	vst v63  }
0xf: {  	_ =	swait.ge [sflag:s12], $0xC080  }
0x10: {  	[sflag:s12] =	ssyncset.done $0x0  }
0x11: {  	p0 =	por $0x0, $0x0;
	s17 =	simm.s32 $0x0;
	[sflag:s12] =	ssyncadd.s32 $0xFFFF3F80  }
0x12: {  	[tilespmem:s13], [sflag:$0x1] =	stream.linear.gather [hbm4b:s8+s3], $0x5A0, $0x38;
	[tilespmem:$0x16E80] =	vst v63  }
.LBB2_2:
0x13: {  	s18 =	sand.u32 $0x1, s17;
	p2 =	slt.u32 s17, $0x2  }
0x14: {  	s21 =	sor.u32 @!p2 $0x2, s18  }
0x15: {  	s19 =	sadd.s32 s6, s17;
	s17 =	sadd.s32 $0x1, s17;
	_ =	swait.ge @!p2 [sflag:s21], $0x5000  }
0x16: {  	s20 =	smul.u32 $0x5A0, s18;
	p1 =	sge.u32 s17, s5;
	[sflag:s21] =	ssyncset.done @!p2 $0x0  }
0x17: {  	s22 =	smul.u32 @!p1 $0x5A0, s19;
	[sflag:s21] =	ssyncadd.s32 @!p2 $0xFFFFB000;
	s21 =	sxor.u32 @!p1 $0x1, s18  }
0x18: {  	v13 =	vadd.s32 s20, v2;
	s21 =	smul.u32 @!p1 $0x1680, s21  }
0x19: {  	s23 =	simm.s32 @!p1 $0x0;
	v14 =	vadd.s32 s20, v3;
	s22 =	sshrl.u32 @!p1 s22, $0x3;
	_ =	swait.ge [sflag:s14], $0x5A0  }
0x1a: {  	v15 =	vadd.s32 s20, v6;
	s22 =	sadd.s32 @!p1 s4, s22;
	[sflag:s14] =	ssyncset.done $0x0;
	s21 =	sshrl.u32 @!p1 s21, $0x2  }
0x1b: {  	v16 =	vadd.s32 s20, v4;
	s22 =	sadd.s32 @!p1 $0xB4, s22;
	[sflag:s14] =	ssyncadd.s32 $0xFFFFFA60;
	s21 =	sadd.s32 @!p1 $0xC080, s21  }
0x1c: {  	v17 =	vadd.s32 s20, v7;
	[tilespmem:s21], [sflag:$0x1] =	stream.linear.gather @!p1 [hbm4b:s22+s23], $0x5A0, $0x38;
	[tilespmem:$0x16E80] =	vst v63  }
0x1d: {  	v18 =	vadd.s32 s20, v8;
	v13 =	vld.idx.msk [tilespmem:v13+s13+$0x0], $0xffff  }
0x1e: {  	v19 =	vadd.s32 s20, v1;
	v14 =	vld.idx.msk [tilespmem:v14+s13+$0x0], $0xffff  }
0x1f: {  	v15 =	vld.idx.msk [tilespmem:v15+s13+$0x0], $0xffff  }
0x20: {  	v20 =	vadd.s32 s20, v5;
	v16 =	vld.idx.msk [tilespmem:v16+s13+$0x0], $0xffff  }
0x21: {  	v21 =	vadd.s32 s20, v9;
	v17 =	vld.idx.msk [tilespmem:v17+s13+$0x0], $0xffff  }
0x22: {  	v18 =	vld.idx.msk [tilespmem:v18+s13+$0x0], $0xffff  }
0x23: {  	v19 =	vld.idx.msk [tilespmem:v19+s13+$0x0], $0xffff;
	_ =	sdelay $0x1  }
0x24: {  	v20 =	vld.idx.msk [tilespmem:v20+s13+$0x0], $0xffff;
	v13 =	vmul.u32 $0xD, v13;
	v15 =	vmul.u32 $0x7, v15  }
0x25: {  	v21 =	vld.idx.msk [tilespmem:v21+s13+$0x0], $0xffff  }
0x26: {  	v13 =	vadd.s32 v14, v13;
	v14 =	vadd.s32 v17, v15;
	v15 =	vmul.u32 $0xB, v16  }
0x27: {  	s30 =	sadd.s32 $0x90, s20;
	v16 =	vmul.u32 $0x3, v18;
	v17 =	vshll.u32 v19, $0x6;
	v14 =	vmul.u32 $0x9, v14  }
0x28: {  	v13 =	vshll.u32 v13, $0x6;
	[tilespmem:$0xCC00] =	vst v17;
	v17 =	vadd.s32 s30, v3  }
0x29: {  	v15 =	vadd.s32 v20, v15;
	v14 =	vadd.s32 v16, v14;
	v16 =	vadd.s32 s30, v2  }
0x2a: {  	v13 =	vadd.s32 $0x1E00, v13;
	v15 =	vshll.u32 v15, $0x6;
	v14 =	vadd.s32 v21, v14  }
0x2b: {  	v18 =	vadd.s32 s30, v8;
	[tilespmem:$0xCCA0] =	vst v13;
	v13 =	vadd.s32 $0x2E40, v15;
	v14 =	vshll.u32 v14, $0x6  }
0x2c: {  	v15 =	vadd.s32 s30, v6;
	[tilespmem:$0xCD40] =	vst v13;
	v13 =	vadd.s32 $0x5200, v14  }
0x2d: {  	v19 =	vadd.s32 s30, v1;
	[tilespmem:$0xCDE0] =	vst v13  }
0x2e: {  	v13 =	vadd.s32 s30, v7;
	v16 =	vld.idx.msk [tilespmem:v16+s13+$0x0], $0xffff  }
0x2f: {  	v14 =	vadd.s32 s30, v4;
	v17 =	vld.idx.msk [tilespmem:v17+s13+$0x0], $0xffff  }
0x30: {  	v18 =	vld.idx.msk [tilespmem:v18+s13+$0x0], $0xffff  }
0x31: {  	v20 =	vadd.s32 s30, v5;
	v15 =	vld.idx.msk [tilespmem:v15+s13+$0x0], $0xffff  }
0x32: {  	v21 =	vadd.s32 s30, v9;
	v19 =	vld.idx.msk [tilespmem:v19+s13+$0x0], $0xffff  }
0x33: {  	v13 =	vld.idx.msk [tilespmem:v13+s13+$0x0], $0xffff  }
0x34: {  	v14 =	vld.idx.msk [tilespmem:v14+s13+$0x0], $0xffff;
	_ =	sdelay $0x1  }
0x35: {  	v20 =	vld.idx.msk [tilespmem:v20+s13+$0x0], $0xffff;
	v16 =	vmul.u32 $0xD, v16;
	v15 =	vmul.u32 $0x7, v15  }
0x36: {  	v21 =	vld.idx.msk [tilespmem:v21+s13+$0x0], $0xffff  }
0x37: {  	v16 =	vadd.s32 v17, v16;
	v17 =	vshll.u32 v19, $0x6;
	v13 =	vadd.s32 v13, v15  }
0x38: {  	s31 =	sadd.s32 $0x120, s20;
	v14 =	vmul.u32 $0xB, v14;
	v15 =	vmul.u32 $0x3, v18;
	v13 =	vmul.u32 $0x9, v13  }
0x39: {  	v16 =	vshll.u32 v16, $0x6;
	[tilespmem:$0xCC10] =	vst v17;
	v17 =	vadd.s32 s31, v3  }
0x3a: {  	v14 =	vadd.s32 v20, v14;
	v13 =	vadd.s32 v15, v13;
	v15 =	vadd.s32 s31, v2  }
0x3b: {  	v16 =	vadd.s32 $0x1E00, v16;
	v14 =	vshll.u32 v14, $0x6;
	v13 =	vadd.s32 v21, v13  }
0x3c: {  	[tilespmem:$0xCCB0] =	vst v16;
	v16 =	vadd.s32 s31, v6;
	v14 =	vadd.s32 $0x2E40, v14;
	v13 =	vshll.u32 v13, $0x6  }
0x3d: {  	v18 =	vadd.s32 s31, v8;
	[tilespmem:$0xCD50] =	vst v14;
	v13 =	vadd.s32 $0x5200, v13  }
0x3e: {  	v14 =	vadd.s32 s31, v4;
	[tilespmem:$0xCDF0] =	vst v13  }
0x3f: {  	v13 =	vadd.s32 s31, v7;
	v15 =	vld.idx.msk [tilespmem:v15+s13+$0x0], $0xffff  }
0x40: {  	v19 =	vadd.s32 s31, v1;
	v17 =	vld.idx.msk [tilespmem:v17+s13+$0x0], $0xffff  }
0x41: {  	v20 =	vadd.s32 s31, v5;
	v16 =	vld.idx.msk [tilespmem:v16+s13+$0x0], $0xffff  }
0x42: {  	v18 =	vld.idx.msk [tilespmem:v18+s13+$0x0], $0xffff  }
0x43: {  	v21 =	vadd.s32 s31, v9;
	v14 =	vld.idx.msk [tilespmem:v14+s13+$0x0], $0xffff  }
0x44: {  	v13 =	vld.idx.msk [tilespmem:v13+s13+$0x0], $0xffff  }
0x45: {  	v19 =	vld.idx.msk [tilespmem:v19+s13+$0x0], $0xffff  }
0x46: {  	v20 =	vld.idx.msk [tilespmem:v20+s13+$0x0], $0xffff  }
0x47: {  	v16 =	vmul.u32 $0x7, v16  }
0x48: {  	v21 =	vld.idx.msk [tilespmem:v21+s13+$0x0], $0xffff;
	v15 =	vmul.u32 $0xD, v15  }
0x49: {  	v14 =	vmul.u32 $0xB, v14;
	v13 =	vadd.s32 v13, v16  }
0x4a: {  	v15 =	vadd.s32 v17, v15;
	v16 =	vmul.u32 $0x3, v18;
	v13 =	vmul.u32 $0x9, v13  }
0x4b: {  	s22 =	sadd.s32 $0x1B0, s20;
	v17 =	vshll.u32 v19, $0x6;
	v15 =	vshll.u32 v15, $0x6;
	v14 =	vadd.s32 v20, v14  }
0x4c: {  	[tilespmem:$0xCC20] =	vst v17;
	v17 =	vadd.s32 s22, v3;
	v13 =	vadd.s32 v16, v13;
	v16 =	vadd.s32 s22, v2  }
0x4d: {  	v15 =	vadd.s32 $0x1E00, v15;
	v14 =	vshll.u32 v14, $0x6;
	v13 =	vadd.s32 v21, v13  }
0x4e: {  	[tilespmem:$0xCCC0] =	vst v15;
	v14 =	vadd.s32 $0x2E40, v14;
	v15 =	vadd.s32 s22, v6;
	v13 =	vshll.u32 v13, $0x6  }
0x4f: {  	[tilespmem:$0xCD60] =	vst v14;
	v14 =	vadd.s32 s22, v4;
	v13 =	vadd.s32 $0x5200, v13  }
0x50: {  	v18 =	vadd.s32 s22, v8;
	[tilespmem:$0xCE00] =	vst v13  }
0x51: {  	v13 =	vadd.s32 s22, v7;
	v16 =	vld.idx.msk [tilespmem:v16+s13+$0x0], $0xffff  }
0x52: {  	v19 =	vadd.s32 s22, v1;
	v17 =	vld.idx.msk [tilespmem:v17+s13+$0x0], $0xffff  }
0x53: {  	v20 =	vadd.s32 s22, v5;
	v15 =	vld.idx.msk [tilespmem:v15+s13+$0x0], $0xffff  }
0x54: {  	v14 =	vld.idx.msk [tilespmem:v14+s13+$0x0], $0xffff  }
0x55: {  	v21 =	vadd.s32 s22, v9;
	v18 =	vld.idx.msk [tilespmem:v18+s13+$0x0], $0xffff  }
0x56: {  	v13 =	vld.idx.msk [tilespmem:v13+s13+$0x0], $0xffff  }
0x57: {  	v19 =	vld.idx.msk [tilespmem:v19+s13+$0x0], $0xffff  }
0x58: {  	v20 =	vld.idx.msk [tilespmem:v20+s13+$0x0], $0xffff  }
0x59: {  	v15 =	vmul.u32 $0x7, v15  }
0x5a: {  	v21 =	vld.idx.msk [tilespmem:v21+s13+$0x0], $0xffff;
	v16 =	vmul.u32 $0xD, v16  }
0x5b: {  	v14 =	vmul.u32 $0xB, v14;
	v13 =	vadd.s32 v13, v15  }
0x5c: {  	v16 =	vadd.s32 v17, v16;
	v15 =	vmul.u32 $0x3, v18;
	v13 =	vmul.u32 $0x9, v13  }
0x5d: {  	s23 =	sadd.s32 $0x240, s20;
	v17 =	vshll.u32 v19, $0x6;
	v14 =	vadd.s32 v20, v14;
	v16 =	vshll.u32 v16, $0x6  }
0x5e: {  	v14 =	vshll.u32 v14, $0x6;
	v13 =	vadd.s32 v15, v13;
	v15 =	vadd.s32 s23, v2  }
0x5f: {  	[tilespmem:$0xCC30] =	vst v17;
	v17 =	vadd.s32 s23, v3;
	v16 =	vadd.s32 $0x1E00, v16;
	v13 =	vadd.s32 v21, v13  }
0x60: {  	v14 =	vadd.s32 $0x2E40, v14;
	[tilespmem:$0xCCD0] =	vst v16;
	v16 =	vadd.s32 s23, v6;
	v13 =	vshll.u32 v13, $0x6  }
0x61: {  	[tilespmem:$0xCD70] =	vst v14;
	v14 =	vadd.s32 s23, v4;
	v13 =	vadd.s32 $0x5200, v13  }
0x62: {  	v18 =	vadd.s32 s23, v8;
	[tilespmem:$0xCE10] =	vst v13  }
0x63: {  	v13 =	vadd.s32 s23, v7;
	v15 =	vld.idx.msk [tilespmem:v15+s13+$0x0], $0xffff  }
0x64: {  	v19 =	vadd.s32 s23, v1;
	v17 =	vld.idx.msk [tilespmem:v17+s13+$0x0], $0xffff  }
0x65: {  	v20 =	vadd.s32 s23, v5;
	v16 =	vld.idx.msk [tilespmem:v16+s13+$0x0], $0xffff  }
0x66: {  	v14 =	vld.idx.msk [tilespmem:v14+s13+$0x0], $0xffff  }
0x67: {  	v21 =	vadd.s32 s23, v9;
	v18 =	vld.idx.msk [tilespmem:v18+s13+$0x0], $0xffff  }
0x68: {  	v13 =	vld.idx.msk [tilespmem:v13+s13+$0x0], $0xffff  }
0x69: {  	v19 =	vld.idx.msk [tilespmem:v19+s13+$0x0], $0xffff  }
0x6a: {  	v20 =	vld.idx.msk [tilespmem:v20+s13+$0x0], $0xffff  }
0x6b: {  	v16 =	vmul.u32 $0x7, v16  }
0x6c: {  	v21 =	vld.idx.msk [tilespmem:v21+s13+$0x0], $0xffff;
	v15 =	vmul.u32 $0xD, v15  }
0x6d: {  	v14 =	vmul.u32 $0xB, v14;
	v13 =	vadd.s32 v13, v16  }
0x6e: {  	v15 =	vadd.s32 v17, v15;
	v16 =	vmul.u32 $0x3, v18;
	v13 =	vmul.u32 $0x9, v13  }
0x6f: {  	s24 =	sadd.s32 $0x2D0, s20;
	v17 =	vshll.u32 v19, $0x6;
	v14 =	vadd.s32 v20, v14;
	v15 =	vshll.u32 v15, $0x6  }
0x70: {  	v14 =	vshll.u32 v14, $0x6;
	v13 =	vadd.s32 v16, v13;
	v16 =	vadd.s32 s24, v2  }
0x71: {  	[tilespmem:$0xCC40] =	vst v17;
	v17 =	vadd.s32 s24, v3;
	v15 =	vadd.s32 $0x1E00, v15;
	v13 =	vadd.s32 v21, v13  }
0x72: {  	v14 =	vadd.s32 $0x2E40, v14;
	[tilespmem:$0xCCE0] =	vst v15;
	v15 =	vadd.s32 s24, v6;
	v13 =	vshll.u32 v13, $0x6  }
0x73: {  	[tilespmem:$0xCD80] =	vst v14;
	v14 =	vadd.s32 s24, v4;
	v13 =	vadd.s32 $0x5200, v13  }
0x74: {  	v18 =	vadd.s32 s24, v8;
	[tilespmem:$0xCE20] =	vst v13  }
0x75: {  	v13 =	vadd.s32 s24, v7;
	v16 =	vld.idx.msk [tilespmem:v16+s13+$0x0], $0xffff  }
0x76: {  	v19 =	vadd.s32 s24, v1;
	v17 =	vld.idx.msk [tilespmem:v17+s13+$0x0], $0xffff  }
0x77: {  	v20 =	vadd.s32 s24, v5;
	v15 =	vld.idx.msk [tilespmem:v15+s13+$0x0], $0xffff  }
0x78: {  	v14 =	vld.idx.msk [tilespmem:v14+s13+$0x0], $0xffff  }
0x79: {  	v21 =	vadd.s32 s24, v9;
	v18 =	vld.idx.msk [tilespmem:v18+s13+$0x0], $0xffff  }
0x7a: {  	v13 =	vld.idx.msk [tilespmem:v13+s13+$0x0], $0xffff  }
0x7b: {  	v19 =	vld.idx.msk [tilespmem:v19+s13+$0x0], $0xffff  }
0x7c: {  	v20 =	vld.idx.msk [tilespmem:v20+s13+$0x0], $0xffff  }
0x7d: {  	v15 =	vmul.u32 $0x7, v15  }
0x7e: {  	v21 =	vld.idx.msk [tilespmem:v21+s13+$0x0], $0xffff;
	v16 =	vmul.u32 $0xD, v16  }
0x7f: {  	v14 =	vmul.u32 $0xB, v14;
	v13 =	vadd.s32 v13, v15  }
0x80: {  	v16 =	vadd.s32 v17, v16;
	v15 =	vmul.u32 $0x3, v18;
	v13 =	vmul.u32 $0x9, v13  }
0x81: {  	s25 =	sadd.s32 $0x360, s20;
	v17 =	vshll.u32 v19, $0x6;
	v14 =	vadd.s32 v20, v14;
	v16 =	vshll.u32 v16, $0x6  }
0x82: {  	v14 =	vshll.u32 v14, $0x6;
	v13 =	vadd.s32 v15, v13;
	v15 =	vadd.s32 s25, v2  }
0x83: {  	[tilespmem:$0xCC50] =	vst v17;
	v17 =	vadd.s32 s25, v3;
	v16 =	vadd.s32 $0x1E00, v16;
	v13 =	vadd.s32 v21, v13  }
0x84: {  	v14 =	vadd.s32 $0x2E40, v14;
	[tilespmem:$0xCCF0] =	vst v16;
	v16 =	vadd.s32 s25, v6;
	v13 =	vshll.u32 v13, $0x6  }
0x85: {  	[tilespmem:$0xCD90] =	vst v14;
	v14 =	vadd.s32 s25, v4;
	v13 =	vadd.s32 $0x5200, v13  }
0x86: {  	v18 =	vadd.s32 s25, v8;
	[tilespmem:$0xCE30] =	vst v13  }
0x87: {  	v13 =	vadd.s32 s25, v7;
	v15 =	vld.idx.msk [tilespmem:v15+s13+$0x0], $0xffff  }
0x88: {  	v19 =	vadd.s32 s25, v1;
	v17 =	vld.idx.msk [tilespmem:v17+s13+$0x0], $0xffff  }
0x89: {  	v20 =	vadd.s32 s25, v5;
	v16 =	vld.idx.msk [tilespmem:v16+s13+$0x0], $0xffff  }
0x8a: {  	v14 =	vld.idx.msk [tilespmem:v14+s13+$0x0], $0xffff  }
0x8b: {  	v21 =	vadd.s32 s25, v9;
	v18 =	vld.idx.msk [tilespmem:v18+s13+$0x0], $0xffff  }
0x8c: {  	v13 =	vld.idx.msk [tilespmem:v13+s13+$0x0], $0xffff  }
0x8d: {  	v19 =	vld.idx.msk [tilespmem:v19+s13+$0x0], $0xffff  }
0x8e: {  	v20 =	vld.idx.msk [tilespmem:v20+s13+$0x0], $0xffff  }
0x8f: {  	v16 =	vmul.u32 $0x7, v16  }
0x90: {  	v21 =	vld.idx.msk [tilespmem:v21+s13+$0x0], $0xffff;
	v15 =	vmul.u32 $0xD, v15  }
0x91: {  	v14 =	vmul.u32 $0xB, v14;
	v13 =	vadd.s32 v13, v16  }
0x92: {  	v15 =	vadd.s32 v17, v15;
	v16 =	vmul.u32 $0x3, v18;
	v13 =	vmul.u32 $0x9, v13  }
0x93: {  	s26 =	sadd.s32 $0x3F0, s20;
	v17 =	vshll.u32 v19, $0x6;
	v14 =	vadd.s32 v20, v14;
	v15 =	vshll.u32 v15, $0x6  }
0x94: {  	v14 =	vshll.u32 v14, $0x6;
	v13 =	vadd.s32 v16, v13;
	v16 =	vadd.s32 s26, v2  }
0x95: {  	[tilespmem:$0xCC60] =	vst v17;
	v17 =	vadd.s32 s26, v3;
	v15 =	vadd.s32 $0x1E00, v15;
	v13 =	vadd.s32 v21, v13  }
0x96: {  	v14 =	vadd.s32 $0x2E40, v14;
	[tilespmem:$0xCD00] =	vst v15;
	v15 =	vadd.s32 s26, v6;
	v13 =	vshll.u32 v13, $0x6  }
0x97: {  	[tilespmem:$0xCDA0] =	vst v14;
	v14 =	vadd.s32 s26, v4;
	v13 =	vadd.s32 $0x5200, v13  }
0x98: {  	v18 =	vadd.s32 s26, v8;
	[tilespmem:$0xCE40] =	vst v13  }
0x99: {  	v13 =	vadd.s32 s26, v7;
	v16 =	vld.idx.msk [tilespmem:v16+s13+$0x0], $0xffff  }
0x9a: {  	v19 =	vadd.s32 s26, v1;
	v17 =	vld.idx.msk [tilespmem:v17+s13+$0x0], $0xffff  }
0x9b: {  	v20 =	vadd.s32 s26, v5;
	v15 =	vld.idx.msk [tilespmem:v15+s13+$0x0], $0xffff  }
0x9c: {  	v14 =	vld.idx.msk [tilespmem:v14+s13+$0x0], $0xffff  }
0x9d: {  	v21 =	vadd.s32 s26, v9;
	v18 =	vld.idx.msk [tilespmem:v18+s13+$0x0], $0xffff  }
0x9e: {  	v13 =	vld.idx.msk [tilespmem:v13+s13+$0x0], $0xffff  }
0x9f: {  	v19 =	vld.idx.msk [tilespmem:v19+s13+$0x0], $0xffff  }
0xa0: {  	v20 =	vld.idx.msk [tilespmem:v20+s13+$0x0], $0xffff  }
0xa1: {  	v15 =	vmul.u32 $0x7, v15  }
0xa2: {  	v21 =	vld.idx.msk [tilespmem:v21+s13+$0x0], $0xffff;
	v16 =	vmul.u32 $0xD, v16  }
0xa3: {  	v14 =	vmul.u32 $0xB, v14;
	v13 =	vadd.s32 v13, v15  }
0xa4: {  	v16 =	vadd.s32 v17, v16;
	v15 =	vmul.u32 $0x3, v18;
	v13 =	vmul.u32 $0x9, v13  }
0xa5: {  	s28 =	sadd.s32 $0x480, s20;
	v17 =	vshll.u32 v19, $0x6;
	v14 =	vadd.s32 v20, v14;
	v16 =	vshll.u32 v16, $0x6  }
0xa6: {  	v14 =	vshll.u32 v14, $0x6;
	v13 =	vadd.s32 v15, v13;
	v15 =	vadd.s32 s28, v2  }
0xa7: {  	[tilespmem:$0xCC70] =	vst v17;
	v17 =	vadd.s32 s28, v3;
	v16 =	vadd.s32 $0x1E00, v16;
	v13 =	vadd.s32 v21, v13  }
0xa8: {  	v14 =	vadd.s32 $0x2E40, v14;
	[tilespmem:$0xCD10] =	vst v16;
	v16 =	vadd.s32 s28, v6;
	v13 =	vshll.u32 v13, $0x6  }
0xa9: {  	[tilespmem:$0xCDB0] =	vst v14;
	v14 =	vadd.s32 s28, v4;
	v13 =	vadd.s32 $0x5200, v13  }
0xaa: {  	v18 =	vadd.s32 s28, v8;
	[tilespmem:$0xCE50] =	vst v13  }
0xab: {  	v13 =	vadd.s32 s28, v7;
	v15 =	vld.idx.msk [tilespmem:v15+s13+$0x0], $0xffff  }
0xac: {  	v19 =	vadd.s32 s28, v1;
	v17 =	vld.idx.msk [tilespmem:v17+s13+$0x0], $0xffff  }
0xad: {  	v20 =	vadd.s32 s28, v5;
	v16 =	vld.idx.msk [tilespmem:v16+s13+$0x0], $0xffff  }
0xae: {  	v14 =	vld.idx.msk [tilespmem:v14+s13+$0x0], $0xffff  }
0xaf: {  	v21 =	vadd.s32 s28, v9;
	v18 =	vld.idx.msk [tilespmem:v18+s13+$0x0], $0xffff  }
0xb0: {  	v13 =	vld.idx.msk [tilespmem:v13+s13+$0x0], $0xffff  }
0xb1: {  	v19 =	vld.idx.msk [tilespmem:v19+s13+$0x0], $0xffff  }
0xb2: {  	v20 =	vld.idx.msk [tilespmem:v20+s13+$0x0], $0xffff  }
0xb3: {  	v16 =	vmul.u32 $0x7, v16  }
0xb4: {  	v21 =	vld.idx.msk [tilespmem:v21+s13+$0x0], $0xffff;
	v15 =	vmul.u32 $0xD, v15  }
0xb5: {  	v14 =	vmul.u32 $0xB, v14;
	v13 =	vadd.s32 v13, v16  }
0xb6: {  	v15 =	vadd.s32 v17, v15;
	v16 =	vmul.u32 $0x3, v18;
	v13 =	vmul.u32 $0x9, v13  }
0xb7: {  	s20 =	sadd.s32 $0x510, s20;
	v17 =	vshll.u32 v19, $0x6;
	v14 =	vadd.s32 v20, v14;
	v15 =	vshll.u32 v15, $0x6  }
0xb8: {  	v14 =	vshll.u32 v14, $0x6;
	v13 =	vadd.s32 v16, v13;
	v16 =	vadd.s32 s20, v2  }
0xb9: {  	[tilespmem:$0xCC80] =	vst v17;
	v17 =	vadd.s32 s20, v3;
	v15 =	vadd.s32 $0x1E00, v15;
	v13 =	vadd.s32 v21, v13  }
0xba: {  	v14 =	vadd.s32 $0x2E40, v14;
	[tilespmem:$0xCD20] =	vst v15;
	v15 =	vadd.s32 s20, v6;
	v13 =	vshll.u32 v13, $0x6  }
0xbb: {  	[tilespmem:$0xCDC0] =	vst v14;
	v14 =	vadd.s32 s20, v4;
	v13 =	vadd.s32 $0x5200, v13  }
0xbc: {  	v18 =	vadd.s32 s20, v8;
	[tilespmem:$0xCE60] =	vst v13  }
0xbd: {  	v13 =	vadd.s32 s20, v7;
	v16 =	vld.idx.msk [tilespmem:v16+s13+$0x0], $0xffff  }
0xbe: {  	v19 =	vadd.s32 s20, v1;
	v17 =	vld.idx.msk [tilespmem:v17+s13+$0x0], $0xffff  }
0xbf: {  	v20 =	vadd.s32 s20, v5;
	v15 =	vld.idx.msk [tilespmem:v15+s13+$0x0], $0xffff  }
0xc0: {  	v14 =	vld.idx.msk [tilespmem:v14+s13+$0x0], $0xffff  }
0xc1: {  	v21 =	vadd.s32 s20, v9;
	v18 =	vld.idx.msk [tilespmem:v18+s13+$0x0], $0xffff  }
0xc2: {  	v13 =	vld.idx.msk [tilespmem:v13+s13+$0x0], $0xffff  }
0xc3: {  	v19 =	vld.idx.msk [tilespmem:v19+s13+$0x0], $0xffff  }
0xc4: {  	v20 =	vld.idx.msk [tilespmem:v20+s13+$0x0], $0xffff  }
0xc5: {  	v15 =	vmul.u32 $0x7, v15  }
0xc6: {  	v21 =	vld.idx.msk [tilespmem:v21+s13+$0x0], $0xffff  }
0xc7: {  	v16 =	vmul.u32 $0xD, v16;
	v14 =	vmul.u32 $0xB, v14;
	v13 =	vadd.s32 v13, v15  }
0xc8: {  	v15 =	vmul.u32 $0x3, v18;
	v13 =	vmul.u32 $0x9, v13  }
0xc9: {  	s29 =	simm.s32 $0x0;
	v16 =	vadd.s32 v17, v16;
	v17 =	vshll.u32 v19, $0x6;
	v14 =	vadd.s32 v20, v14  }
0xca: {  	v16 =	vshll.u32 v16, $0x6;
	v13 =	vadd.s32 v15, v13;
	v15 =	vmov s29  }
0xcb: {  	[tilespmem:$0xCC90] =	vst v17;
	v14 =	vshll.u32 v14, $0x6;
	v16 =	vadd.s32 $0x1E00, v16;
	v13 =	vadd.s32 v21, v13  }
0xcc: {  	v14 =	vadd.s32 $0x2E40, v14;
	[tilespmem:$0xCD30] =	vst v16;
	v16 =	vadd.s32 $0xA0, v15;
	v13 =	vshll.u32 v13, $0x6  }
0xcd: {  	[tilespmem:$0xCDD0] =	vst v14;
	v13 =	vadd.s32 $0x5200, v13  }
0xce: {  	v14 =	vadd.s32 $0x1E0, v15;
	[tilespmem:$0xCE70] =	vst v13  }
0xcf: {  	s30 =	simm.s32 $0x1;
	v13 =	vadd.s32 $0x140, v15;
	v18 =	vld.idx.msk [tilespmem:v15+s15+$0x0], $0xffff  }
0xd0: {  	v15 =	vmov s30  }
0xd1: {  	v16 =	vld.idx.msk [tilespmem:v16+s15+$0x0], $0xffff;
	v17 =	vadd.s32 $0x1E0, v15  }
0xd2: {  	v19 =	vadd.s32 $0x140, v15  }
0xd3: {  	v20 =	vadd.s32 $0xA0, v15;
	v14 =	vld.idx.msk [tilespmem:v14+s15+$0x0], $0xffff  }
0xd4: {  	v13 =	vld.idx.msk [tilespmem:v13+s15+$0x0], $0xffff;
	v21 =	vadd.s32 v0, v18  }
0xd5: {  	v23 =	vld.idx.msk [tilespmem:v15+s15+$0x0], $0xffff;
	v22 =	vadd.s32 v12, v18  }
0xd6: {  	v24 =	vld.idx.msk [tilespmem:v17+s15+$0x0], $0xffff;
	v25 =	vadd.s32 v12, v16  }
0xd7: {  	v17 =	vld.idx.msk [tilespmem:v19+s15+$0x0], $0xffff;
	v19 =	vadd.s32 v10, v18  }
0xd8: {  	v15 =	vld.idx.msk [tilespmem:v20+s15+$0x0], $0xffff;
	v18 =	vadd.s32 v11, v18  }
0xd9: {  	v28 =	vadd.s32 v11, v14;
	v29 =	vld.idx.msk [tilespmem:v21+s3+$0x0], $0xffff  }
0xda: {  	v34 =	vadd.s32 v0, v16;
	v21 =	vld.idx.msk [tilespmem:v22+s3+$0x0], $0xffff  }
0xdb: {  	v20 =	vadd.s32 v12, v13;
	v25 =	vld.idx.msk [tilespmem:v25+s3+$0x0], $0xffff  }
0xdc: {  	v26 =	vadd.s32 v0, v14;
	v30 =	vld.idx.msk [tilespmem:v19+s3+$0x0], $0xffff  }
0xdd: {  	v32 =	vadd.s32 v10, v13;
	v31 =	vld.idx.msk [tilespmem:v18+s3+$0x0], $0xffff  }
0xde: {  	v33 =	vadd.s32 v11, v13;
	v22 =	vadd.s32 v12, v14;
	v18 =	vadd.s32 v0, v13;
	v13 =	vld.idx.msk [tilespmem:v28+s3+$0x0], $0xffff  }
0xdf: {  	v19 =	vadd.s32 v10, v14;
	v34 =	vld.idx.msk [tilespmem:v34+s3+$0x0], $0xffff  }
0xe0: {  	v60 =	vadd.s32 v12, v23;
	v27 =	vld.idx.msk [tilespmem:v20+s3+$0x0], $0xffff  }
0xe1: {  	v20 =	vld.idx.msk [tilespmem:v26+s3+$0x0], $0xffff  }
0xe2: {  	s31 =	simm.s32 $0x2;
	v44 =	vld.idx.msk [tilespmem:v32+s3+$0x0], $0xffff  }
0xe3: {  	v37 =	vmov s31;
	v48 =	vadd.s32 v12, v15;
	v22 =	vld.idx.msk [tilespmem:v22+s3+$0x0], $0xffff  }
0xe4: {  	v58 =	vadd.s32 $0x1E0, v37;
	v14 =	vld.idx.msk [tilespmem:v19+s3+$0x0], $0xffff;
	v19 =	vadd.s32 v10, v16  }
0xe5: {  	v38 =	vadd.s32 $0x140, v37;
	v52 =	vadd.s32 v12, v17;
	v32 =	vld.idx.msk [tilespmem:v60+s3+$0x0], $0xffff;
	v16 =	vadd.s32 v11, v16  }
0xe6: {  	v35 =	vshll.u32 v29, $0x10;
	v26 =	vshll.u32 v21, $0x10;
	v28 =	vshll.u32 v25, $0x10;
	v43 =	vld.idx.msk [tilespmem:v18+s3+$0x0], $0xffff  }
0xe7: {  	v29 =	vadd.f32 v34, v29;
	v34 =	vshll.u32 v34, $0x10;
	v18 =	vadd.f32 v28, v26;
	v26 =	vld.idx.msk [tilespmem:v33+s3+$0x0], $0xffff  }
0xe8: {  	v40 =	vadd.s32 $0xA0, v37;
	v45 =	vadd.s32 v0, v23;
	v35 =	vadd.f32 v34, v35;
	v34 =	vld.idx.msk [tilespmem:v48+s3+$0x0], $0xffff  }
0xe9: {  	v50 =	vadd.s32 v10, v23;
	v62 =	vadd.s32 v11, v23;
	v21 =	vadd.f32 v25, v21;
	v41 =	vld.idx.msk [tilespmem:v19+s3+$0x0], $0xffff  }
0xea: {  	v36 =	vshll.u32 v30, $0x10;
	v59 =	vshll.u32 v31, $0x10;
	v25 =	vshll.u32 v27, $0x10;
	v46 =	vld.idx.msk [tilespmem:v16+s3+$0x0], $0xffff  }
0xeb: {  	s20 =	simm.s32 $0x1;
	v33 =	vld.idx.msk [tilespmem:v52+s3+$0x0], $0xffff;
	v39 =	vadd.f32 v27, v21;
	v27 =	vshll.u32 v20, $0x10;
	v49 =	vshll.u32 v44, $0x10  }
0xec: {  	s20 =	simm.s32 @!p0 $0x0;
	v18 =	vadd.f32 v25, v18;
	v21 =	vshll.u32 v22, $0x10;
	v25 =	vld.idx.msk [tilespmem:v37+s15+$0x0], $0xffff;
	v37 =	vadd.s32 v10, v24  }
0xed: {  	s20 =	smul.u32 $0x14000, s20;
	v28 =	vshll.u32 v14, $0x10;
	v47 =	vshll.u32 v43, $0x10;
	v16 =	vld.idx.msk [tilespmem:v38+s15+$0x0], $0xffff;
	v61 =	vadd.f32 v22, v39  }
0xee: {  	v19 =	vld.idx.msk [tilespmem:v40+s15+$0x0], $0xffff;
	v38 =	vadd.s32 v12, v24;
	v42 =	vadd.f32 v21, v18;
	v23 =	vshll.u32 v41, $0x10  }
0xef: {  	s20 =	sshrl.u32 s20, $0x2;
	v22 =	vld.idx.msk [tilespmem:v45+s3+$0x0], $0xffff;
	v40 =	vadd.f32 v47, v35;
	v36 =	vadd.f32 v23, v36;
	v23 =	vshll.u32 v46, $0x10  }
0xf0: {  	s20 =	sadd.s32 $0xCEC0, s20;
	v39 =	vadd.s32 v0, v24;
	v18 =	vld.idx.msk [tilespmem:v58+s15+$0x0], $0xffff;
	v63 =	vadd.f32 v41, v30;
	v30 =	vadd.f32 v23, v59  }
0xf1: {  	v51 =	vshll.u32 v26, $0x10;
	v35 =	vadd.s32 v11, v24;
	v24 =	vld.idx.msk [tilespmem:v62+s3+$0x0], $0xffff;
	[tilespmem:s20+$0x30] =	vst v42;
	v42 =	vadd.f32 v46, v31  }
0xf2: {  	v21 =	vshll.u32 v13, $0x10;
	v23 =	vld.idx.msk [tilespmem:v50+s3+$0x0], $0xffff;
	v41 =	vadd.f32 v49, v36;
	v31 =	vadd.f32 v51, v30  }
0xf3: {  	s22 =	simm.s32 $0x3;
	s21 =	smov.u32 s20;
	[tilespmem:s20+$0xFFFFFFF0] =	vst v61;
	v36 =	vadd.s32 v0, v17;
	v30 =	vadd.f32 v43, v29;
	v29 =	vadd.f32 v44, v63  }
.LBB2_3:
0xf4: {  	p1 =	sne.s32 s22, $0x9F;
	v43 =	vshll.u32 v22, $0x10;
	v44 =	vadd.s32 v10, v17;
	v38 =	vld.idx.msk [tilespmem:v38+s3+$0x0], $0xffff;
	v42 =	vadd.f32 v26, v42;
	v45 =	vmovc v14  }
0xf5: {  	v26 =	vadd.s32 v11, v17;
	v17 =	vadd.f32 v27, v40;
	v27 =	vadd.f32 v28, v41;
	v39 =	vld.idx.msk [tilespmem:v39+s3+$0x0], $0xffff  }
0xf6: {  	v28 =	vshll.u32 v32, $0x10;
	v40 =	vadd.s32 v0, v15;
	v46 =	vmovc v25;
	v41 =	vshll.u32 v34, $0x10;
	v14 =	vld.idx.msk [tilespmem:v37+s3+$0x0], $0xffff;
	v37 =	vmovc v13  }
0xf7: {  	v25 =	vadd.s32 v10, v15;
	v47 =	vshll.u32 v23, $0x10;
	v28 =	vadd.f32 v41, v28;
	v13 =	vld.idx.msk [tilespmem:v35+s3+$0x0], $0xffff;
	[tilespmem:s20+$0x0] =	vst v17  }
0xf8: {  	v49 =	vadd.f32 v34, v32;
	v35 =	vadd.s32 v11, v15;
	v34 =	vshll.u32 v33, $0x10;
	v48 =	vld.idx.msk [tilespmem:v36+s3+$0x0], $0xffff;
	[tilespmem:s20+$0x10] =	vst v27  }
0xf9: {  	v32 =	vmov s22;
	v36 =	vshll.u32 v24, $0x10;
	v28 =	vadd.f32 v34, v28;
	v41 =	vmovc v18;
	v17 =	vmovc v16;
	v44 =	vld.idx.msk [tilespmem:v44+s3+$0x0], $0xffff  }
0xfa: {  	v33 =	vadd.f32 v33, v49;
	v15 =	vmovc v19;
	v16 =	vadd.s32 $0x1E0, v32;
	v18 =	vshll.u32 v38, $0x10;
	v26 =	vld.idx.msk [tilespmem:v26+s3+$0x0], $0xffff  }
0xfb: {  	v19 =	vadd.s32 $0x140, v32;
	v27 =	vshll.u32 v39, $0x10;
	v18 =	vadd.f32 v18, v28;
	v34 =	vld.idx.msk [tilespmem:v40+s3+$0x0], $0xffff  }
0xfc: {  	v31 =	vadd.f32 v21, v31;
	s20 =	sadd.s32 $0x80, s20;
	v40 =	vadd.s32 $0xA0, v32;
	v28 =	vshll.u32 v14, $0x10;
	v49 =	vld.idx.msk [tilespmem:v25+s3+$0x0], $0xffff  }
0xfd: {  	v50 =	vadd.s32 v0, v46;
	v20 =	vadd.f32 v20, v30;
	v21 =	vshll.u32 v13, $0x10;
	v35 =	vld.idx.msk [tilespmem:v35+s3+$0x0], $0xffff;
	[tilespmem:s20+$0x30] =	vst v18  }
0xfe: {  	v30 =	vadd.s32 v12, v46;
	v29 =	vadd.f32 v45, v29;
	v51 =	vshll.u32 v48, $0x10;
	v25 =	vld.idx.msk [tilespmem:v32+s15+$0x0], $0xffff;
	[tilespmem:s21+$0x20] =	vst v31  }
0xff: {  	v31 =	vadd.s32 v12, v15;
	v45 =	vshll.u32 v44, $0x10;
	v32 =	vadd.f32 v37, v42;
	v18 =	vld.idx.msk [tilespmem:v16+s15+$0x0], $0xffff;
	[tilespmem:s21+$0xFFFFFFC0] =	vst v20  }
0x100: {  	v37 =	vadd.s32 v10, v46;
	v42 =	vadd.f32 v38, v33;
	v52 =	vshll.u32 v26, $0x10;
	v16 =	vld.idx.msk [tilespmem:v19+s15+$0x0], $0xffff;
	[tilespmem:s21+$0xFFFFFFD0] =	vst v29  }
0x101: {  	v29 =	vadd.s32 v12, v17;
	v33 =	vshll.u32 v34, $0x10;
	v53 =	vadd.f32 v34, v22;
	v19 =	vld.idx.msk [tilespmem:v40+s15+$0x0], $0xffff;
	[tilespmem:s21+$0xFFFFFFE0] =	vst v32;
	s21 =	smov.u32 s20  }
0x102: {  	v46 =	vadd.s32 v11, v46;
	v33 =	vadd.f32 v33, v43;
	v34 =	vshll.u32 v49, $0x10;
	v22 =	vld.idx.msk [tilespmem:v50+s3+$0x0], $0xffff;
	[tilespmem:s20+$0xFFFFFFF0] =	vst v42  }
.Ltmp0:
0x103: {  	v38 =	vadd.s32 v12, v41;
	v20 =	vmovc v39;
	v40 =	vshll.u32 v35, $0x10;
	v32 =	vld.idx.msk [tilespmem:v30+s3+$0x0], $0xffff;
	v30 =	vadd.f32 v34, v47;
	(pc) =	sbr.rel @p1 .LBB2_3-.Ltmp0, $4  }
0x104: {  	v39 =	vadd.s32 v0, v41;
	v43 =	vadd.f32 v49, v23;
	v34 =	vld.idx.msk [tilespmem:v31+s3+$0x0], $0xffff;
	v31 =	vadd.f32 v40, v36  }
0x105: {  	v42 =	vadd.f32 v35, v24;
	v40 =	vadd.f32 v51, v33;
	v23 =	vld.idx.msk [tilespmem:v37+s3+$0x0], $0xffff;
	v37 =	vadd.s32 v10, v41  }
0x106: {  	v35 =	vadd.s32 v11, v41;
	v41 =	vadd.f32 v45, v30;
	v33 =	vld.idx.msk [tilespmem:v29+s3+$0x0], $0xffff;
	v31 =	vadd.f32 v52, v31  }
0x107: {  	s22 =	sadd.s32 $0x1, s22;
	v36 =	vadd.s32 v0, v17;
	v30 =	vadd.f32 v48, v53;
	v29 =	vadd.f32 v44, v43;
	v24 =	vld.idx.msk [tilespmem:v46+s3+$0x0], $0xffff  }
0x108: {  	_ =	sdelay $0x3  }
0x109: {  	v38 =	vld.idx.msk [tilespmem:v38+s3+$0x0], $0xffff;
	v53 =	vadd.s32 v0, v15  }
0x10a: {  	v39 =	vld.idx.msk [tilespmem:v39+s3+$0x0], $0xffff;
	v46 =	vadd.s32 v10, v15  }
0x10b: {  	v43 =	vshll.u32 v22, $0x10;
	v26 =	vadd.f32 v26, v42;
	v37 =	vld.idx.msk [tilespmem:v37+s3+$0x0], $0xffff;
	v15 =	vadd.s32 v11, v15  }
0x10c: {  	v44 =	vshll.u32 v32, $0x10;
	v47 =	vadd.s32 v10, v17;
	v27 =	vadd.f32 v27, v40;
	v36 =	vld.idx.msk [tilespmem:v36+s3+$0x0], $0xffff  }
0x10d: {  	v28 =	vadd.f32 v28, v41;
	v56 =	vadd.s32 v11, v17;
	v14 =	vadd.f32 v14, v29;
	v29 =	vld.idx.msk [tilespmem:v35+s3+$0x0], $0xffff  }
0x10e: {  	v21 =	vadd.f32 v21, v31;
	v62 =	vadd.s32 v0, v25;
	v63 =	vadd.s32 v12, v25;
	v42 =	vld.idx.msk [tilespmem:v53+s3+$0x0], $0xffff  }
0x10f: {  	v48 =	vadd.s32 v12, v19;
	v49 =	vadd.s32 v10, v25;
	v50 =	vadd.s32 v12, v16;
	v61 =	vld.idx.msk [tilespmem:v46+s3+$0x0], $0xffff  }
0x110: {  	v45 =	vshll.u32 v34, $0x10;
	v57 =	vadd.f32 v34, v32;
	v20 =	vadd.f32 v20, v30;
	v15 =	vld.idx.msk [tilespmem:v15+s3+$0x0], $0xffff  }
0x111: {  	v54 =	vadd.f32 v45, v44;
	v59 =	vshll.u32 v23, $0x10;
	v13 =	vadd.f32 v13, v26;
	v46 =	vld.idx.msk [tilespmem:v47+s3+$0x0], $0xffff  }
0x112: {  	v55 =	vshll.u32 v33, $0x10;
	v32 =	vadd.f32 v33, v57;
	v57 =	vadd.s32 v12, v18;
	v17 =	vld.idx.msk [tilespmem:v56+s3+$0x0], $0xffff  }
0x113: {  	v58 =	vadd.f32 v55, v54;
	v41 =	vshll.u32 v24, $0x10;
	v60 =	vshll.u32 v38, $0x10;
	v31 =	vld.idx.msk [tilespmem:v62+s3+$0x0], $0xffff  }
0x114: {  	v33 =	vshll.u32 v39, $0x10;
	v45 =	vshll.u32 v37, $0x10;
	v56 =	vadd.s32 v11, v25;
	v35 =	vld.idx.msk [tilespmem:v48+s3+$0x0], $0xffff  }
0x115: {  	v32 =	vadd.f32 v38, v32;
	v55 =	vshll.u32 v36, $0x10;
	v26 =	vld.idx.msk [tilespmem:v49+s3+$0x0], $0xffff;
	v62 =	vadd.s32 v10, v18  }
0x116: {  	v38 =	vld.idx.msk [tilespmem:v50+s3+$0x0], $0xffff;
	v48 =	vadd.s32 v0, v16;
	v50 =	vadd.s32 v0, v19;
	v34 =	vadd.f32 v60, v58  }
0x117: {  	v60 =	vadd.s32 v0, v18;
	v49 =	vshll.u32 v29, $0x10;
	v18 =	vadd.s32 v11, v18  }
0x118: {  	v30 =	vld.idx.msk [tilespmem:v63+s3+$0x0], $0xffff;
	v51 =	vshll.u32 v42, $0x10;
	v52 =	vadd.f32 v42, v22;
	v54 =	vshll.u32 v61, $0x10  }
0x119: {  	v58 =	vadd.f32 v61, v23;
	v61 =	vshll.u32 v46, $0x10;
	v63 =	vshll.u32 v17, $0x10;
	v25 =	vld.idx.msk [tilespmem:v56+s3+$0x0], $0xffff  }
0x11a: {  	v56 =	vshll.u32 v35, $0x10;
	v47 =	vld.idx.msk [tilespmem:v62+s3+$0x0], $0xffff;
	v62 =	vshll.u32 v26, $0x10;
	v53 =	vadd.f32 v51, v43  }
0x11b: {  	[tilespmem:s20+$0x0] =	vst v27;
	v40 =	vadd.f32 v54, v59;
	v59 =	vshll.u32 v15, $0x10;
	v15 =	vadd.f32 v15, v24  }
0x11c: {  	s28 =	sadd.s32 $0x80, s20;
	[tilespmem:s20+$0x10] =	vst v28;
	v51 =	vld.idx.msk [tilespmem:v57+s3+$0x0], $0xffff;
	v54 =	vadd.s32 v11, v19;
	v57 =	vshll.u32 v31, $0x10;
	v41 =	vadd.f32 v59, v41  }
0x11d: {  	[tilespmem:s28+$0x30] =	vst v34;
	v22 =	vadd.f32 v36, v52;
	v52 =	vadd.s32 v10, v19;
	v23 =	vadd.f32 v46, v58  }
0x11e: {  	v34 =	vld.idx.msk [tilespmem:v48+s3+$0x0], $0xffff;
	v58 =	vadd.s32 v11, v16;
	v42 =	vadd.f32 v55, v53;
	v24 =	vadd.f32 v61, v40  }
0x11f: {  	[tilespmem:s21+$0x20] =	vst v21;
	v15 =	vadd.f32 v17, v15;
	v55 =	vshll.u32 v30, $0x10;
	v30 =	vadd.f32 v35, v30;
	v61 =	vld.idx.msk [tilespmem:v50+s3+$0x0], $0xffff  }
0x120: {  	[tilespmem:s21+$0xFFFFFFC0] =	vst v20;
	v44 =	vld.idx.msk [tilespmem:v60+s3+$0x0], $0xffff;
	v60 =	vshll.u32 v38, $0x10;
	v27 =	vadd.f32 v63, v41;
	v17 =	vadd.f32 v56, v55  }
0x121: {  	[tilespmem:s21+$0xFFFFFFD0] =	vst v14;
	v53 =	vadd.s32 v10, v16;
	v23 =	vadd.f32 v37, v23;
	v59 =	vadd.f32 v33, v42  }
0x122: {  	[tilespmem:s21+$0xFFFFFFE0] =	vst v13;
	v14 =	vadd.f32 v45, v24;
	v13 =	vshll.u32 v25, $0x10;
	v30 =	vadd.f32 v38, v30;
	v19 =	vld.idx.msk [tilespmem:v54+s3+$0x0], $0xffff  }
0x123: {  	[tilespmem:s28+$0xFFFFFFF0] =	vst v32;
	v17 =	vadd.f32 v60, v17;
	v45 =	vshll.u32 v51, $0x10;
	v27 =	vadd.f32 v49, v27;
	v63 =	vld.idx.msk [tilespmem:v52+s3+$0x0], $0xffff  }
0x124: {  	v16 =	vld.idx.msk [tilespmem:v58+s3+$0x0], $0xffff;
	[tilespmem:s28+$0x10] =	vst v14;
	v14 =	vadd.f32 v29, v15;
	v15 =	vadd.f32 v51, v30;
	v51 =	vshll.u32 v61, $0x10  }
0x125: {  	v18 =	vld.idx.msk [tilespmem:v18+s3+$0x0], $0xffff;
	v50 =	vshll.u32 v34, $0x10;
	[tilespmem:s28+$0xFFFFFFD0] =	vst v23;
	v52 =	vadd.f32 v61, v31;
	v21 =	vadd.f32 v51, v57  }
0x126: {  	s29 =	sadd.s32 $0x80, s28;
	v48 =	vshll.u32 v44, $0x10;
	v49 =	vadd.f32 v39, v22;
	[tilespmem:s28+$0x0] =	vst v59;
	v46 =	vld.idx.msk [tilespmem:v53+s3+$0x0], $0xffff;
	v17 =	vadd.f32 v45, v17  }
0x127: {  	[tilespmem:s29+$0xFFFFFFF0] =	vst v15;
	v15 =	vadd.f32 v34, v52;
	v54 =	vshll.u32 v19, $0x10;
	v56 =	vadd.f32 v50, v21  }
0x128: {  	[tilespmem:s28+$0x20] =	vst v27;
	v19 =	vadd.f32 v19, v25;
	v53 =	vshll.u32 v63, $0x10;
	v13 =	vadd.f32 v54, v13  }
0x129: {  	[tilespmem:s28+$0xFFFFFFC0] =	vst v49;
	v26 =	vadd.f32 v63, v26;
	v57 =	vshll.u32 v16, $0x10;
	v15 =	vadd.f32 v44, v15  }
0x12a: {  	v60 =	vshll.u32 v18, $0x10;
	[tilespmem:s28+$0xFFFFFFE0] =	vst v14;
	v24 =	vadd.f32 v53, v62;
	v13 =	vadd.f32 v57, v13  }
0x12b: {  	[tilespmem:s29+$0x30] =	vst v17;
	v55 =	vshll.u32 v46, $0x10;
	v14 =	vadd.f32 v48, v56;
	v62 =	vadd.f32 v46, v26  }
0x12c: {  	[tilespmem:s29+$0xFFFFFFC0] =	vst v15;
	v58 =	vadd.f32 v55, v24;
	v13 =	vadd.f32 v60, v13  }
0x12d: {  	s30 =	smul.u32 $0x14000, s18;
	p1 =	sne.s32 s17, s5;
	v59 =	vshll.u32 v47, $0x10;
	[tilespmem:s29+$0x0] =	vst v14;
	v14 =	vadd.f32 v16, v19;
	v63 =	vadd.f32 v47, v62  }
.Ltmp1:
0x12e: {  	v61 =	vadd.f32 v59, v58;
	[tilespmem:s29+$0x20] =	vst v13;
	(pc) =	sbr.rel @p1 .LBB2_2-.Ltmp1, $4  }
0x12f: {  	s19 =	smul.u32 $0xA00, s19;
	v13 =	vadd.f32 v18, v14;
	[tilespmem:s29+$0xFFFFFFD0] =	vst v63  }
0x130: {  	s31 =	sor.u32 $0x2, s18;
	s20 =	sshrl.u32 s30, $0x2;
	[tilespmem:s29+$0x10] =	vst v61  }
0x131: {  	p0 =	por !p0, !p0;
	s19 =	sadd.s32 s2, s19;
	s20 =	sadd.s32 $0xCE80, s20;
	[tilespmem:s29+$0xFFFFFFE0] =	vst v13  }
0x132: {  	[hbm4b:s19+s3] =	stream.linear.scatter [tilespmem:s20], [sflag:s31], $0x5000, $0x38;
	[tilespmem:$0x16E80] =	vst v63  }
0x133: {  	s16 =	sadd.s32 $0x1, s16  }
0x134: {  	_ =	swait.ge [sflag:s9], $0x5000;
	p0 =	sne.s32 s16, s11  }
.Ltmp2:
0x135: {  	[sflag:s9] =	ssyncset.done $0x0;
	(pc) =	sbr.rel @p0 .LBB2_1-.Ltmp2, $4  }
0x136: {  	[sflag:s9] =	ssyncadd.s32 $0xFFFFB000  }
0x137: {  	_ =	swait.ge [sflag:s10], $0x5000  }
0x138: {  	[sflag:s10] =	ssyncset.done $0x0  }
0x139: {  	[sflag:s10] =	ssyncadd.s32 $0xFFFFB000  }
0x13a: {  	_ =	sfence.sel $0x180000  }
0x13b: {  	[bflag:$0x0] =	sbarrier.arrive $0xFFFF  }
0x13c: {  	p0 =	sne.s32 s1, $0x0;
	_ =	strace $0x90000047  }
0x13d: {  	s0 =	sadd.s32 @!p0 $0x100000, s0;
	[bflag:$0x2] =	sbarrier.arrive $0xFFFF  }
0x13e: {  	[sflag:s0] =	ssyncadd.tile.s32 @!p0 $0x1;
	_ =	shalt  }
.Lfunc_end2:
_tile_overlayer_lowered:
.L_overlay_start_2:
0x13f: {  	(tag) =	ssettag $0x2  }
0x140: {  	s0 =	rddreg [dreg:$0x0];
	s2 =	stileid.u32  }
0x141: {  	s1 =	rddreg [dreg:$0x1];
	p0 =	sne.s32 s2, $0x0  }
0x142: {  	s3 =	rddreg [dreg:$0x2];
	[bflag:$0x3] =	sbarrier.arrive $0xFFFF;
	s2 =	simm.s32 @!p0 $0x1C04  }
0x143: {  	[timem:s3], [sflag:s2] =	dma.local @!p0 [hbm:s0], s1  }
0x144: {  	s0 =	simm.s32 @!p0 $0x4  }
0x145: {  	_ =	swait.ge @!p0 [sflag:s0], s1  }
0x146: {  	s1 =	ssub.s32 @!p0 $0x0, s1;
	[sflag:s0] =	ssyncset.done @!p0 $0x0  }
0x147: {  	[sflag:s0] =	ssyncadd.s32 @!p0 s1  }
0x148: {  	[bflag:$0x3] =	sbarrier.arrive $0xFFFF  }
0x149: {  	_ =	shalt  }

</sc_bundles>
